<compile_context>
chip_gen: v7x
topology: tpu7x:2x2x1
jax: 0.10.2.dev20260603
libtpu: 0.0.44.dev20260713+nightly
codegen_flags: <defaults>
</compile_context>

<pallas_src>
import functools

import numpy as np
import jax
import jax.numpy as jnp
from jax import lax
from jax.experimental import pallas as pl
from jax.experimental.pallas import tpu as pltpu
from jax.experimental.pallas import tpu_sc as plsc

_VOCAB = 100000
_HPAD = 100096
_NC, _NS, _L = 2, 16, 16
_NW = _NC * _NS
_ROWS, _COLS = 16384, 200
_N = _ROWS * _COLS
_PER_W = _N // _NW
_CHUNK = 6400
_NCHUNK = _PER_W // _CHUNK
_GROUPS = _CHUNK // _L
_RUNROLL = 1

_CH_ROWS = _CHUNK // _COLS
_ROWS_W = _ROWS // _NW


def _sc_hist_body(rec_hbm, out_hbm, hist, buf0, buf1, sem0, sem1):
    wid = lax.axis_index("s") * _NC + lax.axis_index("c")
    base_row = wid * _ROWS_W
    bufs, sems = (buf0, buf1), (sem0, sem1)

    pending = pltpu.async_copy(
        rec_hbm.at[pl.ds(base_row, _CH_ROWS), :], bufs[0], sems[0]
    )

    zeros = jnp.zeros((_L,), jnp.int32)

    def _zero(i, carry):
        hist[pl.ds(i * _L, _L)] = zeros
        return carry

    lax.fori_loop(0, _HPAD // _L, _zero, 0, unroll=8)

    ones = jnp.ones((_L,), jnp.int32)
    _himask = jnp.arange(_L, dtype=jnp.int32) >= _L - _COLS % _L
    for c in range(_NCHUNK):
        cur = pending
        if c + 1 < _NCHUNK:
            pending = pltpu.async_copy(
                rec_hbm.at[pl.ds(base_row + (c + 1) * _CH_ROWS, _CH_ROWS), :],
                bufs[(c + 1) % 2],
                sems[(c + 1) % 2],
            )
        cur.wait()
        buf = bufs[c % 2]

        def _rows(r0, carry2):
            for r in range(_RUNROLL):
                idxs = [buf[r0 + r, pl.ds(g * _L, _L)] for g in range(12)]
                tail = buf[r0 + r, pl.ds(_COLS - _L, _L)]
                for idx in idxs:
                    plsc.addupdate_scatter(hist, [idx], ones)
                plsc.addupdate_scatter(hist, [tail], ones, mask=_himask)
            return carry2

        lax.fori_loop(0, _CH_ROWS // _RUNROLL,
                      lambda r, c2: _rows(r * _RUNROLL, c2), 0)

    pltpu.sync_copy(hist, out_hbm.at[wid])


@functools.cache
def _get_sc_hist():
    mesh = plsc.VectorSubcoreMesh(
        core_axis_name="c", subcore_axis_name="s", num_cores=_NC, num_subcores=_NS
    )
    return pl.kernel(
        _sc_hist_body,
        mesh=mesh,
        compiler_params=pltpu.CompilerParams(needs_layout_passes=False),
        out_type=jax.ShapeDtypeStruct((_NW, _HPAD), jnp.int32),
        scratch_types=[
            pltpu.VMEM((_HPAD,), jnp.int32),
            pltpu.VMEM((_CH_ROWS, _COLS), jnp.int32),
            pltpu.VMEM((_CH_ROWS, _COLS), jnp.int32),
            pltpu.SemaphoreType.DMA,
            pltpu.SemaphoreType.DMA,
        ],
    )


_BLKW = 50048
_NBLK = _HPAD // _BLKW


def _tc_entropy(part_ref, out_ref, acc_ref):
    i = pl.program_id(0)

    @pl.when(i == 0)
    def _():
        acc_ref[0] = 0.0
        acc_ref[1] = 0.0

    c = jnp.sum(part_ref[...], axis=0, keepdims=True).astype(jnp.float32)
    mask = c > 0.0
    safe = jnp.where(mask, c, 1.0)
    acc_ref[0] += jnp.sum(safe * jnp.log(safe))
    acc_ref[1] += jnp.sum(mask.astype(jnp.float32))

    @pl.when(i == _NBLK - 1)
    def _():
        s = acc_ref[0]
        nnz = acc_ref[1]
        logn = np.float32(np.log(float(_N)))
        actual = logn - s / np.float32(_N)
        out_ref[0, 0] = actual / jnp.log(nnz)


_tc_call = pl.pallas_call(
    _tc_entropy,
    grid=(_NBLK,),
    in_specs=[pl.BlockSpec((_NW, _BLKW), lambda i: (0, i))],
    out_specs=pl.BlockSpec(memory_space=pltpu.SMEM),
    out_shape=jax.ShapeDtypeStruct((1, 1), jnp.float32),
    scratch_shapes=[pltpu.SMEM((2,), jnp.float32)],
)


def kernel(recommendations):
    partials = _get_sc_hist()(recommendations)
    out = _tc_call(partials)
    return out[0, 0]

# --- scband reference (transcript-rebuilt; emitter-appended) ---
"""Pipeline reference for scband-entropy-diversity-score-22780506538234 (READ-ONLY COPY).

The authoritative reference and input builder live on the scoring server;
editing this copy changes nothing except your own understanding.
"""

import jax, jax.numpy as jnp
import numpy as np

VOCAB = 100000

def setup_inputs(seed: int = 0) -> dict:
    key = jax.random.key(seed)
    recommendations = jax.random.randint(key, (16384, 200), 0, VOCAB, dtype=jnp.int32)
    return {"recommendations": recommendations}

def reference(recommendations) -> jnp.ndarray:
    # torch.unique(recommendations, return_counts=True) -> counts of each distinct id.
    # Equivalent dense-histogram formulation: bincount over the full id range, then
    # restrict all reductions to nonzero bins (the 'unique' values).
    flat = recommendations.ravel()
    counts_all = jnp.bincount(flat, length=VOCAB)
    mask = counts_all > 0
    total = counts_all.sum()
    probabilities = counts_all / total  # float32, zero where count==0
    safe_p = jnp.where(mask, probabilities, 1.0)
    plogp = jnp.where(mask, probabilities * jnp.log(safe_p), 0.0)
    actual = -jnp.sum(plogp)
    n_unique = mask.sum()
    ideal = jnp.log(n_unique.astype(jnp.float32))
    return actual / ideal

if __name__ == "__main__":
    import jax
    _d = setup_inputs()
    print(jax.jit(kernel)(*tuple(_d.values())))

</pallas_src>

<mosaic_0001>
#map = affine_map<(d0, d1) -> (0, 0)>
module attributes {stable_mosaic.version = 14 : i64} {
  func.func @_sc_hist_body(%arg0: i32, %arg1: i32, %arg2: memref<16384x200xi32, #tpu.memory_space<hbm>>, %arg3: memref<32x100096xi32, #tpu.memory_space<hbm>>, %arg4: memref<100096xi32, #tpu.memory_space<vmem>>, %arg5: memref<32x200xi32, #tpu.memory_space<vmem>>, %arg6: memref<32x200xi32, #tpu.memory_space<vmem>>, %arg7: memref<!tpu.dma_semaphore, #tpu.memory_space<semaphore_mem>>, %arg8: memref<!tpu.dma_semaphore, #tpu.memory_space<semaphore_mem>>) attributes {dimension_semantics = [#tpu.dimension_semantics<core_parallel>, #tpu.dimension_semantics<subcore_parallel>], iteration_bounds = array<i64: 2, 16>, scalar_prefetch = 0 : i64, scratch_operands = 5 : i64, tpu.core_type = #tpu.core_type<sc_vector_subcore>, window_params = [{transform_indices = #map}, {transform_indices = #map}]} {
    %mul3A = arith.constant 2 : i32
    %mul3A_0 = arith.muli %arg1, %mul3A : i32
    %add3A = arith.addi %mul3A_0, %arg0 : i32
    %mul3A_1 = arith.constant 512 : i32
    %mul3A_2 = arith.muli %add3A, %mul3A_1 : i32
    %dma_start3A = arith.constant 0 : i32
    %dma_start3A_3 = tpu.memref_slice %arg2[%mul3A_2, %dma_start3A] : memref<16384x200xi32, #tpu.memory_space<hbm>> -> memref<32x200xi32, #tpu.memory_space<hbm>>
    %dma_start3A_4 = arith.constant 0 : i32
    %dma_start3A_5 = tpu.memref_slice %arg2[%mul3A_2, %dma_start3A_4] : memref<16384x200xi32, #tpu.memory_space<hbm>> -> memref<32x200xi32, #tpu.memory_space<hbm>>
    tpu.enqueue_dma source(%dma_start3A_5 : memref<32x200xi32, #tpu.memory_space<hbm>>) target(%arg5 : memref<32x200xi32, #tpu.memory_space<vmem>>) target_semaphore(%arg7 : memref<!tpu.dma_semaphore, #tpu.memory_space<semaphore_mem>>)
    %broadcast_in_dim3A = arith.constant 0 : i32
    %broadcast_in_dim3A_6 = vector.broadcast %broadcast_in_dim3A : i32 to vector<16xi32>
    %scan3A = arith.constant 0 : i32
    %scan3A_7 = arith.constant 0 : i32
    %scan3A_8 = arith.constant 6256 : i32
    %scan3A_9 = arith.addi %scan3A_7, %scan3A_8 : i32
    %scan3A_10 = arith.constant 8 : i32
    scf.for %scan3A_265 = %scan3A_7 to %scan3A_9 step %scan3A_10  : i32 {
      %mul3A_266 = arith.constant 16 : i32
      %mul3A_267 = arith.muli %scan3A_265, %mul3A_266 : i32
      %swap3A = arith.index_cast %mul3A_267 : i32 to index
      %swap3A_268 = tpu.vector_load %arg4[%swap3A] {strides = array<i32>} : memref<100096xi32, #tpu.memory_space<vmem>>, vector<16xi32>,
      tpu.vector_store %arg4[%swap3A], %broadcast_in_dim3A_6 {strides = array<i32>} : memref<100096xi32, #tpu.memory_space<vmem>>, vector<16xi32>,
      %scan3A_269 = arith.constant 1 : i32
      %scan3A_270 = arith.addi %scan3A_265, %scan3A_269 : i32
      %mul3A_271 = arith.constant 16 : i32
      %mul3A_272 = arith.muli %scan3A_270, %mul3A_271 : i32
      %swap3A_273 = arith.index_cast %mul3A_272 : i32 to index
      %swap3A_274 = tpu.vector_load %arg4[%swap3A_273] {strides = array<i32>} : memref<100096xi32, #tpu.memory_space<vmem>>, vector<16xi32>,
      tpu.vector_store %arg4[%swap3A_273], %broadcast_in_dim3A_6 {strides = array<i32>} : memref<100096xi32, #tpu.memory_space<vmem>>, vector<16xi32>,
      %scan3A_275 = arith.constant 2 : i32
      %scan3A_276 = arith.addi %scan3A_265, %scan3A_275 : i32
      %mul3A_277 = arith.constant 16 : i32
      %mul3A_278 = arith.muli %scan3A_276, %mul3A_277 : i32
      %swap3A_279 = arith.index_cast %mul3A_278 : i32 to index
      %swap3A_280 = tpu.vector_load %arg4[%swap3A_279] {strides = array<i32>} : memref<100096xi32, #tpu.memory_space<vmem>>, vector<16xi32>,
      tpu.vector_store %arg4[%swap3A_279], %broadcast_in_dim3A_6 {strides = array<i32>} : memref<100096xi32, #tpu.memory_space<vmem>>, vector<16xi32>,
      %scan3A_281 = arith.constant 3 : i32
      %scan3A_282 = arith.addi %scan3A_265, %scan3A_281 : i32
      %mul3A_283 = arith.constant 16 : i32
      %mul3A_284 = arith.muli %scan3A_282, %mul3A_283 : i32
      %swap3A_285 = arith.index_cast %mul3A_284 : i32 to index
      %swap3A_286 = tpu.vector_load %arg4[%swap3A_285] {strides = array<i32>} : memref<100096xi32, #tpu.memory_space<vmem>>, vector<16xi32>,
      tpu.vector_store %arg4[%swap3A_285], %broadcast_in_dim3A_6 {strides = array<i32>} : memref<100096xi32, #tpu.memory_space<vmem>>, vector<16xi32>,
      %scan3A_287 = arith.constant 4 : i32
      %scan3A_288 = arith.addi %scan3A_265, %scan3A_287 : i32
      %mul3A_289 = arith.constant 16 : i32
      %mul3A_290 = arith.muli %scan3A_288, %mul3A_289 : i32
      %swap3A_291 = arith.index_cast %mul3A_290 : i32 to index
      %swap3A_292 = tpu.vector_load %arg4[%swap3A_291] {strides = array<i32>} : memref<100096xi32, #tpu.memory_space<vmem>>, vector<16xi32>,
      tpu.vector_store %arg4[%swap3A_291], %broadcast_in_dim3A_6 {strides = array<i32>} : memref<100096xi32, #tpu.memory_space<vmem>>, vector<16xi32>,
      %scan3A_293 = arith.constant 5 : i32
      %scan3A_294 = arith.addi %scan3A_265, %scan3A_293 : i32
      %mul3A_295 = arith.constant 16 : i32
      %mul3A_296 = arith.muli %scan3A_294, %mul3A_295 : i32
      %swap3A_297 = arith.index_cast %mul3A_296 : i32 to index
      %swap3A_298 = tpu.vector_load %arg4[%swap3A_297] {strides = array<i32>} : memref<100096xi32, #tpu.memory_space<vmem>>, vector<16xi32>,
      tpu.vector_store %arg4[%swap3A_297], %broadcast_in_dim3A_6 {strides = array<i32>} : memref<100096xi32, #tpu.memory_space<vmem>>, vector<16xi32>,
      %scan3A_299 = arith.constant 6 : i32
      %scan3A_300 = arith.addi %scan3A_265, %scan3A_299 : i32
      %mul3A_301 = arith.constant 16 : i32
      %mul3A_302 = arith.muli %scan3A_300, %mul3A_301 : i32
      %swap3A_303 = arith.index_cast %mul3A_302 : i32 to index
      %swap3A_304 = tpu.vector_load %arg4[%swap3A_303] {strides = array<i32>} : memref<100096xi32, #tpu.memory_space<vmem>>, vector<16xi32>,
      tpu.vector_store %arg4[%swap3A_303], %broadcast_in_dim3A_6 {strides = array<i32>} : memref<100096xi32, #tpu.memory_space<vmem>>, vector<16xi32>,
      %scan3A_305 = arith.constant 7 : i32
      %scan3A_306 = arith.addi %scan3A_265, %scan3A_305 : i32
      %mul3A_307 = arith.constant 16 : i32
      %mul3A_308 = arith.muli %scan3A_306, %mul3A_307 : i32
      %swap3A_309 = arith.index_cast %mul3A_308 : i32 to index
      %swap3A_310 = tpu.vector_load %arg4[%swap3A_309] {strides = array<i32>} : memref<100096xi32, #tpu.memory_space<vmem>>, vector<16xi32>,
      tpu.vector_store %arg4[%swap3A_309], %broadcast_in_dim3A_6 {strides = array<i32>} : memref<100096xi32, #tpu.memory_space<vmem>>, vector<16xi32>,
    }
    %scan3A_11 = arith.constant 6256 : i32
    %broadcast_in_dim3A_12 = arith.constant 1 : i32
    %broadcast_in_dim3A_13 = vector.broadcast %broadcast_in_dim3A_12 : i32 to vector<16xi32>
    %iota3A = tpu.iota {dimensions = array<i32: 0>} : vector<16xi32>
    %ge3A = arith.constant 8 : i32
    %ge3A_14 = vector.broadcast %ge3A : i32 to vector<16xi32>
    %ge3A_15 = arith.cmpi sge, %iota3A, %ge3A_14 : vector<16xi32>
    %add3A_16 = arith.constant 32 : i32
    %add3A_17 = arith.addi %mul3A_2, %add3A_16 : i32
    %dma_start3A_18 = arith.constant 0 : i32
    %dma_start3A_19 = tpu.memref_slice %arg2[%add3A_17, %dma_start3A_18] : memref<16384x200xi32, #tpu.memory_space<hbm>> -> memref<32x200xi32, #tpu.memory_space<hbm>>
    %dma_start3A_20 = arith.constant 0 : i32
    %dma_start3A_21 = tpu.memref_slice %arg2[%add3A_17, %dma_start3A_20] : memref<16384x200xi32, #tpu.memory_space<hbm>> -> memref<32x200xi32, #tpu.memory_space<hbm>>
    tpu.enqueue_dma source(%dma_start3A_21 : memref<32x200xi32, #tpu.memory_space<hbm>>) target(%arg6 : memref<32x200xi32, #tpu.memory_space<vmem>>) target_semaphore(%arg8 : memref<!tpu.dma_semaphore, #tpu.memory_space<semaphore_mem>>)
    %dma_wait3A = arith.constant 0 : i32
    %dma_wait3A_22 = tpu.memref_slice %arg2[%mul3A_2, %dma_wait3A] : memref<16384x200xi32, #tpu.memory_space<hbm>> -> memref<32x200xi32, #tpu.memory_space<hbm>>
    %dma_wait3A_23 = arith.constant 0 : i32
    %dma_wait3A_24 = tpu.memref_slice %arg2[%mul3A_2, %dma_wait3A_23] : memref<16384x200xi32, #tpu.memory_space<hbm>> -> memref<32x200xi32, #tpu.memory_space<hbm>>
    tpu.wait_dma2 semaphore(%arg7 : memref<!tpu.dma_semaphore, #tpu.memory_space<semaphore_mem>>) src(%dma_wait3A_24 : memref<32x200xi32, #tpu.memory_space<hbm>>) dst(%arg5 : memref<32x200xi32, #tpu.memory_space<vmem>>)
    %scan3A_25 = arith.constant 0 : i32
    %scan3A_26 = arith.constant 0 : i32
    %scan3A_27 = arith.constant 32 : i32
    %scan3A_28 = arith.addi %scan3A_26, %scan3A_27 : i32
    %scan3A_29 = arith.constant 1 : i32
    scf.for %scan3A_265 = %scan3A_26 to %scan3A_28 step %scan3A_29  : i32 {
      %mul3A_266 = arith.constant 1 : i32
      %mul3A_267 = arith.muli %scan3A_265, %mul3A_266 : i32
      %add3A_268 = arith.constant 0 : i32
      %add3A_269 = arith.addi %mul3A_267, %add3A_268 : i32
      %get3A = arith.index_cast %add3A_269 : i32 to index
      %get3A_270 = arith.constant 0 : index
      %get3A_271 = tpu.vector_load %arg5[%get3A, %get3A_270] {strides = array<i32>} : memref<32x200xi32, #tpu.memory_space<vmem>>, vector<16xi32>,
      %add3A_272 = arith.constant 0 : i32
      %add3A_273 = arith.addi %mul3A_267, %add3A_272 : i32
      %get3A_274 = arith.index_cast %add3A_273 : i32 to index
      %get3A_275 = arith.constant 16 : index
      %get3A_276 = tpu.vector_load %arg5[%get3A_274, %get3A_275] {strides = array<i32>} : memref<32x200xi32, #tpu.memory_space<vmem>>, vector<16xi32>,
      %add3A_277 = arith.constant 0 : i32
      %add3A_278 = arith.addi %mul3A_267, %add3A_277 : i32
      %get3A_279 = arith.index_cast %add3A_278 : i32 to index
      %get3A_280 = arith.constant 32 : index
      %get3A_281 = tpu.vector_load %arg5[%get3A_279, %get3A_280] {strides = array<i32>} : memref<32x200xi32, #tpu.memory_space<vmem>>, vector<16xi32>,
      %add3A_282 = arith.constant 0 : i32
      %add3A_283 = arith.addi %mul3A_267, %add3A_282 : i32
      %get3A_284 = arith.index_cast %add3A_283 : i32 to index
      %get3A_285 = arith.constant 48 : index
      %get3A_286 = tpu.vector_load %arg5[%get3A_284, %get3A_285] {strides = array<i32>} : memref<32x200xi32, #tpu.memory_space<vmem>>, vector<16xi32>,
      %add3A_287 = arith.constant 0 : i32
      %add3A_288 = arith.addi %mul3A_267, %add3A_287 : i32
      %get3A_289 = arith.index_cast %add3A_288 : i32 to index
      %get3A_290 = arith.constant 64 : index
      %get3A_291 = tpu.vector_load %arg5[%get3A_289, %get3A_290] {strides = array<i32>} : memref<32x200xi32, #tpu.memory_space<vmem>>, vector<16xi32>,
      %add3A_292 = arith.constant 0 : i32
      %add3A_293 = arith.addi %mul3A_267, %add3A_292 : i32
      %get3A_294 = arith.index_cast %add3A_293 : i32 to index
      %get3A_295 = arith.constant 80 : index
      %get3A_296 = tpu.vector_load %arg5[%get3A_294, %get3A_295] {strides = array<i32>} : memref<32x200xi32, #tpu.memory_space<vmem>>, vector<16xi32>,
      %add3A_297 = arith.constant 0 : i32
      %add3A_298 = arith.addi %mul3A_267, %add3A_297 : i32
      %get3A_299 = arith.index_cast %add3A_298 : i32 to index
      %get3A_300 = arith.constant 96 : index
      %get3A_301 = tpu.vector_load %arg5[%get3A_299, %get3A_300] {strides = array<i32>} : memref<32x200xi32, #tpu.memory_space<vmem>>, vector<16xi32>,
      %add3A_302 = arith.constant 0 : i32
      %add3A_303 = arith.addi %mul3A_267, %add3A_302 : i32
      %get3A_304 = arith.index_cast %add3A_303 : i32 to index
      %get3A_305 = arith.constant 112 : index
      %get3A_306 = tpu.vector_load %arg5[%get3A_304, %get3A_305] {strides = array<i32>} : memref<32x200xi32, #tpu.memory_space<vmem>>, vector<16xi32>,
      %add3A_307 = arith.constant 0 : i32
      %add3A_308 = arith.addi %mul3A_267, %add3A_307 : i32
      %get3A_309 = arith.index_cast %add3A_308 : i32 to index
      %get3A_310 = arith.constant 128 : index
      %get3A_311 = tpu.vector_load %arg5[%get3A_309, %get3A_310] {strides = array<i32>} : memref<32x200xi32, #tpu.memory_space<vmem>>, vector<16xi32>,
      %add3A_312 = arith.constant 0 : i32
      %add3A_313 = arith.addi %mul3A_267, %add3A_312 : i32
      %get3A_314 = arith.index_cast %add3A_313 : i32 to index
      %get3A_315 = arith.constant 144 : index
      %get3A_316 = tpu.vector_load %arg5[%get3A_314, %get3A_315] {strides = array<i32>} : memref<32x200xi32, #tpu.memory_space<vmem>>, vector<16xi32>,
      %add3A_317 = arith.constant 0 : i32
      %add3A_318 = arith.addi %mul3A_267, %add3A_317 : i32
      %get3A_319 = arith.index_cast %add3A_318 : i32 to index
      %get3A_320 = arith.constant 160 : index
      %get3A_321 = tpu.vector_load %arg5[%get3A_319, %get3A_320] {strides = array<i32>} : memref<32x200xi32, #tpu.memory_space<vmem>>, vector<16xi32>,
      %add3A_322 = arith.constant 0 : i32
      %add3A_323 = arith.addi %mul3A_267, %add3A_322 : i32
      %get3A_324 = arith.index_cast %add3A_323 : i32 to index
      %get3A_325 = arith.constant 176 : index
      %get3A_326 = tpu.vector_load %arg5[%get3A_324, %get3A_325] {strides = array<i32>} : memref<32x200xi32, #tpu.memory_space<vmem>>, vector<16xi32>,
      %add3A_327 = arith.constant 0 : i32
      %add3A_328 = arith.addi %mul3A_267, %add3A_327 : i32
      %get3A_329 = arith.index_cast %add3A_328 : i32 to index
      %get3A_330 = arith.constant 184 : index
      %get3A_331 = tpu.vector_load %arg5[%get3A_329, %get3A_330] {strides = array<i32>} : memref<32x200xi32, #tpu.memory_space<vmem>>, vector<16xi32>,
      tpu.vector_store_idx %arg4[%get3A_271], %broadcast_in_dim3A_13 {add = true} : memref<100096xi32, #tpu.memory_space<vmem>>[vector<16xi32>], vector<16xi32>,
      tpu.vector_store_idx %arg4[%get3A_276], %broadcast_in_dim3A_13 {add = true} : memref<100096xi32, #tpu.memory_space<vmem>>[vector<16xi32>], vector<16xi32>,
      tpu.vector_store_idx %arg4[%get3A_281], %broadcast_in_dim3A_13 {add = true} : memref<100096xi32, #tpu.memory_space<vmem>>[vector<16xi32>], vector<16xi32>,
      tpu.vector_store_idx %arg4[%get3A_286], %broadcast_in_dim3A_13 {add = true} : memref<100096xi32, #tpu.memory_space<vmem>>[vector<16xi32>], vector<16xi32>,
      tpu.vector_store_idx %arg4[%get3A_291], %broadcast_in_dim3A_13 {add = true} : memref<100096xi32, #tpu.memory_space<vmem>>[vector<16xi32>], vector<16xi32>,
      tpu.vector_store_idx %arg4[%get3A_296], %broadcast_in_dim3A_13 {add = true} : memref<100096xi32, #tpu.memory_space<vmem>>[vector<16xi32>], vector<16xi32>,
      tpu.vector_store_idx %arg4[%get3A_301], %broadcast_in_dim3A_13 {add = true} : memref<100096xi32, #tpu.memory_space<vmem>>[vector<16xi32>], vector<16xi32>,
      tpu.vector_store_idx %arg4[%get3A_306], %broadcast_in_dim3A_13 {add = true} : memref<100096xi32, #tpu.memory_space<vmem>>[vector<16xi32>], vector<16xi32>,
      tpu.vector_store_idx %arg4[%get3A_311], %broadcast_in_dim3A_13 {add = true} : memref<100096xi32, #tpu.memory_space<vmem>>[vector<16xi32>], vector<16xi32>,
      tpu.vector_store_idx %arg4[%get3A_316], %broadcast_in_dim3A_13 {add = true} : memref<100096xi32, #tpu.memory_space<vmem>>[vector<16xi32>], vector<16xi32>,
      tpu.vector_store_idx %arg4[%get3A_321], %broadcast_in_dim3A_13 {add = true} : memref<100096xi32, #tpu.memory_space<vmem>>[vector<16xi32>], vector<16xi32>,
      tpu.vector_store_idx %arg4[%get3A_326], %broadcast_in_dim3A_13 {add = true} : memref<100096xi32, #tpu.memory_space<vmem>>[vector<16xi32>], vector<16xi32>,
      tpu.vector_store_idx %arg4[%get3A_331], %broadcast_in_dim3A_13 masked %ge3A_15 {add = true} : memref<100096xi32, #tpu.memory_space<vmem>>[vector<16xi32>], vector<16xi32>, vector<16xi1>
    }
    %scan3A_30 = arith.constant 32 : i32
    %add3A_31 = arith.constant 64 : i32
    %add3A_32 = arith.addi %mul3A_2, %add3A_31 : i32
    %dma_start3A_33 = arith.constant 0 : i32
    %dma_start3A_34 = tpu.memref_slice %arg2[%add3A_32, %dma_start3A_33] : memref<16384x200xi32, #tpu.memory_space<hbm>> -> memref<32x200xi32, #tpu.memory_space<hbm>>
    %dma_start3A_35 = arith.constant 0 : i32
    %dma_start3A_36 = tpu.memref_slice %arg2[%add3A_32, %dma_start3A_35] : memref<16384x200xi32, #tpu.memory_space<hbm>> -> memref<32x200xi32, #tpu.memory_space<hbm>>
    tpu.enqueue_dma source(%dma_start3A_36 : memref<32x200xi32, #tpu.memory_space<hbm>>) target(%arg5 : memref<32x200xi32, #tpu.memory_space<vmem>>) target_semaphore(%arg7 : memref<!tpu.dma_semaphore, #tpu.memory_space<semaphore_mem>>)
    %dma_wait3A_37 = arith.constant 0 : i32
    %dma_wait3A_38 = tpu.memref_slice %arg2[%add3A_17, %dma_wait3A_37] : memref<16384x200xi32, #tpu.memory_space<hbm>> -> memref<32x200xi32, #tpu.memory_space<hbm>>
    %dma_wait3A_39 = arith.constant 0 : i32
    %dma_wait3A_40 = tpu.memref_slice %arg2[%add3A_17, %dma_wait3A_39] : memref<16384x200xi32, #tpu.memory_space<hbm>> -> memref<32x200xi32, #tpu.memory_space<hbm>>
    tpu.wait_dma2 semaphore(%arg8 : memref<!tpu.dma_semaphore, #tpu.memory_space<semaphore_mem>>) src(%dma_wait3A_40 : memref<32x200xi32, #tpu.memory_space<hbm>>) dst(%arg6 : memref<32x200xi32, #tpu.memory_space<vmem>>)
    %scan3A_41 = arith.constant 0 : i32
    %scan3A_42 = arith.constant 0 : i32
    %scan3A_43 = arith.constant 32 : i32
    %scan3A_44 = arith.addi %scan3A_42, %scan3A_43 : i32
    %scan3A_45 = arith.constant 1 : i32
    scf.for %scan3A_265 = %scan3A_42 to %scan3A_44 step %scan3A_45  : i32 {
      %mul3A_266 = arith.constant 1 : i32
      %mul3A_267 = arith.muli %scan3A_265, %mul3A_266 : i32
      %add3A_268 = arith.constant 0 : i32
      %add3A_269 = arith.addi %mul3A_267, %add3A_268 : i32
      %get3A = arith.index_cast %add3A_269 : i32 to index
      %get3A_270 = arith.constant 0 : index
      %get3A_271 = tpu.vector_load %arg6[%get3A, %get3A_270] {strides = array<i32>} : memref<32x200xi32, #tpu.memory_space<vmem>>, vector<16xi32>,
      %add3A_272 = arith.constant 0 : i32
      %add3A_273 = arith.addi %mul3A_267, %add3A_272 : i32
      %get3A_274 = arith.index_cast %add3A_273 : i32 to index
      %get3A_275 = arith.constant 16 : index
      %get3A_276 = tpu.vector_load %arg6[%get3A_274, %get3A_275] {strides = array<i32>} : memref<32x200xi32, #tpu.memory_space<vmem>>, vector<16xi32>,
      %add3A_277 = arith.constant 0 : i32
      %add3A_278 = arith.addi %mul3A_267, %add3A_277 : i32
      %get3A_279 = arith.index_cast %add3A_278 : i32 to index
      %get3A_280 = arith.constant 32 : index
      %get3A_281 = tpu.vector_load %arg6[%get3A_279, %get3A_280] {strides = array<i32>} : memref<32x200xi32, #tpu.memory_space<vmem>>, vector<16xi32>,
      %add3A_282 = arith.constant 0 : i32
      %add3A_283 = arith.addi %mul3A_267, %add3A_282 : i32
      %get3A_284 = arith.index_cast %add3A_283 : i32 to index
      %get3A_285 = arith.constant 48 : index
      %get3A_286 = tpu.vector_load %arg6[%get3A_284, %get3A_285] {strides = array<i32>} : memref<32x200xi32, #tpu.memory_space<vmem>>, vector<16xi32>,
      %add3A_287 = arith.constant 0 : i32
      %add3A_288 = arith.addi %mul3A_267, %add3A_287 : i32
      %get3A_289 = arith.index_cast %add3A_288 : i32 to index
      %get3A_290 = arith.constant 64 : index
      %get3A_291 = tpu.vector_load %arg6[%get3A_289, %get3A_290] {strides = array<i32>} : memref<32x200xi32, #tpu.memory_space<vmem>>, vector<16xi32>,
      %add3A_292 = arith.constant 0 : i32
      %add3A_293 = arith.addi %mul3A_267, %add3A_292 : i32
      %get3A_294 = arith.index_cast %add3A_293 : i32 to index
      %get3A_295 = arith.constant 80 : index
      %get3A_296 = tpu.vector_load %arg6[%get3A_294, %get3A_295] {strides = array<i32>} : memref<32x200xi32, #tpu.memory_space<vmem>>, vector<16xi32>,
      %add3A_297 = arith.constant 0 : i32
      %add3A_298 = arith.addi %mul3A_267, %add3A_297 : i32
      %get3A_299 = arith.index_cast %add3A_298 : i32 to index
      %get3A_300 = arith.constant 96 : index
      %get3A_301 = tpu.vector_load %arg6[%get3A_299, %get3A_300] {strides = array<i32>} : memref<32x200xi32, #tpu.memory_space<vmem>>, vector<16xi32>,
      %add3A_302 = arith.constant 0 : i32
      %add3A_303 = arith.addi %mul3A_267, %add3A_302 : i32
      %get3A_304 = arith.index_cast %add3A_303 : i32 to index
      %get3A_305 = arith.constant 112 : index
      %get3A_306 = tpu.vector_load %arg6[%get3A_304, %get3A_305] {strides = array<i32>} : memref<32x200xi32, #tpu.memory_space<vmem>>, vector<16xi32>,
      %add3A_307 = arith.constant 0 : i32
      %add3A_308 = arith.addi %mul3A_267, %add3A_307 : i32
      %get3A_309 = arith.index_cast %add3A_308 : i32 to index
      %get3A_310 = arith.constant 128 : index
      %get3A_311 = tpu.vector_load %arg6[%get3A_309, %get3A_310] {strides = array<i32>} : memref<32x200xi32, #tpu.memory_space<vmem>>, vector<16xi32>,
      %add3A_312 = arith.constant 0 : i32
      %add3A_313 = arith.addi %mul3A_267, %add3A_312 : i32
      %get3A_314 = arith.index_cast %add3A_313 : i32 to index
      %get3A_315 = arith.constant 144 : index
      %get3A_316 = tpu.vector_load %arg6[%get3A_314, %get3A_315] {strides = array<i32>} : memref<32x200xi32, #tpu.memory_space<vmem>>, vector<16xi32>,
      %add3A_317 = arith.constant 0 : i32
      %add3A_318 = arith.addi %mul3A_267, %add3A_317 : i32
      %get3A_319 = arith.index_cast %add3A_318 : i32 to index
      %get3A_320 = arith.constant 160 : index
      %get3A_321 = tpu.vector_load %arg6[%get3A_319, %get3A_320] {strides = array<i32>} : memref<32x200xi32, #tpu.memory_space<vmem>>, vector<16xi32>,
      %add3A_322 = arith.constant 0 : i32
      %add3A_323 = arith.addi %mul3A_267, %add3A_322 : i32
      %get3A_324 = arith.index_cast %add3A_323 : i32 to index
      %get3A_325 = arith.constant 176 : index
      %get3A_326 = tpu.vector_load %arg6[%get3A_324, %get3A_325] {strides = array<i32>} : memref<32x200xi32, #tpu.memory_space<vmem>>, vector<16xi32>,
      %add3A_327 = arith.constant 0 : i32
      %add3A_328 = arith.addi %mul3A_267, %add3A_327 : i32
      %get3A_329 = arith.index_cast %add3A_328 : i32 to index
      %get3A_330 = arith.constant 184 : index
      %get3A_331 = tpu.vector_load %arg6[%get3A_329, %get3A_330] {strides = array<i32>} : memref<32x200xi32, #tpu.memory_space<vmem>>, vector<16xi32>,
      tpu.vector_store_idx %arg4[%get3A_271], %broadcast_in_dim3A_13 {add = true} : memref<100096xi32, #tpu.memory_space<vmem>>[vector<16xi32>], vector<16xi32>,
      tpu.vector_store_idx %arg4[%get3A_276], %broadcast_in_dim3A_13 {add = true} : memref<100096xi32, #tpu.memory_space<vmem>>[vector<16xi32>], vector<16xi32>,
      tpu.vector_store_idx %arg4[%get3A_281], %broadcast_in_dim3A_13 {add = true} : memref<100096xi32, #tpu.memory_space<vmem>>[vector<16xi32>], vector<16xi32>,
      tpu.vector_store_idx %arg4[%get3A_286], %broadcast_in_dim3A_13 {add = true} : memref<100096xi32, #tpu.memory_space<vmem>>[vector<16xi32>], vector<16xi32>,
      tpu.vector_store_idx %arg4[%get3A_291], %broadcast_in_dim3A_13 {add = true} : memref<100096xi32, #tpu.memory_space<vmem>>[vector<16xi32>], vector<16xi32>,
      tpu.vector_store_idx %arg4[%get3A_296], %broadcast_in_dim3A_13 {add = true} : memref<100096xi32, #tpu.memory_space<vmem>>[vector<16xi32>], vector<16xi32>,
      tpu.vector_store_idx %arg4[%get3A_301], %broadcast_in_dim3A_13 {add = true} : memref<100096xi32, #tpu.memory_space<vmem>>[vector<16xi32>], vector<16xi32>,
      tpu.vector_store_idx %arg4[%get3A_306], %broadcast_in_dim3A_13 {add = true} : memref<100096xi32, #tpu.memory_space<vmem>>[vector<16xi32>], vector<16xi32>,
      tpu.vector_store_idx %arg4[%get3A_311], %broadcast_in_dim3A_13 {add = true} : memref<100096xi32, #tpu.memory_space<vmem>>[vector<16xi32>], vector<16xi32>,
      tpu.vector_store_idx %arg4[%get3A_316], %broadcast_in_dim3A_13 {add = true} : memref<100096xi32, #tpu.memory_space<vmem>>[vector<16xi32>], vector<16xi32>,
      tpu.vector_store_idx %arg4[%get3A_321], %broadcast_in_dim3A_13 {add = true} : memref<100096xi32, #tpu.memory_space<vmem>>[vector<16xi32>], vector<16xi32>,
      tpu.vector_store_idx %arg4[%get3A_326], %broadcast_in_dim3A_13 {add = true} : memref<100096xi32, #tpu.memory_space<vmem>>[vector<16xi32>], vector<16xi32>,
      tpu.vector_store_idx %arg4[%get3A_331], %broadcast_in_dim3A_13 masked %ge3A_15 {add = true} : memref<100096xi32, #tpu.memory_space<vmem>>[vector<16xi32>], vector<16xi32>, vector<16xi1>
    }
    %scan3A_46 = arith.constant 32 : i32
    %add3A_47 = arith.constant 96 : i32
    %add3A_48 = arith.addi %mul3A_2, %add3A_47 : i32
    %dma_start3A_49 = arith.constant 0 : i32
    %dma_start3A_50 = tpu.memref_slice %arg2[%add3A_48, %dma_start3A_49] : memref<16384x200xi32, #tpu.memory_space<hbm>> -> memref<32x200xi32, #tpu.memory_space<hbm>>
    %dma_start3A_51 = arith.constant 0 : i32
    %dma_start3A_52 = tpu.memref_slice %arg2[%add3A_48, %dma_start3A_51] : memref<16384x200xi32, #tpu.memory_space<hbm>> -> memref<32x200xi32, #tpu.memory_space<hbm>>
    tpu.enqueue_dma source(%dma_start3A_52 : memref<32x200xi32, #tpu.memory_space<hbm>>) target(%arg6 : memref<32x200xi32, #tpu.memory_space<vmem>>) target_semaphore(%arg8 : memref<!tpu.dma_semaphore, #tpu.memory_space<semaphore_mem>>)
    %dma_wait3A_53 = arith.constant 0 : i32
    %dma_wait3A_54 = tpu.memref_slice %arg2[%add3A_32, %dma_wait3A_53] : memref<16384x200xi32, #tpu.memory_space<hbm>> -> memref<32x200xi32, #tpu.memory_space<hbm>>
    %dma_wait3A_55 = arith.constant 0 : i32
    %dma_wait3A_56 = tpu.memref_slice %arg2[%add3A_32, %dma_wait3A_55] : memref<16384x200xi32, #tpu.memory_space<hbm>> -> memref<32x200xi32, #tpu.memory_space<hbm>>
    tpu.wait_dma2 semaphore(%arg7 : memref<!tpu.dma_semaphore, #tpu.memory_space<semaphore_mem>>) src(%dma_wait3A_56 : memref<32x200xi32, #tpu.memory_space<hbm>>) dst(%arg5 : memref<32x200xi32, #tpu.memory_space<vmem>>)
    %scan3A_57 = arith.constant 0 : i32
    %scan3A_58 = arith.constant 0 : i32
    %scan3A_59 = arith.constant 32 : i32
    %scan3A_60 = arith.addi %scan3A_58, %scan3A_59 : i32
    %scan3A_61 = arith.constant 1 : i32
    scf.for %scan3A_265 = %scan3A_58 to %scan3A_60 step %scan3A_61  : i32 {
      %mul3A_266 = arith.constant 1 : i32
      %mul3A_267 = arith.muli %scan3A_265, %mul3A_266 : i32
      %add3A_268 = arith.constant 0 : i32
      %add3A_269 = arith.addi %mul3A_267, %add3A_268 : i32
      %get3A = arith.index_cast %add3A_269 : i32 to index
      %get3A_270 = arith.constant 0 : index
      %get3A_271 = tpu.vector_load %arg5[%get3A, %get3A_270] {strides = array<i32>} : memref<32x200xi32, #tpu.memory_space<vmem>>, vector<16xi32>,
      %add3A_272 = arith.constant 0 : i32
      %add3A_273 = arith.addi %mul3A_267, %add3A_272 : i32
      %get3A_274 = arith.index_cast %add3A_273 : i32 to index
      %get3A_275 = arith.constant 16 : index
      %get3A_276 = tpu.vector_load %arg5[%get3A_274, %get3A_275] {strides = array<i32>} : memref<32x200xi32, #tpu.memory_space<vmem>>, vector<16xi32>,
      %add3A_277 = arith.constant 0 : i32
      %add3A_278 = arith.addi %mul3A_267, %add3A_277 : i32
      %get3A_279 = arith.index_cast %add3A_278 : i32 to index
      %get3A_280 = arith.constant 32 : index
      %get3A_281 = tpu.vector_load %arg5[%get3A_279, %get3A_280] {strides = array<i32>} : memref<32x200xi32, #tpu.memory_space<vmem>>, vector<16xi32>,
      %add3A_282 = arith.constant 0 : i32
      %add3A_283 = arith.addi %mul3A_267, %add3A_282 : i32
      %get3A_284 = arith.index_cast %add3A_283 : i32 to index
      %get3A_285 = arith.constant 48 : index
      %get3A_286 = tpu.vector_load %arg5[%get3A_284, %get3A_285] {strides = array<i32>} : memref<32x200xi32, #tpu.memory_space<vmem>>, vector<16xi32>,
      %add3A_287 = arith.constant 0 : i32
      %add3A_288 = arith.addi %mul3A_267, %add3A_287 : i32
      %get3A_289 = arith.index_cast %add3A_288 : i32 to index
      %get3A_290 = arith.constant 64 : index
      %get3A_291 = tpu.vector_load %arg5[%get3A_289, %get3A_290] {strides = array<i32>} : memref<32x200xi32, #tpu.memory_space<vmem>>, vector<16xi32>,
      %add3A_292 = arith.constant 0 : i32
      %add3A_293 = arith.addi %mul3A_267, %add3A_292 : i32
      %get3A_294 = arith.index_cast %add3A_293 : i32 to index
      %get3A_295 = arith.constant 80 : index
      %get3A_296 = tpu.vector_load %arg5[%get3A_294, %get3A_295] {strides = array<i32>} : memref<32x200xi32, #tpu.memory_space<vmem>>, vector<16xi32>,
      %add3A_297 = arith.constant 0 : i32
      %add3A_298 = arith.addi %mul3A_267, %add3A_297 : i32
      %get3A_299 = arith.index_cast %add3A_298 : i32 to index
      %get3A_300 = arith.constant 96 : index
      %get3A_301 = tpu.vector_load %arg5[%get3A_299, %get3A_300] {strides = array<i32>} : memref<32x200xi32, #tpu.memory_space<vmem>>, vector<16xi32>,
      %add3A_302 = arith.constant 0 : i32
      %add3A_303 = arith.addi %mul3A_267, %add3A_302 : i32
      %get3A_304 = arith.index_cast %add3A_303 : i32 to index
      %get3A_305 = arith.constant 112 : index
      %get3A_306 = tpu.vector_load %arg5[%get3A_304, %get3A_305] {strides = array<i32>} : memref<32x200xi32, #tpu.memory_space<vmem>>, vector<16xi32>,
      %add3A_307 = arith.constant 0 : i32
      %add3A_308 = arith.addi %mul3A_267, %add3A_307 : i32
      %get3A_309 = arith.index_cast %add3A_308 : i32 to index
      %get3A_310 = arith.constant 128 : index
      %get3A_311 = tpu.vector_load %arg5[%get3A_309, %get3A_310] {strides = array<i32>} : memref<32x200xi32, #tpu.memory_space<vmem>>, vector<16xi32>,
      %add3A_312 = arith.constant 0 : i32
      %add3A_313 = arith.addi %mul3A_267, %add3A_312 : i32
      %get3A_314 = arith.index_cast %add3A_313 : i32 to index
      %get3A_315 = arith.constant 144 : index
      %get3A_316 = tpu.vector_load %arg5[%get3A_314, %get3A_315] {strides = array<i32>} : memref<32x200xi32, #tpu.memory_space<vmem>>, vector<16xi32>,
      %add3A_317 = arith.constant 0 : i32
      %add3A_318 = arith.addi %mul3A_267, %add3A_317 : i32
      %get3A_319 = arith.index_cast %add3A_318 : i32 to index
      %get3A_320 = arith.constant 160 : index
      %get3A_321 = tpu.vector_load %arg5[%get3A_319, %get3A_320] {strides = array<i32>} : memref<32x200xi32, #tpu.memory_space<vmem>>, vector<16xi32>,
      %add3A_322 = arith.constant 0 : i32
      %add3A_323 = arith.addi %mul3A_267, %add3A_322 : i32
      %get3A_324 = arith.index_cast %add3A_323 : i32 to index
      %get3A_325 = arith.constant 176 : index
      %get3A_326 = tpu.vector_load %arg5[%get3A_324, %get3A_325] {strides = array<i32>} : memref<32x200xi32, #tpu.memory_space<vmem>>, vector<16xi32>,
      %add3A_327 = arith.constant 0 : i32
      %add3A_328 = arith.addi %mul3A_267, %add3A_327 : i32
      %get3A_329 = arith.index_cast %add3A_328 : i32 to index
      %get3A_330 = arith.constant 184 : index
      %get3A_331 = tpu.vector_load %arg5[%get3A_329, %get3A_330] {strides = array<i32>} : memref<32x200xi32, #tpu.memory_space<vmem>>, vector<16xi32>,
      tpu.vector_store_idx %arg4[%get3A_271], %broadcast_in_dim3A_13 {add = true} : memref<100096xi32, #tpu.memory_space<vmem>>[vector<16xi32>], vector<16xi32>,
      tpu.vector_store_idx %arg4[%get3A_276], %broadcast_in_dim3A_13 {add = true} : memref<100096xi32, #tpu.memory_space<vmem>>[vector<16xi32>], vector<16xi32>,
      tpu.vector_store_idx %arg4[%get3A_281], %broadcast_in_dim3A_13 {add = true} : memref<100096xi32, #tpu.memory_space<vmem>>[vector<16xi32>], vector<16xi32>,
      tpu.vector_store_idx %arg4[%get3A_286], %broadcast_in_dim3A_13 {add = true} : memref<100096xi32, #tpu.memory_space<vmem>>[vector<16xi32>], vector<16xi32>,
      tpu.vector_store_idx %arg4[%get3A_291], %broadcast_in_dim3A_13 {add = true} : memref<100096xi32, #tpu.memory_space<vmem>>[vector<16xi32>], vector<16xi32>,
      tpu.vector_store_idx %arg4[%get3A_296], %broadcast_in_dim3A_13 {add = true} : memref<100096xi32, #tpu.memory_space<vmem>>[vector<16xi32>], vector<16xi32>,
      tpu.vector_store_idx %arg4[%get3A_301], %broadcast_in_dim3A_13 {add = true} : memref<100096xi32, #tpu.memory_space<vmem>>[vector<16xi32>], vector<16xi32>,
      tpu.vector_store_idx %arg4[%get3A_306], %broadcast_in_dim3A_13 {add = true} : memref<100096xi32, #tpu.memory_space<vmem>>[vector<16xi32>], vector<16xi32>,
      tpu.vector_store_idx %arg4[%get3A_311], %broadcast_in_dim3A_13 {add = true} : memref<100096xi32, #tpu.memory_space<vmem>>[vector<16xi32>], vector<16xi32>,
      tpu.vector_store_idx %arg4[%get3A_316], %broadcast_in_dim3A_13 {add = true} : memref<100096xi32, #tpu.memory_space<vmem>>[vector<16xi32>], vector<16xi32>,
      tpu.vector_store_idx %arg4[%get3A_321], %broadcast_in_dim3A_13 {add = true} : memref<100096xi32, #tpu.memory_space<vmem>>[vector<16xi32>], vector<16xi32>,
      tpu.vector_store_idx %arg4[%get3A_326], %broadcast_in_dim3A_13 {add = true} : memref<100096xi32, #tpu.memory_space<vmem>>[vector<16xi32>], vector<16xi32>,
      tpu.vector_store_idx %arg4[%get3A_331], %broadcast_in_dim3A_13 masked %ge3A_15 {add = true} : memref<100096xi32, #tpu.memory_space<vmem>>[vector<16xi32>], vector<16xi32>, vector<16xi1>
    }
    %scan3A_62 = arith.constant 32 : i32
    %add3A_63 = arith.constant 128 : i32
    %add3A_64 = arith.addi %mul3A_2, %add3A_63 : i32
    %dma_start3A_65 = arith.constant 0 : i32
    %dma_start3A_66 = tpu.memref_slice %arg2[%add3A_64, %dma_start3A_65] : memref<16384x200xi32, #tpu.memory_space<hbm>> -> memref<32x200xi32, #tpu.memory_space<hbm>>
    %dma_start3A_67 = arith.constant 0 : i32
    %dma_start3A_68 = tpu.memref_slice %arg2[%add3A_64, %dma_start3A_67] : memref<16384x200xi32, #tpu.memory_space<hbm>> -> memref<32x200xi32, #tpu.memory_space<hbm>>
    tpu.enqueue_dma source(%dma_start3A_68 : memref<32x200xi32, #tpu.memory_space<hbm>>) target(%arg5 : memref<32x200xi32, #tpu.memory_space<vmem>>) target_semaphore(%arg7 : memref<!tpu.dma_semaphore, #tpu.memory_space<semaphore_mem>>)
    %dma_wait3A_69 = arith.constant 0 : i32
    %dma_wait3A_70 = tpu.memref_slice %arg2[%add3A_48, %dma_wait3A_69] : memref<16384x200xi32, #tpu.memory_space<hbm>> -> memref<32x200xi32, #tpu.memory_space<hbm>>
    %dma_wait3A_71 = arith.constant 0 : i32
    %dma_wait3A_72 = tpu.memref_slice %arg2[%add3A_48, %dma_wait3A_71] : memref<16384x200xi32, #tpu.memory_space<hbm>> -> memref<32x200xi32, #tpu.memory_space<hbm>>
    tpu.wait_dma2 semaphore(%arg8 : memref<!tpu.dma_semaphore, #tpu.memory_space<semaphore_mem>>) src(%dma_wait3A_72 : memref<32x200xi32, #tpu.memory_space<hbm>>) dst(%arg6 : memref<32x200xi32, #tpu.memory_space<vmem>>)
    %scan3A_73 = arith.constant 0 : i32
    %scan3A_74 = arith.constant 0 : i32
    %scan3A_75 = arith.constant 32 : i32
    %scan3A_76 = arith.addi %scan3A_74, %scan3A_75 : i32
    %scan3A_77 = arith.constant 1 : i32
    scf.for %scan3A_265 = %scan3A_74 to %scan3A_76 step %scan3A_77  : i32 {
      %mul3A_266 = arith.constant 1 : i32
      %mul3A_267 = arith.muli %scan3A_265, %mul3A_266 : i32
      %add3A_268 = arith.constant 0 : i32
      %add3A_269 = arith.addi %mul3A_267, %add3A_268 : i32
      %get3A = arith.index_cast %add3A_269 : i32 to index
      %get3A_270 = arith.constant 0 : index
      %get3A_271 = tpu.vector_load %arg6[%get3A, %get3A_270] {strides = array<i32>} : memref<32x200xi32, #tpu.memory_space<vmem>>, vector<16xi32>,
      %add3A_272 = arith.constant 0 : i32
      %add3A_273 = arith.addi %mul3A_267, %add3A_272 : i32
      %get3A_274 = arith.index_cast %add3A_273 : i32 to index
      %get3A_275 = arith.constant 16 : index
      %get3A_276 = tpu.vector_load %arg6[%get3A_274, %get3A_275] {strides = array<i32>} : memref<32x200xi32, #tpu.memory_space<vmem>>, vector<16xi32>,
      %add3A_277 = arith.constant 0 : i32
      %add3A_278 = arith.addi %mul3A_267, %add3A_277 : i32
      %get3A_279 = arith.index_cast %add3A_278 : i32 to index
      %get3A_280 = arith.constant 32 : index
      %get3A_281 = tpu.vector_load %arg6[%get3A_279, %get3A_280] {strides = array<i32>} : memref<32x200xi32, #tpu.memory_space<vmem>>, vector<16xi32>,
      %add3A_282 = arith.constant 0 : i32
      %add3A_283 = arith.addi %mul3A_267, %add3A_282 : i32
      %get3A_284 = arith.index_cast %add3A_283 : i32 to index
      %get3A_285 = arith.constant 48 : index
      %get3A_286 = tpu.vector_load %arg6[%get3A_284, %get3A_285] {strides = array<i32>} : memref<32x200xi32, #tpu.memory_space<vmem>>, vector<16xi32>,
      %add3A_287 = arith.constant 0 : i32
      %add3A_288 = arith.addi %mul3A_267, %add3A_287 : i32
      %get3A_289 = arith.index_cast %add3A_288 : i32 to index
      %get3A_290 = arith.constant 64 : index
      %get3A_291 = tpu.vector_load %arg6[%get3A_289, %get3A_290] {strides = array<i32>} : memref<32x200xi32, #tpu.memory_space<vmem>>, vector<16xi32>,
      %add3A_292 = arith.constant 0 : i32
      %add3A_293 = arith.addi %mul3A_267, %add3A_292 : i32
      %get3A_294 = arith.index_cast %add3A_293 : i32 to index
      %get3A_295 = arith.constant 80 : index
      %get3A_296 = tpu.vector_load %arg6[%get3A_294, %get3A_295] {strides = array<i32>} : memref<32x200xi32, #tpu.memory_space<vmem>>, vector<16xi32>,
      %add3A_297 = arith.constant 0 : i32
      %add3A_298 = arith.addi %mul3A_267, %add3A_297 : i32
      %get3A_299 = arith.index_cast %add3A_298 : i32 to index
      %get3A_300 = arith.constant 96 : index
      %get3A_301 = tpu.vector_load %arg6[%get3A_299, %get3A_300] {strides = array<i32>} : memref<32x200xi32, #tpu.memory_space<vmem>>, vector<16xi32>,
      %add3A_302 = arith.constant 0 : i32
      %add3A_303 = arith.addi %mul3A_267, %add3A_302 : i32
      %get3A_304 = arith.index_cast %add3A_303 : i32 to index
      %get3A_305 = arith.constant 112 : index
      %get3A_306 = tpu.vector_load %arg6[%get3A_304, %get3A_305] {strides = array<i32>} : memref<32x200xi32, #tpu.memory_space<vmem>>, vector<16xi32>,
      %add3A_307 = arith.constant 0 : i32
      %add3A_308 = arith.addi %mul3A_267, %add3A_307 : i32
      %get3A_309 = arith.index_cast %add3A_308 : i32 to index
      %get3A_310 = arith.constant 128 : index
      %get3A_311 = tpu.vector_load %arg6[%get3A_309, %get3A_310] {strides = array<i32>} : memref<32x200xi32, #tpu.memory_space<vmem>>, vector<16xi32>,
      %add3A_312 = arith.constant 0 : i32
      %add3A_313 = arith.addi %mul3A_267, %add3A_312 : i32
      %get3A_314 = arith.index_cast %add3A_313 : i32 to index
      %get3A_315 = arith.constant 144 : index
      %get3A_316 = tpu.vector_load %arg6[%get3A_314, %get3A_315] {strides = array<i32>} : memref<32x200xi32, #tpu.memory_space<vmem>>, vector<16xi32>,
      %add3A_317 = arith.constant 0 : i32
      %add3A_318 = arith.addi %mul3A_267, %add3A_317 : i32
      %get3A_319 = arith.index_cast %add3A_318 : i32 to index
      %get3A_320 = arith.constant 160 : index
      %get3A_321 = tpu.vector_load %arg6[%get3A_319, %get3A_320] {strides = array<i32>} : memref<32x200xi32, #tpu.memory_space<vmem>>, vector<16xi32>,
      %add3A_322 = arith.constant 0 : i32
      %add3A_323 = arith.addi %mul3A_267, %add3A_322 : i32
      %get3A_324 = arith.index_cast %add3A_323 : i32 to index
      %get3A_325 = arith.constant 176 : index
      %get3A_326 = tpu.vector_load %arg6[%get3A_324, %get3A_325] {strides = array<i32>} : memref<32x200xi32, #tpu.memory_space<vmem>>, vector<16xi32>,
      %add3A_327 = arith.constant 0 : i32
      %add3A_328 = arith.addi %mul3A_267, %add3A_327 : i32
      %get3A_329 = arith.index_cast %add3A_328 : i32 to index
      %get3A_330 = arith.constant 184 : index
      %get3A_331 = tpu.vector_load %arg6[%get3A_329, %get3A_330] {strides = array<i32>} : memref<32x200xi32, #tpu.memory_space<vmem>>, vector<16xi32>,
      tpu.vector_store_idx %arg4[%get3A_271], %broadcast_in_dim3A_13 {add = true} : memref<100096xi32, #tpu.memory_space<vmem>>[vector<16xi32>], vector<16xi32>,
      tpu.vector_store_idx %arg4[%get3A_276], %broadcast_in_dim3A_13 {add = true} : memref<100096xi32, #tpu.memory_space<vmem>>[vector<16xi32>], vector<16xi32>,
      tpu.vector_store_idx %arg4[%get3A_281], %broadcast_in_dim3A_13 {add = true} : memref<100096xi32, #tpu.memory_space<vmem>>[vector<16xi32>], vector<16xi32>,
      tpu.vector_store_idx %arg4[%get3A_286], %broadcast_in_dim3A_13 {add = true} : memref<100096xi32, #tpu.memory_space<vmem>>[vector<16xi32>], vector<16xi32>,
      tpu.vector_store_idx %arg4[%get3A_291], %broadcast_in_dim3A_13 {add = true} : memref<100096xi32, #tpu.memory_space<vmem>>[vector<16xi32>], vector<16xi32>,
      tpu.vector_store_idx %arg4[%get3A_296], %broadcast_in_dim3A_13 {add = true} : memref<100096xi32, #tpu.memory_space<vmem>>[vector<16xi32>], vector<16xi32>,
      tpu.vector_store_idx %arg4[%get3A_301], %broadcast_in_dim3A_13 {add = true} : memref<100096xi32, #tpu.memory_space<vmem>>[vector<16xi32>], vector<16xi32>,
      tpu.vector_store_idx %arg4[%get3A_306], %broadcast_in_dim3A_13 {add = true} : memref<100096xi32, #tpu.memory_space<vmem>>[vector<16xi32>], vector<16xi32>,
      tpu.vector_store_idx %arg4[%get3A_311], %broadcast_in_dim3A_13 {add = true} : memref<100096xi32, #tpu.memory_space<vmem>>[vector<16xi32>], vector<16xi32>,
      tpu.vector_store_idx %arg4[%get3A_316], %broadcast_in_dim3A_13 {add = true} : memref<100096xi32, #tpu.memory_space<vmem>>[vector<16xi32>], vector<16xi32>,
      tpu.vector_store_idx %arg4[%get3A_321], %broadcast_in_dim3A_13 {add = true} : memref<100096xi32, #tpu.memory_space<vmem>>[vector<16xi32>], vector<16xi32>,
      tpu.vector_store_idx %arg4[%get3A_326], %broadcast_in_dim3A_13 {add = true} : memref<100096xi32, #tpu.memory_space<vmem>>[vector<16xi32>], vector<16xi32>,
      tpu.vector_store_idx %arg4[%get3A_331], %broadcast_in_dim3A_13 masked %ge3A_15 {add = true} : memref<100096xi32, #tpu.memory_space<vmem>>[vector<16xi32>], vector<16xi32>, vector<16xi1>
    }
    %scan3A_78 = arith.constant 32 : i32
    %add3A_79 = arith.constant 160 : i32
    %add3A_80 = arith.addi %mul3A_2, %add3A_79 : i32
    %dma_start3A_81 = arith.constant 0 : i32
    %dma_start3A_82 = tpu.memref_slice %arg2[%add3A_80, %dma_start3A_81] : memref<16384x200xi32, #tpu.memory_space<hbm>> -> memref<32x200xi32, #tpu.memory_space<hbm>>
    %dma_start3A_83 = arith.constant 0 : i32
    %dma_start3A_84 = tpu.memref_slice %arg2[%add3A_80, %dma_start3A_83] : memref<16384x200xi32, #tpu.memory_space<hbm>> -> memref<32x200xi32, #tpu.memory_space<hbm>>
    tpu.enqueue_dma source(%dma_start3A_84 : memref<32x200xi32, #tpu.memory_space<hbm>>) target(%arg6 : memref<32x200xi32, #tpu.memory_space<vmem>>) target_semaphore(%arg8 : memref<!tpu.dma_semaphore, #tpu.memory_space<semaphore_mem>>)
    %dma_wait3A_85 = arith.constant 0 : i32
    %dma_wait3A_86 = tpu.memref_slice %arg2[%add3A_64, %dma_wait3A_85] : memref<16384x200xi32, #tpu.memory_space<hbm>> -> memref<32x200xi32, #tpu.memory_space<hbm>>
    %dma_wait3A_87 = arith.constant 0 : i32
    %dma_wait3A_88 = tpu.memref_slice %arg2[%add3A_64, %dma_wait3A_87] : memref<16384x200xi32, #tpu.memory_space<hbm>> -> memref<32x200xi32, #tpu.memory_space<hbm>>
    tpu.wait_dma2 semaphore(%arg7 : memref<!tpu.dma_semaphore, #tpu.memory_space<semaphore_mem>>) src(%dma_wait3A_88 : memref<32x200xi32, #tpu.memory_space<hbm>>) dst(%arg5 : memref<32x200xi32, #tpu.memory_space<vmem>>)
    %scan3A_89 = arith.constant 0 : i32
    %scan3A_90 = arith.constant 0 : i32
    %scan3A_91 = arith.constant 32 : i32
    %scan3A_92 = arith.addi %scan3A_90, %scan3A_91 : i32
    %scan3A_93 = arith.constant 1 : i32
    scf.for %scan3A_265 = %scan3A_90 to %scan3A_92 step %scan3A_93  : i32 {
      %mul3A_266 = arith.constant 1 : i32
      %mul3A_267 = arith.muli %scan3A_265, %mul3A_266 : i32
      %add3A_268 = arith.constant 0 : i32
      %add3A_269 = arith.addi %mul3A_267, %add3A_268 : i32
      %get3A = arith.index_cast %add3A_269 : i32 to index
      %get3A_270 = arith.constant 0 : index
      %get3A_271 = tpu.vector_load %arg5[%get3A, %get3A_270] {strides = array<i32>} : memref<32x200xi32, #tpu.memory_space<vmem>>, vector<16xi32>,
      %add3A_272 = arith.constant 0 : i32
      %add3A_273 = arith.addi %mul3A_267, %add3A_272 : i32
      %get3A_274 = arith.index_cast %add3A_273 : i32 to index
      %get3A_275 = arith.constant 16 : index
      %get3A_276 = tpu.vector_load %arg5[%get3A_274, %get3A_275] {strides = array<i32>} : memref<32x200xi32, #tpu.memory_space<vmem>>, vector<16xi32>,
      %add3A_277 = arith.constant 0 : i32
      %add3A_278 = arith.addi %mul3A_267, %add3A_277 : i32
      %get3A_279 = arith.index_cast %add3A_278 : i32 to index
      %get3A_280 = arith.constant 32 : index
      %get3A_281 = tpu.vector_load %arg5[%get3A_279, %get3A_280] {strides = array<i32>} : memref<32x200xi32, #tpu.memory_space<vmem>>, vector<16xi32>,
      %add3A_282 = arith.constant 0 : i32
      %add3A_283 = arith.addi %mul3A_267, %add3A_282 : i32
      %get3A_284 = arith.index_cast %add3A_283 : i32 to index
      %get3A_285 = arith.constant 48 : index
      %get3A_286 = tpu.vector_load %arg5[%get3A_284, %get3A_285] {strides = array<i32>} : memref<32x200xi32, #tpu.memory_space<vmem>>, vector<16xi32>,
      %add3A_287 = arith.constant 0 : i32
      %add3A_288 = arith.addi %mul3A_267, %add3A_287 : i32
      %get3A_289 = arith.index_cast %add3A_288 : i32 to index
      %get3A_290 = arith.constant 64 : index
      %get3A_291 = tpu.vector_load %arg5[%get3A_289, %get3A_290] {strides = array<i32>} : memref<32x200xi32, #tpu.memory_space<vmem>>, vector<16xi32>,
      %add3A_292 = arith.constant 0 : i32
      %add3A_293 = arith.addi %mul3A_267, %add3A_292 : i32
      %get3A_294 = arith.index_cast %add3A_293 : i32 to index
      %get3A_295 = arith.constant 80 : index
      %get3A_296 = tpu.vector_load %arg5[%get3A_294, %get3A_295] {strides = array<i32>} : memref<32x200xi32, #tpu.memory_space<vmem>>, vector<16xi32>,
      %add3A_297 = arith.constant 0 : i32
      %add3A_298 = arith.addi %mul3A_267, %add3A_297 : i32
      %get3A_299 = arith.index_cast %add3A_298 : i32 to index
      %get3A_300 = arith.constant 96 : index
      %get3A_301 = tpu.vector_load %arg5[%get3A_299, %get3A_300] {strides = array<i32>} : memref<32x200xi32, #tpu.memory_space<vmem>>, vector<16xi32>,
      %add3A_302 = arith.constant 0 : i32
      %add3A_303 = arith.addi %mul3A_267, %add3A_302 : i32
      %get3A_304 = arith.index_cast %add3A_303 : i32 to index
      %get3A_305 = arith.constant 112 : index
      %get3A_306 = tpu.vector_load %arg5[%get3A_304, %get3A_305] {strides = array<i32>} : memref<32x200xi32, #tpu.memory_space<vmem>>, vector<16xi32>,
      %add3A_307 = arith.constant 0 : i32
      %add3A_308 = arith.addi %mul3A_267, %add3A_307 : i32
      %get3A_309 = arith.index_cast %add3A_308 : i32 to index
      %get3A_310 = arith.constant 128 : index
      %get3A_311 = tpu.vector_load %arg5[%get3A_309, %get3A_310] {strides = array<i32>} : memref<32x200xi32, #tpu.memory_space<vmem>>, vector<16xi32>,
      %add3A_312 = arith.constant 0 : i32
      %add3A_313 = arith.addi %mul3A_267, %add3A_312 : i32
      %get3A_314 = arith.index_cast %add3A_313 : i32 to index
      %get3A_315 = arith.constant 144 : index
      %get3A_316 = tpu.vector_load %arg5[%get3A_314, %get3A_315] {strides = array<i32>} : memref<32x200xi32, #tpu.memory_space<vmem>>, vector<16xi32>,
      %add3A_317 = arith.constant 0 : i32
      %add3A_318 = arith.addi %mul3A_267, %add3A_317 : i32
      %get3A_319 = arith.index_cast %add3A_318 : i32 to index
      %get3A_320 = arith.constant 160 : index
      %get3A_321 = tpu.vector_load %arg5[%get3A_319, %get3A_320] {strides = array<i32>} : memref<32x200xi32, #tpu.memory_space<vmem>>, vector<16xi32>,
      %add3A_322 = arith.constant 0 : i32
      %add3A_323 = arith.addi %mul3A_267, %add3A_322 : i32
      %get3A_324 = arith.index_cast %add3A_323 : i32 to index
      %get3A_325 = arith.constant 176 : index
      %get3A_326 = tpu.vector_load %arg5[%get3A_324, %get3A_325] {strides = array<i32>} : memref<32x200xi32, #tpu.memory_space<vmem>>, vector<16xi32>,
      %add3A_327 = arith.constant 0 : i32
      %add3A_328 = arith.addi %mul3A_267, %add3A_327 : i32
      %get3A_329 = arith.index_cast %add3A_328 : i32 to index
      %get3A_330 = arith.constant 184 : index
      %get3A_331 = tpu.vector_load %arg5[%get3A_329, %get3A_330] {strides = array<i32>} : memref<32x200xi32, #tpu.memory_space<vmem>>, vector<16xi32>,
      tpu.vector_store_idx %arg4[%get3A_271], %broadcast_in_dim3A_13 {add = true} : memref<100096xi32, #tpu.memory_space<vmem>>[vector<16xi32>], vector<16xi32>,
      tpu.vector_store_idx %arg4[%get3A_276], %broadcast_in_dim3A_13 {add = true} : memref<100096xi32, #tpu.memory_space<vmem>>[vector<16xi32>], vector<16xi32>,
      tpu.vector_store_idx %arg4[%get3A_281], %broadcast_in_dim3A_13 {add = true} : memref<100096xi32, #tpu.memory_space<vmem>>[vector<16xi32>], vector<16xi32>,
      tpu.vector_store_idx %arg4[%get3A_286], %broadcast_in_dim3A_13 {add = true} : memref<100096xi32, #tpu.memory_space<vmem>>[vector<16xi32>], vector<16xi32>,
      tpu.vector_store_idx %arg4[%get3A_291], %broadcast_in_dim3A_13 {add = true} : memref<100096xi32, #tpu.memory_space<vmem>>[vector<16xi32>], vector<16xi32>,
      tpu.vector_store_idx %arg4[%get3A_296], %broadcast_in_dim3A_13 {add = true} : memref<100096xi32, #tpu.memory_space<vmem>>[vector<16xi32>], vector<16xi32>,
      tpu.vector_store_idx %arg4[%get3A_301], %broadcast_in_dim3A_13 {add = true} : memref<100096xi32, #tpu.memory_space<vmem>>[vector<16xi32>], vector<16xi32>,
      tpu.vector_store_idx %arg4[%get3A_306], %broadcast_in_dim3A_13 {add = true} : memref<100096xi32, #tpu.memory_space<vmem>>[vector<16xi32>], vector<16xi32>,
      tpu.vector_store_idx %arg4[%get3A_311], %broadcast_in_dim3A_13 {add = true} : memref<100096xi32, #tpu.memory_space<vmem>>[vector<16xi32>], vector<16xi32>,
      tpu.vector_store_idx %arg4[%get3A_316], %broadcast_in_dim3A_13 {add = true} : memref<100096xi32, #tpu.memory_space<vmem>>[vector<16xi32>], vector<16xi32>,
      tpu.vector_store_idx %arg4[%get3A_321], %broadcast_in_dim3A_13 {add = true} : memref<100096xi32, #tpu.memory_space<vmem>>[vector<16xi32>], vector<16xi32>,
      tpu.vector_store_idx %arg4[%get3A_326], %broadcast_in_dim3A_13 {add = true} : memref<100096xi32, #tpu.memory_space<vmem>>[vector<16xi32>], vector<16xi32>,
      tpu.vector_store_idx %arg4[%get3A_331], %broadcast_in_dim3A_13 masked %ge3A_15 {add = true} : memref<100096xi32, #tpu.memory_space<vmem>>[vector<16xi32>], vector<16xi32>, vector<16xi1>
    }
    %scan3A_94 = arith.constant 32 : i32
    %add3A_95 = arith.constant 192 : i32
    %add3A_96 = arith.addi %mul3A_2, %add3A_95 : i32
    %dma_start3A_97 = arith.constant 0 : i32
    %dma_start3A_98 = tpu.memref_slice %arg2[%add3A_96, %dma_start3A_97] : memref<16384x200xi32, #tpu.memory_space<hbm>> -> memref<32x200xi32, #tpu.memory_space<hbm>>
    %dma_start3A_99 = arith.constant 0 : i32
    %dma_start3A_100 = tpu.memref_slice %arg2[%add3A_96, %dma_start3A_99] : memref<16384x200xi32, #tpu.memory_space<hbm>> -> memref<32x200xi32, #tpu.memory_space<hbm>>
    tpu.enqueue_dma source(%dma_start3A_100 : memref<32x200xi32, #tpu.memory_space<hbm>>) target(%arg5 : memref<32x200xi32, #tpu.memory_space<vmem>>) target_semaphore(%arg7 : memref<!tpu.dma_semaphore, #tpu.memory_space<semaphore_mem>>)
    %dma_wait3A_101 = arith.constant 0 : i32
    %dma_wait3A_102 = tpu.memref_slice %arg2[%add3A_80, %dma_wait3A_101] : memref<16384x200xi32, #tpu.memory_space<hbm>> -> memref<32x200xi32, #tpu.memory_space<hbm>>
    %dma_wait3A_103 = arith.constant 0 : i32
    %dma_wait3A_104 = tpu.memref_slice %arg2[%add3A_80, %dma_wait3A_103] : memref<16384x200xi32, #tpu.memory_space<hbm>> -> memref<32x200xi32, #tpu.memory_space<hbm>>
    tpu.wait_dma2 semaphore(%arg8 : memref<!tpu.dma_semaphore, #tpu.memory_space<semaphore_mem>>) src(%dma_wait3A_104 : memref<32x200xi32, #tpu.memory_space<hbm>>) dst(%arg6 : memref<32x200xi32, #tpu.memory_space<vmem>>)
    %scan3A_105 = arith.constant 0 : i32
    %scan3A_106 = arith.constant 0 : i32
    %scan3A_107 = arith.constant 32 : i32
    %scan3A_108 = arith.addi %scan3A_106, %scan3A_107 : i32
    %scan3A_109 = arith.constant 1 : i32
    scf.for %scan3A_265 = %scan3A_106 to %scan3A_108 step %scan3A_109  : i32 {
      %mul3A_266 = arith.constant 1 : i32
      %mul3A_267 = arith.muli %scan3A_265, %mul3A_266 : i32
      %add3A_268 = arith.constant 0 : i32
      %add3A_269 = arith.addi %mul3A_267, %add3A_268 : i32
      %get3A = arith.index_cast %add3A_269 : i32 to index
      %get3A_270 = arith.constant 0 : index
      %get3A_271 = tpu.vector_load %arg6[%get3A, %get3A_270] {strides = array<i32>} : memref<32x200xi32, #tpu.memory_space<vmem>>, vector<16xi32>,
      %add3A_272 = arith.constant 0 : i32
      %add3A_273 = arith.addi %mul3A_267, %add3A_272 : i32
      %get3A_274 = arith.index_cast %add3A_273 : i32 to index
      %get3A_275 = arith.constant 16 : index
      %get3A_276 = tpu.vector_load %arg6[%get3A_274, %get3A_275] {strides = array<i32>} : memref<32x200xi32, #tpu.memory_space<vmem>>, vector<16xi32>,
      %add3A_277 = arith.constant 0 : i32
      %add3A_278 = arith.addi %mul3A_267, %add3A_277 : i32
      %get3A_279 = arith.index_cast %add3A_278 : i32 to index
      %get3A_280 = arith.constant 32 : index
      %get3A_281 = tpu.vector_load %arg6[%get3A_279, %get3A_280] {strides = array<i32>} : memref<32x200xi32, #tpu.memory_space<vmem>>, vector<16xi32>,
      %add3A_282 = arith.constant 0 : i32
      %add3A_283 = arith.addi %mul3A_267, %add3A_282 : i32
      %get3A_284 = arith.index_cast %add3A_283 : i32 to index
      %get3A_285 = arith.constant 48 : index
      %get3A_286 = tpu.vector_load %arg6[%get3A_284, %get3A_285] {strides = array<i32>} : memref<32x200xi32, #tpu.memory_space<vmem>>, vector<16xi32>,
      %add3A_287 = arith.constant 0 : i32
      %add3A_288 = arith.addi %mul3A_267, %add3A_287 : i32
      %get3A_289 = arith.index_cast %add3A_288 : i32 to index
      %get3A_290 = arith.constant 64 : index
      %get3A_291 = tpu.vector_load %arg6[%get3A_289, %get3A_290] {strides = array<i32>} : memref<32x200xi32, #tpu.memory_space<vmem>>, vector<16xi32>,
      %add3A_292 = arith.constant 0 : i32
      %add3A_293 = arith.addi %mul3A_267, %add3A_292 : i32
      %get3A_294 = arith.index_cast %add3A_293 : i32 to index
      %get3A_295 = arith.constant 80 : index
      %get3A_296 = tpu.vector_load %arg6[%get3A_294, %get3A_295] {strides = array<i32>} : memref<32x200xi32, #tpu.memory_space<vmem>>, vector<16xi32>,
      %add3A_297 = arith.constant 0 : i32
      %add3A_298 = arith.addi %mul3A_267, %add3A_297 : i32
      %get3A_299 = arith.index_cast %add3A_298 : i32 to index
      %get3A_300 = arith.constant 96 : index
      %get3A_301 = tpu.vector_load %arg6[%get3A_299, %get3A_300] {strides = array<i32>} : memref<32x200xi32, #tpu.memory_space<vmem>>, vector<16xi32>,
      %add3A_302 = arith.constant 0 : i32
      %add3A_303 = arith.addi %mul3A_267, %add3A_302 : i32
      %get3A_304 = arith.index_cast %add3A_303 : i32 to index
      %get3A_305 = arith.constant 112 : index
      %get3A_306 = tpu.vector_load %arg6[%get3A_304, %get3A_305] {strides = array<i32>} : memref<32x200xi32, #tpu.memory_space<vmem>>, vector<16xi32>,
      %add3A_307 = arith.constant 0 : i32
      %add3A_308 = arith.addi %mul3A_267, %add3A_307 : i32
      %get3A_309 = arith.index_cast %add3A_308 : i32 to index
      %get3A_310 = arith.constant 128 : index
      %get3A_311 = tpu.vector_load %arg6[%get3A_309, %get3A_310] {strides = array<i32>} : memref<32x200xi32, #tpu.memory_space<vmem>>, vector<16xi32>,
      %add3A_312 = arith.constant 0 : i32
      %add3A_313 = arith.addi %mul3A_267, %add3A_312 : i32
      %get3A_314 = arith.index_cast %add3A_313 : i32 to index
      %get3A_315 = arith.constant 144 : index
      %get3A_316 = tpu.vector_load %arg6[%get3A_314, %get3A_315] {strides = array<i32>} : memref<32x200xi32, #tpu.memory_space<vmem>>, vector<16xi32>,
      %add3A_317 = arith.constant 0 : i32
      %add3A_318 = arith.addi %mul3A_267, %add3A_317 : i32
      %get3A_319 = arith.index_cast %add3A_318 : i32 to index
      %get3A_320 = arith.constant 160 : index
      %get3A_321 = tpu.vector_load %arg6[%get3A_319, %get3A_320] {strides = array<i32>} : memref<32x200xi32, #tpu.memory_space<vmem>>, vector<16xi32>,
      %add3A_322 = arith.constant 0 : i32
      %add3A_323 = arith.addi %mul3A_267, %add3A_322 : i32
      %get3A_324 = arith.index_cast %add3A_323 : i32 to index
      %get3A_325 = arith.constant 176 : index
      %get3A_326 = tpu.vector_load %arg6[%get3A_324, %get3A_325] {strides = array<i32>} : memref<32x200xi32, #tpu.memory_space<vmem>>, vector<16xi32>,
      %add3A_327 = arith.constant 0 : i32
      %add3A_328 = arith.addi %mul3A_267, %add3A_327 : i32
      %get3A_329 = arith.index_cast %add3A_328 : i32 to index
      %get3A_330 = arith.constant 184 : index
      %get3A_331 = tpu.vector_load %arg6[%get3A_329, %get3A_330] {strides = array<i32>} : memref<32x200xi32, #tpu.memory_space<vmem>>, vector<16xi32>,
      tpu.vector_store_idx %arg4[%get3A_271], %broadcast_in_dim3A_13 {add = true} : memref<100096xi32, #tpu.memory_space<vmem>>[vector<16xi32>], vector<16xi32>,
      tpu.vector_store_idx %arg4[%get3A_276], %broadcast_in_dim3A_13 {add = true} : memref<100096xi32, #tpu.memory_space<vmem>>[vector<16xi32>], vector<16xi32>,
      tpu.vector_store_idx %arg4[%get3A_281], %broadcast_in_dim3A_13 {add = true} : memref<100096xi32, #tpu.memory_space<vmem>>[vector<16xi32>], vector<16xi32>,
      tpu.vector_store_idx %arg4[%get3A_286], %broadcast_in_dim3A_13 {add = true} : memref<100096xi32, #tpu.memory_space<vmem>>[vector<16xi32>], vector<16xi32>,
      tpu.vector_store_idx %arg4[%get3A_291], %broadcast_in_dim3A_13 {add = true} : memref<100096xi32, #tpu.memory_space<vmem>>[vector<16xi32>], vector<16xi32>,
      tpu.vector_store_idx %arg4[%get3A_296], %broadcast_in_dim3A_13 {add = true} : memref<100096xi32, #tpu.memory_space<vmem>>[vector<16xi32>], vector<16xi32>,
      tpu.vector_store_idx %arg4[%get3A_301], %broadcast_in_dim3A_13 {add = true} : memref<100096xi32, #tpu.memory_space<vmem>>[vector<16xi32>], vector<16xi32>,
      tpu.vector_store_idx %arg4[%get3A_306], %broadcast_in_dim3A_13 {add = true} : memref<100096xi32, #tpu.memory_space<vmem>>[vector<16xi32>], vector<16xi32>,
      tpu.vector_store_idx %arg4[%get3A_311], %broadcast_in_dim3A_13 {add = true} : memref<100096xi32, #tpu.memory_space<vmem>>[vector<16xi32>], vector<16xi32>,
      tpu.vector_store_idx %arg4[%get3A_316], %broadcast_in_dim3A_13 {add = true} : memref<100096xi32, #tpu.memory_space<vmem>>[vector<16xi32>], vector<16xi32>,
      tpu.vector_store_idx %arg4[%get3A_321], %broadcast_in_dim3A_13 {add = true} : memref<100096xi32, #tpu.memory_space<vmem>>[vector<16xi32>], vector<16xi32>,
      tpu.vector_store_idx %arg4[%get3A_326], %broadcast_in_dim3A_13 {add = true} : memref<100096xi32, #tpu.memory_space<vmem>>[vector<16xi32>], vector<16xi32>,
      tpu.vector_store_idx %arg4[%get3A_331], %broadcast_in_dim3A_13 masked %ge3A_15 {add = true} : memref<100096xi32, #tpu.memory_space<vmem>>[vector<16xi32>], vector<16xi32>, vector<16xi1>
    }
    %scan3A_110 = arith.constant 32 : i32
    %add3A_111 = arith.constant 224 : i32
    %add3A_112 = arith.addi %mul3A_2, %add3A_111 : i32
    %dma_start3A_113 = arith.constant 0 : i32
    %dma_start3A_114 = tpu.memref_slice %arg2[%add3A_112, %dma_start3A_113] : memref<16384x200xi32, #tpu.memory_space<hbm>> -> memref<32x200xi32, #tpu.memory_space<hbm>>
    %dma_start3A_115 = arith.constant 0 : i32
    %dma_start3A_116 = tpu.memref_slice %arg2[%add3A_112, %dma_start3A_115] : memref<16384x200xi32, #tpu.memory_space<hbm>> -> memref<32x200xi32, #tpu.memory_space<hbm>>
    tpu.enqueue_dma source(%dma_start3A_116 : memref<32x200xi32, #tpu.memory_space<hbm>>) target(%arg6 : memref<32x200xi32, #tpu.memory_space<vmem>>) target_semaphore(%arg8 : memref<!tpu.dma_semaphore, #tpu.memory_space<semaphore_mem>>)
    %dma_wait3A_117 = arith.constant 0 : i32
    %dma_wait3A_118 = tpu.memref_slice %arg2[%add3A_96, %dma_wait3A_117] : memref<16384x200xi32, #tpu.memory_space<hbm>> -> memref<32x200xi32, #tpu.memory_space<hbm>>
    %dma_wait3A_119 = arith.constant 0 : i32
    %dma_wait3A_120 = tpu.memref_slice %arg2[%add3A_96, %dma_wait3A_119] : memref<16384x200xi32, #tpu.memory_space<hbm>> -> memref<32x200xi32, #tpu.memory_space<hbm>>
    tpu.wait_dma2 semaphore(%arg7 : memref<!tpu.dma_semaphore, #tpu.memory_space<semaphore_mem>>) src(%dma_wait3A_120 : memref<32x200xi32, #tpu.memory_space<hbm>>) dst(%arg5 : memref<32x200xi32, #tpu.memory_space<vmem>>)
    %scan3A_121 = arith.constant 0 : i32
    %scan3A_122 = arith.constant 0 : i32
    %scan3A_123 = arith.constant 32 : i32
    %scan3A_124 = arith.addi %scan3A_122, %scan3A_123 : i32
    %scan3A_125 = arith.constant 1 : i32
    scf.for %scan3A_265 = %scan3A_122 to %scan3A_124 step %scan3A_125  : i32 {
      %mul3A_266 = arith.constant 1 : i32
      %mul3A_267 = arith.muli %scan3A_265, %mul3A_266 : i32
      %add3A_268 = arith.constant 0 : i32
      %add3A_269 = arith.addi %mul3A_267, %add3A_268 : i32
      %get3A = arith.index_cast %add3A_269 : i32 to index
      %get3A_270 = arith.constant 0 : index
      %get3A_271 = tpu.vector_load %arg5[%get3A, %get3A_270] {strides = array<i32>} : memref<32x200xi32, #tpu.memory_space<vmem>>, vector<16xi32>,
      %add3A_272 = arith.constant 0 : i32
      %add3A_273 = arith.addi %mul3A_267, %add3A_272 : i32
      %get3A_274 = arith.index_cast %add3A_273 : i32 to index
      %get3A_275 = arith.constant 16 : index
      %get3A_276 = tpu.vector_load %arg5[%get3A_274, %get3A_275] {strides = array<i32>} : memref<32x200xi32, #tpu.memory_space<vmem>>, vector<16xi32>,
      %add3A_277 = arith.constant 0 : i32
      %add3A_278 = arith.addi %mul3A_267, %add3A_277 : i32
      %get3A_279 = arith.index_cast %add3A_278 : i32 to index
      %get3A_280 = arith.constant 32 : index
      %get3A_281 = tpu.vector_load %arg5[%get3A_279, %get3A_280] {strides = array<i32>} : memref<32x200xi32, #tpu.memory_space<vmem>>, vector<16xi32>,
      %add3A_282 = arith.constant 0 : i32
      %add3A_283 = arith.addi %mul3A_267, %add3A_282 : i32
      %get3A_284 = arith.index_cast %add3A_283 : i32 to index
      %get3A_285 = arith.constant 48 : index
      %get3A_286 = tpu.vector_load %arg5[%get3A_284, %get3A_285] {strides = array<i32>} : memref<32x200xi32, #tpu.memory_space<vmem>>, vector<16xi32>,
      %add3A_287 = arith.constant 0 : i32
      %add3A_288 = arith.addi %mul3A_267, %add3A_287 : i32
      %get3A_289 = arith.index_cast %add3A_288 : i32 to index
      %get3A_290 = arith.constant 64 : index
      %get3A_291 = tpu.vector_load %arg5[%get3A_289, %get3A_290] {strides = array<i32>} : memref<32x200xi32, #tpu.memory_space<vmem>>, vector<16xi32>,
      %add3A_292 = arith.constant 0 : i32
      %add3A_293 = arith.addi %mul3A_267, %add3A_292 : i32
      %get3A_294 = arith.index_cast %add3A_293 : i32 to index
      %get3A_295 = arith.constant 80 : index
      %get3A_296 = tpu.vector_load %arg5[%get3A_294, %get3A_295] {strides = array<i32>} : memref<32x200xi32, #tpu.memory_space<vmem>>, vector<16xi32>,
      %add3A_297 = arith.constant 0 : i32
      %add3A_298 = arith.addi %mul3A_267, %add3A_297 : i32
      %get3A_299 = arith.index_cast %add3A_298 : i32 to index
      %get3A_300 = arith.constant 96 : index
      %get3A_301 = tpu.vector_load %arg5[%get3A_299, %get3A_300] {strides = array<i32>} : memref<32x200xi32, #tpu.memory_space<vmem>>, vector<16xi32>,
      %add3A_302 = arith.constant 0 : i32
      %add3A_303 = arith.addi %mul3A_267, %add3A_302 : i32
      %get3A_304 = arith.index_cast %add3A_303 : i32 to index
      %get3A_305 = arith.constant 112 : index
      %get3A_306 = tpu.vector_load %arg5[%get3A_304, %get3A_305] {strides = array<i32>} : memref<32x200xi32, #tpu.memory_space<vmem>>, vector<16xi32>,
      %add3A_307 = arith.constant 0 : i32
      %add3A_308 = arith.addi %mul3A_267, %add3A_307 : i32
      %get3A_309 = arith.index_cast %add3A_308 : i32 to index
      %get3A_310 = arith.constant 128 : index
      %get3A_311 = tpu.vector_load %arg5[%get3A_309, %get3A_310] {strides = array<i32>} : memref<32x200xi32, #tpu.memory_space<vmem>>, vector<16xi32>,
      %add3A_312 = arith.constant 0 : i32
      %add3A_313 = arith.addi %mul3A_267, %add3A_312 : i32
      %get3A_314 = arith.index_cast %add3A_313 : i32 to index
      %get3A_315 = arith.constant 144 : index
      %get3A_316 = tpu.vector_load %arg5[%get3A_314, %get3A_315] {strides = array<i32>} : memref<32x200xi32, #tpu.memory_space<vmem>>, vector<16xi32>,
      %add3A_317 = arith.constant 0 : i32
      %add3A_318 = arith.addi %mul3A_267, %add3A_317 : i32
      %get3A_319 = arith.index_cast %add3A_318 : i32 to index
      %get3A_320 = arith.constant 160 : index
      %get3A_321 = tpu.vector_load %arg5[%get3A_319, %get3A_320] {strides = array<i32>} : memref<32x200xi32, #tpu.memory_space<vmem>>, vector<16xi32>,
      %add3A_322 = arith.constant 0 : i32
      %add3A_323 = arith.addi %mul3A_267, %add3A_322 : i32
      %get3A_324 = arith.index_cast %add3A_323 : i32 to index
      %get3A_325 = arith.constant 176 : index
      %get3A_326 = tpu.vector_load %arg5[%get3A_324, %get3A_325] {strides = array<i32>} : memref<32x200xi32, #tpu.memory_space<vmem>>, vector<16xi32>,
      %add3A_327 = arith.constant 0 : i32
      %add3A_328 = arith.addi %mul3A_267, %add3A_327 : i32
      %get3A_329 = arith.index_cast %add3A_328 : i32 to index
      %get3A_330 = arith.constant 184 : index
      %get3A_331 = tpu.vector_load %arg5[%get3A_329, %get3A_330] {strides = array<i32>} : memref<32x200xi32, #tpu.memory_space<vmem>>, vector<16xi32>,
      tpu.vector_store_idx %arg4[%get3A_271], %broadcast_in_dim3A_13 {add = true} : memref<100096xi32, #tpu.memory_space<vmem>>[vector<16xi32>], vector<16xi32>,
      tpu.vector_store_idx %arg4[%get3A_276], %broadcast_in_dim3A_13 {add = true} : memref<100096xi32, #tpu.memory_space<vmem>>[vector<16xi32>], vector<16xi32>,
      tpu.vector_store_idx %arg4[%get3A_281], %broadcast_in_dim3A_13 {add = true} : memref<100096xi32, #tpu.memory_space<vmem>>[vector<16xi32>], vector<16xi32>,
      tpu.vector_store_idx %arg4[%get3A_286], %broadcast_in_dim3A_13 {add = true} : memref<100096xi32, #tpu.memory_space<vmem>>[vector<16xi32>], vector<16xi32>,
      tpu.vector_store_idx %arg4[%get3A_291], %broadcast_in_dim3A_13 {add = true} : memref<100096xi32, #tpu.memory_space<vmem>>[vector<16xi32>], vector<16xi32>,
      tpu.vector_store_idx %arg4[%get3A_296], %broadcast_in_dim3A_13 {add = true} : memref<100096xi32, #tpu.memory_space<vmem>>[vector<16xi32>], vector<16xi32>,
      tpu.vector_store_idx %arg4[%get3A_301], %broadcast_in_dim3A_13 {add = true} : memref<100096xi32, #tpu.memory_space<vmem>>[vector<16xi32>], vector<16xi32>,
      tpu.vector_store_idx %arg4[%get3A_306], %broadcast_in_dim3A_13 {add = true} : memref<100096xi32, #tpu.memory_space<vmem>>[vector<16xi32>], vector<16xi32>,
      tpu.vector_store_idx %arg4[%get3A_311], %broadcast_in_dim3A_13 {add = true} : memref<100096xi32, #tpu.memory_space<vmem>>[vector<16xi32>], vector<16xi32>,
      tpu.vector_store_idx %arg4[%get3A_316], %broadcast_in_dim3A_13 {add = true} : memref<100096xi32, #tpu.memory_space<vmem>>[vector<16xi32>], vector<16xi32>,
      tpu.vector_store_idx %arg4[%get3A_321], %broadcast_in_dim3A_13 {add = true} : memref<100096xi32, #tpu.memory_space<vmem>>[vector<16xi32>], vector<16xi32>,
      tpu.vector_store_idx %arg4[%get3A_326], %broadcast_in_dim3A_13 {add = true} : memref<100096xi32, #tpu.memory_space<vmem>>[vector<16xi32>], vector<16xi32>,
      tpu.vector_store_idx %arg4[%get3A_331], %broadcast_in_dim3A_13 masked %ge3A_15 {add = true} : memref<100096xi32, #tpu.memory_space<vmem>>[vector<16xi32>], vector<16xi32>, vector<16xi1>
    }
    %scan3A_126 = arith.constant 32 : i32
    %add3A_127 = arith.constant 256 : i32
    %add3A_128 = arith.addi %mul3A_2, %add3A_127 : i32
    %dma_start3A_129 = arith.constant 0 : i32
    %dma_start3A_130 = tpu.memref_slice %arg2[%add3A_128, %dma_start3A_129] : memref<16384x200xi32, #tpu.memory_space<hbm>> -> memref<32x200xi32, #tpu.memory_space<hbm>>
    %dma_start3A_131 = arith.constant 0 : i32
    %dma_start3A_132 = tpu.memref_slice %arg2[%add3A_128, %dma_start3A_131] : memref<16384x200xi32, #tpu.memory_space<hbm>> -> memref<32x200xi32, #tpu.memory_space<hbm>>
    tpu.enqueue_dma source(%dma_start3A_132 : memref<32x200xi32, #tpu.memory_space<hbm>>) target(%arg5 : memref<32x200xi32, #tpu.memory_space<vmem>>) target_semaphore(%arg7 : memref<!tpu.dma_semaphore, #tpu.memory_space<semaphore_mem>>)
    %dma_wait3A_133 = arith.constant 0 : i32
    %dma_wait3A_134 = tpu.memref_slice %arg2[%add3A_112, %dma_wait3A_133] : memref<16384x200xi32, #tpu.memory_space<hbm>> -> memref<32x200xi32, #tpu.memory_space<hbm>>
    %dma_wait3A_135 = arith.constant 0 : i32
    %dma_wait3A_136 = tpu.memref_slice %arg2[%add3A_112, %dma_wait3A_135] : memref<16384x200xi32, #tpu.memory_space<hbm>> -> memref<32x200xi32, #tpu.memory_space<hbm>>
    tpu.wait_dma2 semaphore(%arg8 : memref<!tpu.dma_semaphore, #tpu.memory_space<semaphore_mem>>) src(%dma_wait3A_136 : memref<32x200xi32, #tpu.memory_space<hbm>>) dst(%arg6 : memref<32x200xi32, #tpu.memory_space<vmem>>)
    %scan3A_137 = arith.constant 0 : i32
    %scan3A_138 = arith.constant 0 : i32
    %scan3A_139 = arith.constant 32 : i32
    %scan3A_140 = arith.addi %scan3A_138, %scan3A_139 : i32
    %scan3A_141 = arith.constant 1 : i32
    scf.for %scan3A_265 = %scan3A_138 to %scan3A_140 step %scan3A_141  : i32 {
      %mul3A_266 = arith.constant 1 : i32
      %mul3A_267 = arith.muli %scan3A_265, %mul3A_266 : i32
      %add3A_268 = arith.constant 0 : i32
      %add3A_269 = arith.addi %mul3A_267, %add3A_268 : i32
      %get3A = arith.index_cast %add3A_269 : i32 to index
      %get3A_270 = arith.constant 0 : index
      %get3A_271 = tpu.vector_load %arg6[%get3A, %get3A_270] {strides = array<i32>} : memref<32x200xi32, #tpu.memory_space<vmem>>, vector<16xi32>,
      %add3A_272 = arith.constant 0 : i32
      %add3A_273 = arith.addi %mul3A_267, %add3A_272 : i32
      %get3A_274 = arith.index_cast %add3A_273 : i32 to index
      %get3A_275 = arith.constant 16 : index
      %get3A_276 = tpu.vector_load %arg6[%get3A_274, %get3A_275] {strides = array<i32>} : memref<32x200xi32, #tpu.memory_space<vmem>>, vector<16xi32>,
      %add3A_277 = arith.constant 0 : i32
      %add3A_278 = arith.addi %mul3A_267, %add3A_277 : i32
      %get3A_279 = arith.index_cast %add3A_278 : i32 to index
      %get3A_280 = arith.constant 32 : index
      %get3A_281 = tpu.vector_load %arg6[%get3A_279, %get3A_280] {strides = array<i32>} : memref<32x200xi32, #tpu.memory_space<vmem>>, vector<16xi32>,
      %add3A_282 = arith.constant 0 : i32
      %add3A_283 = arith.addi %mul3A_267, %add3A_282 : i32
      %get3A_284 = arith.index_cast %add3A_283 : i32 to index
      %get3A_285 = arith.constant 48 : index
      %get3A_286 = tpu.vector_load %arg6[%get3A_284, %get3A_285] {strides = array<i32>} : memref<32x200xi32, #tpu.memory_space<vmem>>, vector<16xi32>,
      %add3A_287 = arith.constant 0 : i32
      %add3A_288 = arith.addi %mul3A_267, %add3A_287 : i32
      %get3A_289 = arith.index_cast %add3A_288 : i32 to index
      %get3A_290 = arith.constant 64 : index
      %get3A_291 = tpu.vector_load %arg6[%get3A_289, %get3A_290] {strides = array<i32>} : memref<32x200xi32, #tpu.memory_space<vmem>>, vector<16xi32>,
      %add3A_292 = arith.constant 0 : i32
      %add3A_293 = arith.addi %mul3A_267, %add3A_292 : i32
      %get3A_294 = arith.index_cast %add3A_293 : i32 to index
      %get3A_295 = arith.constant 80 : index
      %get3A_296 = tpu.vector_load %arg6[%get3A_294, %get3A_295] {strides = array<i32>} : memref<32x200xi32, #tpu.memory_space<vmem>>, vector<16xi32>,
      %add3A_297 = arith.constant 0 : i32
      %add3A_298 = arith.addi %mul3A_267, %add3A_297 : i32
      %get3A_299 = arith.index_cast %add3A_298 : i32 to index
      %get3A_300 = arith.constant 96 : index
      %get3A_301 = tpu.vector_load %arg6[%get3A_299, %get3A_300] {strides = array<i32>} : memref<32x200xi32, #tpu.memory_space<vmem>>, vector<16xi32>,
      %add3A_302 = arith.constant 0 : i32
      %add3A_303 = arith.addi %mul3A_267, %add3A_302 : i32
      %get3A_304 = arith.index_cast %add3A_303 : i32 to index
      %get3A_305 = arith.constant 112 : index
      %get3A_306 = tpu.vector_load %arg6[%get3A_304, %get3A_305] {strides = array<i32>} : memref<32x200xi32, #tpu.memory_space<vmem>>, vector<16xi32>,
      %add3A_307 = arith.constant 0 : i32
      %add3A_308 = arith.addi %mul3A_267, %add3A_307 : i32
      %get3A_309 = arith.index_cast %add3A_308 : i32 to index
      %get3A_310 = arith.constant 128 : index
      %get3A_311 = tpu.vector_load %arg6[%get3A_309, %get3A_310] {strides = array<i32>} : memref<32x200xi32, #tpu.memory_space<vmem>>, vector<16xi32>,
      %add3A_312 = arith.constant 0 : i32
      %add3A_313 = arith.addi %mul3A_267, %add3A_312 : i32
      %get3A_314 = arith.index_cast %add3A_313 : i32 to index
      %get3A_315 = arith.constant 144 : index
      %get3A_316 = tpu.vector_load %arg6[%get3A_314, %get3A_315] {strides = array<i32>} : memref<32x200xi32, #tpu.memory_space<vmem>>, vector<16xi32>,
      %add3A_317 = arith.constant 0 : i32
      %add3A_318 = arith.addi %mul3A_267, %add3A_317 : i32
      %get3A_319 = arith.index_cast %add3A_318 : i32 to index
      %get3A_320 = arith.constant 160 : index
      %get3A_321 = tpu.vector_load %arg6[%get3A_319, %get3A_320] {strides = array<i32>} : memref<32x200xi32, #tpu.memory_space<vmem>>, vector<16xi32>,
      %add3A_322 = arith.constant 0 : i32
      %add3A_323 = arith.addi %mul3A_267, %add3A_322 : i32
      %get3A_324 = arith.index_cast %add3A_323 : i32 to index
      %get3A_325 = arith.constant 176 : index
      %get3A_326 = tpu.vector_load %arg6[%get3A_324, %get3A_325] {strides = array<i32>} : memref<32x200xi32, #tpu.memory_space<vmem>>, vector<16xi32>,
      %add3A_327 = arith.constant 0 : i32
      %add3A_328 = arith.addi %mul3A_267, %add3A_327 : i32
      %get3A_329 = arith.index_cast %add3A_328 : i32 to index
      %get3A_330 = arith.constant 184 : index
      %get3A_331 = tpu.vector_load %arg6[%get3A_329, %get3A_330] {strides = array<i32>} : memref<32x200xi32, #tpu.memory_space<vmem>>, vector<16xi32>,
      tpu.vector_store_idx %arg4[%get3A_271], %broadcast_in_dim3A_13 {add = true} : memref<100096xi32, #tpu.memory_space<vmem>>[vector<16xi32>], vector<16xi32>,
      tpu.vector_store_idx %arg4[%get3A_276], %broadcast_in_dim3A_13 {add = true} : memref<100096xi32, #tpu.memory_space<vmem>>[vector<16xi32>], vector<16xi32>,
      tpu.vector_store_idx %arg4[%get3A_281], %broadcast_in_dim3A_13 {add = true} : memref<100096xi32, #tpu.memory_space<vmem>>[vector<16xi32>], vector<16xi32>,
      tpu.vector_store_idx %arg4[%get3A_286], %broadcast_in_dim3A_13 {add = true} : memref<100096xi32, #tpu.memory_space<vmem>>[vector<16xi32>], vector<16xi32>,
      tpu.vector_store_idx %arg4[%get3A_291], %broadcast_in_dim3A_13 {add = true} : memref<100096xi32, #tpu.memory_space<vmem>>[vector<16xi32>], vector<16xi32>,
      tpu.vector_store_idx %arg4[%get3A_296], %broadcast_in_dim3A_13 {add = true} : memref<100096xi32, #tpu.memory_space<vmem>>[vector<16xi32>], vector<16xi32>,
      tpu.vector_store_idx %arg4[%get3A_301], %broadcast_in_dim3A_13 {add = true} : memref<100096xi32, #tpu.memory_space<vmem>>[vector<16xi32>], vector<16xi32>,
      tpu.vector_store_idx %arg4[%get3A_306], %broadcast_in_dim3A_13 {add = true} : memref<100096xi32, #tpu.memory_space<vmem>>[vector<16xi32>], vector<16xi32>,
      tpu.vector_store_idx %arg4[%get3A_311], %broadcast_in_dim3A_13 {add = true} : memref<100096xi32, #tpu.memory_space<vmem>>[vector<16xi32>], vector<16xi32>,
      tpu.vector_store_idx %arg4[%get3A_316], %broadcast_in_dim3A_13 {add = true} : memref<100096xi32, #tpu.memory_space<vmem>>[vector<16xi32>], vector<16xi32>,
      tpu.vector_store_idx %arg4[%get3A_321], %broadcast_in_dim3A_13 {add = true} : memref<100096xi32, #tpu.memory_space<vmem>>[vector<16xi32>], vector<16xi32>,
      tpu.vector_store_idx %arg4[%get3A_326], %broadcast_in_dim3A_13 {add = true} : memref<100096xi32, #tpu.memory_space<vmem>>[vector<16xi32>], vector<16xi32>,
      tpu.vector_store_idx %arg4[%get3A_331], %broadcast_in_dim3A_13 masked %ge3A_15 {add = true} : memref<100096xi32, #tpu.memory_space<vmem>>[vector<16xi32>], vector<16xi32>, vector<16xi1>
    }
    %scan3A_142 = arith.constant 32 : i32
    %add3A_143 = arith.constant 288 : i32
    %add3A_144 = arith.addi %mul3A_2, %add3A_143 : i32
    %dma_start3A_145 = arith.constant 0 : i32
    %dma_start3A_146 = tpu.memref_slice %arg2[%add3A_144, %dma_start3A_145] : memref<16384x200xi32, #tpu.memory_space<hbm>> -> memref<32x200xi32, #tpu.memory_space<hbm>>
    %dma_start3A_147 = arith.constant 0 : i32
    %dma_start3A_148 = tpu.memref_slice %arg2[%add3A_144, %dma_start3A_147] : memref<16384x200xi32, #tpu.memory_space<hbm>> -> memref<32x200xi32, #tpu.memory_space<hbm>>
    tpu.enqueue_dma source(%dma_start3A_148 : memref<32x200xi32, #tpu.memory_space<hbm>>) target(%arg6 : memref<32x200xi32, #tpu.memory_space<vmem>>) target_semaphore(%arg8 : memref<!tpu.dma_semaphore, #tpu.memory_space<semaphore_mem>>)
    %dma_wait3A_149 = arith.constant 0 : i32
    %dma_wait3A_150 = tpu.memref_slice %arg2[%add3A_128, %dma_wait3A_149] : memref<16384x200xi32, #tpu.memory_space<hbm>> -> memref<32x200xi32, #tpu.memory_space<hbm>>
    %dma_wait3A_151 = arith.constant 0 : i32
    %dma_wait3A_152 = tpu.memref_slice %arg2[%add3A_128, %dma_wait3A_151] : memref<16384x200xi32, #tpu.memory_space<hbm>> -> memref<32x200xi32, #tpu.memory_space<hbm>>
    tpu.wait_dma2 semaphore(%arg7 : memref<!tpu.dma_semaphore, #tpu.memory_space<semaphore_mem>>) src(%dma_wait3A_152 : memref<32x200xi32, #tpu.memory_space<hbm>>) dst(%arg5 : memref<32x200xi32, #tpu.memory_space<vmem>>)
    %scan3A_153 = arith.constant 0 : i32
    %scan3A_154 = arith.constant 0 : i32
    %scan3A_155 = arith.constant 32 : i32
    %scan3A_156 = arith.addi %scan3A_154, %scan3A_155 : i32
    %scan3A_157 = arith.constant 1 : i32
    scf.for %scan3A_265 = %scan3A_154 to %scan3A_156 step %scan3A_157  : i32 {
      %mul3A_266 = arith.constant 1 : i32
      %mul3A_267 = arith.muli %scan3A_265, %mul3A_266 : i32
      %add3A_268 = arith.constant 0 : i32
      %add3A_269 = arith.addi %mul3A_267, %add3A_268 : i32
      %get3A = arith.index_cast %add3A_269 : i32 to index
      %get3A_270 = arith.constant 0 : index
      %get3A_271 = tpu.vector_load %arg5[%get3A, %get3A_270] {strides = array<i32>} : memref<32x200xi32, #tpu.memory_space<vmem>>, vector<16xi32>,
      %add3A_272 = arith.constant 0 : i32
      %add3A_273 = arith.addi %mul3A_267, %add3A_272 : i32
      %get3A_274 = arith.index_cast %add3A_273 : i32 to index
      %get3A_275 = arith.constant 16 : index
      %get3A_276 = tpu.vector_load %arg5[%get3A_274, %get3A_275] {strides = array<i32>} : memref<32x200xi32, #tpu.memory_space<vmem>>, vector<16xi32>,
      %add3A_277 = arith.constant 0 : i32
      %add3A_278 = arith.addi %mul3A_267, %add3A_277 : i32
      %get3A_279 = arith.index_cast %add3A_278 : i32 to index
      %get3A_280 = arith.constant 32 : index
      %get3A_281 = tpu.vector_load %arg5[%get3A_279, %get3A_280] {strides = array<i32>} : memref<32x200xi32, #tpu.memory_space<vmem>>, vector<16xi32>,
      %add3A_282 = arith.constant 0 : i32
      %add3A_283 = arith.addi %mul3A_267, %add3A_282 : i32
      %get3A_284 = arith.index_cast %add3A_283 : i32 to index
      %get3A_285 = arith.constant 48 : index
      %get3A_286 = tpu.vector_load %arg5[%get3A_284, %get3A_285] {strides = array<i32>} : memref<32x200xi32, #tpu.memory_space<vmem>>, vector<16xi32>,
      %add3A_287 = arith.constant 0 : i32
      %add3A_288 = arith.addi %mul3A_267, %add3A_287 : i32
      %get3A_289 = arith.index_cast %add3A_288 : i32 to index
      %get3A_290 = arith.constant 64 : index
      %get3A_291 = tpu.vector_load %arg5[%get3A_289, %get3A_290] {strides = array<i32>} : memref<32x200xi32, #tpu.memory_space<vmem>>, vector<16xi32>,
      %add3A_292 = arith.constant 0 : i32
      %add3A_293 = arith.addi %mul3A_267, %add3A_292 : i32
      %get3A_294 = arith.index_cast %add3A_293 : i32 to index
      %get3A_295 = arith.constant 80 : index
      %get3A_296 = tpu.vector_load %arg5[%get3A_294, %get3A_295] {strides = array<i32>} : memref<32x200xi32, #tpu.memory_space<vmem>>, vector<16xi32>,
      %add3A_297 = arith.constant 0 : i32
      %add3A_298 = arith.addi %mul3A_267, %add3A_297 : i32
      %get3A_299 = arith.index_cast %add3A_298 : i32 to index
      %get3A_300 = arith.constant 96 : index
      %get3A_301 = tpu.vector_load %arg5[%get3A_299, %get3A_300] {strides = array<i32>} : memref<32x200xi32, #tpu.memory_space<vmem>>, vector<16xi32>,
      %add3A_302 = arith.constant 0 : i32
      %add3A_303 = arith.addi %mul3A_267, %add3A_302 : i32
      %get3A_304 = arith.index_cast %add3A_303 : i32 to index
      %get3A_305 = arith.constant 112 : index
      %get3A_306 = tpu.vector_load %arg5[%get3A_304, %get3A_305] {strides = array<i32>} : memref<32x200xi32, #tpu.memory_space<vmem>>, vector<16xi32>,
      %add3A_307 = arith.constant 0 : i32
      %add3A_308 = arith.addi %mul3A_267, %add3A_307 : i32
      %get3A_309 = arith.index_cast %add3A_308 : i32 to index
      %get3A_310 = arith.constant 128 : index
      %get3A_311 = tpu.vector_load %arg5[%get3A_309, %get3A_310] {strides = array<i32>} : memref<32x200xi32, #tpu.memory_space<vmem>>, vector<16xi32>,
      %add3A_312 = arith.constant 0 : i32
      %add3A_313 = arith.addi %mul3A_267, %add3A_312 : i32
      %get3A_314 = arith.index_cast %add3A_313 : i32 to index
      %get3A_315 = arith.constant 144 : index
      %get3A_316 = tpu.vector_load %arg5[%get3A_314, %get3A_315] {strides = array<i32>} : memref<32x200xi32, #tpu.memory_space<vmem>>, vector<16xi32>,
      %add3A_317 = arith.constant 0 : i32
      %add3A_318 = arith.addi %mul3A_267, %add3A_317 : i32
      %get3A_319 = arith.index_cast %add3A_318 : i32 to index
      %get3A_320 = arith.constant 160 : index
      %get3A_321 = tpu.vector_load %arg5[%get3A_319, %get3A_320] {strides = array<i32>} : memref<32x200xi32, #tpu.memory_space<vmem>>, vector<16xi32>,
      %add3A_322 = arith.constant 0 : i32
      %add3A_323 = arith.addi %mul3A_267, %add3A_322 : i32
      %get3A_324 = arith.index_cast %add3A_323 : i32 to index
      %get3A_325 = arith.constant 176 : index
      %get3A_326 = tpu.vector_load %arg5[%get3A_324, %get3A_325] {strides = array<i32>} : memref<32x200xi32, #tpu.memory_space<vmem>>, vector<16xi32>,
      %add3A_327 = arith.constant 0 : i32
      %add3A_328 = arith.addi %mul3A_267, %add3A_327 : i32
      %get3A_329 = arith.index_cast %add3A_328 : i32 to index
      %get3A_330 = arith.constant 184 : index
      %get3A_331 = tpu.vector_load %arg5[%get3A_329, %get3A_330] {strides = array<i32>} : memref<32x200xi32, #tpu.memory_space<vmem>>, vector<16xi32>,
      tpu.vector_store_idx %arg4[%get3A_271], %broadcast_in_dim3A_13 {add = true} : memref<100096xi32, #tpu.memory_space<vmem>>[vector<16xi32>], vector<16xi32>,
      tpu.vector_store_idx %arg4[%get3A_276], %broadcast_in_dim3A_13 {add = true} : memref<100096xi32, #tpu.memory_space<vmem>>[vector<16xi32>], vector<16xi32>,
      tpu.vector_store_idx %arg4[%get3A_281], %broadcast_in_dim3A_13 {add = true} : memref<100096xi32, #tpu.memory_space<vmem>>[vector<16xi32>], vector<16xi32>,
      tpu.vector_store_idx %arg4[%get3A_286], %broadcast_in_dim3A_13 {add = true} : memref<100096xi32, #tpu.memory_space<vmem>>[vector<16xi32>], vector<16xi32>,
      tpu.vector_store_idx %arg4[%get3A_291], %broadcast_in_dim3A_13 {add = true} : memref<100096xi32, #tpu.memory_space<vmem>>[vector<16xi32>], vector<16xi32>,
      tpu.vector_store_idx %arg4[%get3A_296], %broadcast_in_dim3A_13 {add = true} : memref<100096xi32, #tpu.memory_space<vmem>>[vector<16xi32>], vector<16xi32>,
      tpu.vector_store_idx %arg4[%get3A_301], %broadcast_in_dim3A_13 {add = true} : memref<100096xi32, #tpu.memory_space<vmem>>[vector<16xi32>], vector<16xi32>,
      tpu.vector_store_idx %arg4[%get3A_306], %broadcast_in_dim3A_13 {add = true} : memref<100096xi32, #tpu.memory_space<vmem>>[vector<16xi32>], vector<16xi32>,
      tpu.vector_store_idx %arg4[%get3A_311], %broadcast_in_dim3A_13 {add = true} : memref<100096xi32, #tpu.memory_space<vmem>>[vector<16xi32>], vector<16xi32>,
      tpu.vector_store_idx %arg4[%get3A_316], %broadcast_in_dim3A_13 {add = true} : memref<100096xi32, #tpu.memory_space<vmem>>[vector<16xi32>], vector<16xi32>,
      tpu.vector_store_idx %arg4[%get3A_321], %broadcast_in_dim3A_13 {add = true} : memref<100096xi32, #tpu.memory_space<vmem>>[vector<16xi32>], vector<16xi32>,
      tpu.vector_store_idx %arg4[%get3A_326], %broadcast_in_dim3A_13 {add = true} : memref<100096xi32, #tpu.memory_space<vmem>>[vector<16xi32>], vector<16xi32>,
      tpu.vector_store_idx %arg4[%get3A_331], %broadcast_in_dim3A_13 masked %ge3A_15 {add = true} : memref<100096xi32, #tpu.memory_space<vmem>>[vector<16xi32>], vector<16xi32>, vector<16xi1>
    }
    %scan3A_158 = arith.constant 32 : i32
    %add3A_159 = arith.constant 320 : i32
    %add3A_160 = arith.addi %mul3A_2, %add3A_159 : i32
    %dma_start3A_161 = arith.constant 0 : i32
    %dma_start3A_162 = tpu.memref_slice %arg2[%add3A_160, %dma_start3A_161] : memref<16384x200xi32, #tpu.memory_space<hbm>> -> memref<32x200xi32, #tpu.memory_space<hbm>>
    %dma_start3A_163 = arith.constant 0 : i32
    %dma_start3A_164 = tpu.memref_slice %arg2[%add3A_160, %dma_start3A_163] : memref<16384x200xi32, #tpu.memory_space<hbm>> -> memref<32x200xi32, #tpu.memory_space<hbm>>
    tpu.enqueue_dma source(%dma_start3A_164 : memref<32x200xi32, #tpu.memory_space<hbm>>) target(%arg5 : memref<32x200xi32, #tpu.memory_space<vmem>>) target_semaphore(%arg7 : memref<!tpu.dma_semaphore, #tpu.memory_space<semaphore_mem>>)
    %dma_wait3A_165 = arith.constant 0 : i32
    %dma_wait3A_166 = tpu.memref_slice %arg2[%add3A_144, %dma_wait3A_165] : memref<16384x200xi32, #tpu.memory_space<hbm>> -> memref<32x200xi32, #tpu.memory_space<hbm>>
    %dma_wait3A_167 = arith.constant 0 : i32
    %dma_wait3A_168 = tpu.memref_slice %arg2[%add3A_144, %dma_wait3A_167] : memref<16384x200xi32, #tpu.memory_space<hbm>> -> memref<32x200xi32, #tpu.memory_space<hbm>>
    tpu.wait_dma2 semaphore(%arg8 : memref<!tpu.dma_semaphore, #tpu.memory_space<semaphore_mem>>) src(%dma_wait3A_168 : memref<32x200xi32, #tpu.memory_space<hbm>>) dst(%arg6 : memref<32x200xi32, #tpu.memory_space<vmem>>)
    %scan3A_169 = arith.constant 0 : i32
    %scan3A_170 = arith.constant 0 : i32
    %scan3A_171 = arith.constant 32 : i32
    %scan3A_172 = arith.addi %scan3A_170, %scan3A_171 : i32
    %scan3A_173 = arith.constant 1 : i32
    scf.for %scan3A_265 = %scan3A_170 to %scan3A_172 step %scan3A_173  : i32 {
      %mul3A_266 = arith.constant 1 : i32
      %mul3A_267 = arith.muli %scan3A_265, %mul3A_266 : i32
      %add3A_268 = arith.constant 0 : i32
      %add3A_269 = arith.addi %mul3A_267, %add3A_268 : i32
      %get3A = arith.index_cast %add3A_269 : i32 to index
      %get3A_270 = arith.constant 0 : index
      %get3A_271 = tpu.vector_load %arg6[%get3A, %get3A_270] {strides = array<i32>} : memref<32x200xi32, #tpu.memory_space<vmem>>, vector<16xi32>,
      %add3A_272 = arith.constant 0 : i32
      %add3A_273 = arith.addi %mul3A_267, %add3A_272 : i32
      %get3A_274 = arith.index_cast %add3A_273 : i32 to index
      %get3A_275 = arith.constant 16 : index
      %get3A_276 = tpu.vector_load %arg6[%get3A_274, %get3A_275] {strides = array<i32>} : memref<32x200xi32, #tpu.memory_space<vmem>>, vector<16xi32>,
      %add3A_277 = arith.constant 0 : i32
      %add3A_278 = arith.addi %mul3A_267, %add3A_277 : i32
      %get3A_279 = arith.index_cast %add3A_278 : i32 to index
      %get3A_280 = arith.constant 32 : index
      %get3A_281 = tpu.vector_load %arg6[%get3A_279, %get3A_280] {strides = array<i32>} : memref<32x200xi32, #tpu.memory_space<vmem>>, vector<16xi32>,
      %add3A_282 = arith.constant 0 : i32
      %add3A_283 = arith.addi %mul3A_267, %add3A_282 : i32
      %get3A_284 = arith.index_cast %add3A_283 : i32 to index
      %get3A_285 = arith.constant 48 : index
      %get3A_286 = tpu.vector_load %arg6[%get3A_284, %get3A_285] {strides = array<i32>} : memref<32x200xi32, #tpu.memory_space<vmem>>, vector<16xi32>,
      %add3A_287 = arith.constant 0 : i32
      %add3A_288 = arith.addi %mul3A_267, %add3A_287 : i32
      %get3A_289 = arith.index_cast %add3A_288 : i32 to index
      %get3A_290 = arith.constant 64 : index
      %get3A_291 = tpu.vector_load %arg6[%get3A_289, %get3A_290] {strides = array<i32>} : memref<32x200xi32, #tpu.memory_space<vmem>>, vector<16xi32>,
      %add3A_292 = arith.constant 0 : i32
      %add3A_293 = arith.addi %mul3A_267, %add3A_292 : i32
      %get3A_294 = arith.index_cast %add3A_293 : i32 to index
      %get3A_295 = arith.constant 80 : index
      %get3A_296 = tpu.vector_load %arg6[%get3A_294, %get3A_295] {strides = array<i32>} : memref<32x200xi32, #tpu.memory_space<vmem>>, vector<16xi32>,
      %add3A_297 = arith.constant 0 : i32
      %add3A_298 = arith.addi %mul3A_267, %add3A_297 : i32
      %get3A_299 = arith.index_cast %add3A_298 : i32 to index
      %get3A_300 = arith.constant 96 : index
      %get3A_301 = tpu.vector_load %arg6[%get3A_299, %get3A_300] {strides = array<i32>} : memref<32x200xi32, #tpu.memory_space<vmem>>, vector<16xi32>,
      %add3A_302 = arith.constant 0 : i32
      %add3A_303 = arith.addi %mul3A_267, %add3A_302 : i32
      %get3A_304 = arith.index_cast %add3A_303 : i32 to index
      %get3A_305 = arith.constant 112 : index
      %get3A_306 = tpu.vector_load %arg6[%get3A_304, %get3A_305] {strides = array<i32>} : memref<32x200xi32, #tpu.memory_space<vmem>>, vector<16xi32>,
      %add3A_307 = arith.constant 0 : i32
      %add3A_308 = arith.addi %mul3A_267, %add3A_307 : i32
      %get3A_309 = arith.index_cast %add3A_308 : i32 to index
      %get3A_310 = arith.constant 128 : index
      %get3A_311 = tpu.vector_load %arg6[%get3A_309, %get3A_310] {strides = array<i32>} : memref<32x200xi32, #tpu.memory_space<vmem>>, vector<16xi32>,
      %add3A_312 = arith.constant 0 : i32
      %add3A_313 = arith.addi %mul3A_267, %add3A_312 : i32
      %get3A_314 = arith.index_cast %add3A_313 : i32 to index
      %get3A_315 = arith.constant 144 : index
      %get3A_316 = tpu.vector_load %arg6[%get3A_314, %get3A_315] {strides = array<i32>} : memref<32x200xi32, #tpu.memory_space<vmem>>, vector<16xi32>,
      %add3A_317 = arith.constant 0 : i32
      %add3A_318 = arith.addi %mul3A_267, %add3A_317 : i32
      %get3A_319 = arith.index_cast %add3A_318 : i32 to index
      %get3A_320 = arith.constant 160 : index
      %get3A_321 = tpu.vector_load %arg6[%get3A_319, %get3A_320] {strides = array<i32>} : memref<32x200xi32, #tpu.memory_space<vmem>>, vector<16xi32>,
      %add3A_322 = arith.constant 0 : i32
      %add3A_323 = arith.addi %mul3A_267, %add3A_322 : i32
      %get3A_324 = arith.index_cast %add3A_323 : i32 to index
      %get3A_325 = arith.constant 176 : index
      %get3A_326 = tpu.vector_load %arg6[%get3A_324, %get3A_325] {strides = array<i32>} : memref<32x200xi32, #tpu.memory_space<vmem>>, vector<16xi32>,
      %add3A_327 = arith.constant 0 : i32
      %add3A_328 = arith.addi %mul3A_267, %add3A_327 : i32
      %get3A_329 = arith.index_cast %add3A_328 : i32 to index
      %get3A_330 = arith.constant 184 : index
      %get3A_331 = tpu.vector_load %arg6[%get3A_329, %get3A_330] {strides = array<i32>} : memref<32x200xi32, #tpu.memory_space<vmem>>, vector<16xi32>,
      tpu.vector_store_idx %arg4[%get3A_271], %broadcast_in_dim3A_13 {add = true} : memref<100096xi32, #tpu.memory_space<vmem>>[vector<16xi32>], vector<16xi32>,
      tpu.vector_store_idx %arg4[%get3A_276], %broadcast_in_dim3A_13 {add = true} : memref<100096xi32, #tpu.memory_space<vmem>>[vector<16xi32>], vector<16xi32>,
      tpu.vector_store_idx %arg4[%get3A_281], %broadcast_in_dim3A_13 {add = true} : memref<100096xi32, #tpu.memory_space<vmem>>[vector<16xi32>], vector<16xi32>,
      tpu.vector_store_idx %arg4[%get3A_286], %broadcast_in_dim3A_13 {add = true} : memref<100096xi32, #tpu.memory_space<vmem>>[vector<16xi32>], vector<16xi32>,
      tpu.vector_store_idx %arg4[%get3A_291], %broadcast_in_dim3A_13 {add = true} : memref<100096xi32, #tpu.memory_space<vmem>>[vector<16xi32>], vector<16xi32>,
      tpu.vector_store_idx %arg4[%get3A_296], %broadcast_in_dim3A_13 {add = true} : memref<100096xi32, #tpu.memory_space<vmem>>[vector<16xi32>], vector<16xi32>,
      tpu.vector_store_idx %arg4[%get3A_301], %broadcast_in_dim3A_13 {add = true} : memref<100096xi32, #tpu.memory_space<vmem>>[vector<16xi32>], vector<16xi32>,
      tpu.vector_store_idx %arg4[%get3A_306], %broadcast_in_dim3A_13 {add = true} : memref<100096xi32, #tpu.memory_space<vmem>>[vector<16xi32>], vector<16xi32>,
      tpu.vector_store_idx %arg4[%get3A_311], %broadcast_in_dim3A_13 {add = true} : memref<100096xi32, #tpu.memory_space<vmem>>[vector<16xi32>], vector<16xi32>,
      tpu.vector_store_idx %arg4[%get3A_316], %broadcast_in_dim3A_13 {add = true} : memref<100096xi32, #tpu.memory_space<vmem>>[vector<16xi32>], vector<16xi32>,
      tpu.vector_store_idx %arg4[%get3A_321], %broadcast_in_dim3A_13 {add = true} : memref<100096xi32, #tpu.memory_space<vmem>>[vector<16xi32>], vector<16xi32>,
      tpu.vector_store_idx %arg4[%get3A_326], %broadcast_in_dim3A_13 {add = true} : memref<100096xi32, #tpu.memory_space<vmem>>[vector<16xi32>], vector<16xi32>,
      tpu.vector_store_idx %arg4[%get3A_331], %broadcast_in_dim3A_13 masked %ge3A_15 {add = true} : memref<100096xi32, #tpu.memory_space<vmem>>[vector<16xi32>], vector<16xi32>, vector<16xi1>
    }
    %scan3A_174 = arith.constant 32 : i32
    %add3A_175 = arith.constant 352 : i32
    %add3A_176 = arith.addi %mul3A_2, %add3A_175 : i32
    %dma_start3A_177 = arith.constant 0 : i32
    %dma_start3A_178 = tpu.memref_slice %arg2[%add3A_176, %dma_start3A_177] : memref<16384x200xi32, #tpu.memory_space<hbm>> -> memref<32x200xi32, #tpu.memory_space<hbm>>
    %dma_start3A_179 = arith.constant 0 : i32
    %dma_start3A_180 = tpu.memref_slice %arg2[%add3A_176, %dma_start3A_179] : memref<16384x200xi32, #tpu.memory_space<hbm>> -> memref<32x200xi32, #tpu.memory_space<hbm>>
    tpu.enqueue_dma source(%dma_start3A_180 : memref<32x200xi32, #tpu.memory_space<hbm>>) target(%arg6 : memref<32x200xi32, #tpu.memory_space<vmem>>) target_semaphore(%arg8 : memref<!tpu.dma_semaphore, #tpu.memory_space<semaphore_mem>>)
    %dma_wait3A_181 = arith.constant 0 : i32
    %dma_wait3A_182 = tpu.memref_slice %arg2[%add3A_160, %dma_wait3A_181] : memref<16384x200xi32, #tpu.memory_space<hbm>> -> memref<32x200xi32, #tpu.memory_space<hbm>>
    %dma_wait3A_183 = arith.constant 0 : i32
    %dma_wait3A_184 = tpu.memref_slice %arg2[%add3A_160, %dma_wait3A_183] : memref<16384x200xi32, #tpu.memory_space<hbm>> -> memref<32x200xi32, #tpu.memory_space<hbm>>
    tpu.wait_dma2 semaphore(%arg7 : memref<!tpu.dma_semaphore, #tpu.memory_space<semaphore_mem>>) src(%dma_wait3A_184 : memref<32x200xi32, #tpu.memory_space<hbm>>) dst(%arg5 : memref<32x200xi32, #tpu.memory_space<vmem>>)
    %scan3A_185 = arith.constant 0 : i32
    %scan3A_186 = arith.constant 0 : i32
    %scan3A_187 = arith.constant 32 : i32
    %scan3A_188 = arith.addi %scan3A_186, %scan3A_187 : i32
    %scan3A_189 = arith.constant 1 : i32
    scf.for %scan3A_265 = %scan3A_186 to %scan3A_188 step %scan3A_189  : i32 {
      %mul3A_266 = arith.constant 1 : i32
      %mul3A_267 = arith.muli %scan3A_265, %mul3A_266 : i32
      %add3A_268 = arith.constant 0 : i32
      %add3A_269 = arith.addi %mul3A_267, %add3A_268 : i32
      %get3A = arith.index_cast %add3A_269 : i32 to index
      %get3A_270 = arith.constant 0 : index
      %get3A_271 = tpu.vector_load %arg5[%get3A, %get3A_270] {strides = array<i32>} : memref<32x200xi32, #tpu.memory_space<vmem>>, vector<16xi32>,
      %add3A_272 = arith.constant 0 : i32
      %add3A_273 = arith.addi %mul3A_267, %add3A_272 : i32
      %get3A_274 = arith.index_cast %add3A_273 : i32 to index
      %get3A_275 = arith.constant 16 : index
      %get3A_276 = tpu.vector_load %arg5[%get3A_274, %get3A_275] {strides = array<i32>} : memref<32x200xi32, #tpu.memory_space<vmem>>, vector<16xi32>,
      %add3A_277 = arith.constant 0 : i32
      %add3A_278 = arith.addi %mul3A_267, %add3A_277 : i32
      %get3A_279 = arith.index_cast %add3A_278 : i32 to index
      %get3A_280 = arith.constant 32 : index
      %get3A_281 = tpu.vector_load %arg5[%get3A_279, %get3A_280] {strides = array<i32>} : memref<32x200xi32, #tpu.memory_space<vmem>>, vector<16xi32>,
      %add3A_282 = arith.constant 0 : i32
      %add3A_283 = arith.addi %mul3A_267, %add3A_282 : i32
      %get3A_284 = arith.index_cast %add3A_283 : i32 to index
      %get3A_285 = arith.constant 48 : index
      %get3A_286 = tpu.vector_load %arg5[%get3A_284, %get3A_285] {strides = array<i32>} : memref<32x200xi32, #tpu.memory_space<vmem>>, vector<16xi32>,
      %add3A_287 = arith.constant 0 : i32
      %add3A_288 = arith.addi %mul3A_267, %add3A_287 : i32
      %get3A_289 = arith.index_cast %add3A_288 : i32 to index
      %get3A_290 = arith.constant 64 : index
      %get3A_291 = tpu.vector_load %arg5[%get3A_289, %get3A_290] {strides = array<i32>} : memref<32x200xi32, #tpu.memory_space<vmem>>, vector<16xi32>,
      %add3A_292 = arith.constant 0 : i32
      %add3A_293 = arith.addi %mul3A_267, %add3A_292 : i32
      %get3A_294 = arith.index_cast %add3A_293 : i32 to index
      %get3A_295 = arith.constant 80 : index
      %get3A_296 = tpu.vector_load %arg5[%get3A_294, %get3A_295] {strides = array<i32>} : memref<32x200xi32, #tpu.memory_space<vmem>>, vector<16xi32>,
      %add3A_297 = arith.constant 0 : i32
      %add3A_298 = arith.addi %mul3A_267, %add3A_297 : i32
      %get3A_299 = arith.index_cast %add3A_298 : i32 to index
      %get3A_300 = arith.constant 96 : index
      %get3A_301 = tpu.vector_load %arg5[%get3A_299, %get3A_300] {strides = array<i32>} : memref<32x200xi32, #tpu.memory_space<vmem>>, vector<16xi32>,
      %add3A_302 = arith.constant 0 : i32
      %add3A_303 = arith.addi %mul3A_267, %add3A_302 : i32
      %get3A_304 = arith.index_cast %add3A_303 : i32 to index
      %get3A_305 = arith.constant 112 : index
      %get3A_306 = tpu.vector_load %arg5[%get3A_304, %get3A_305] {strides = array<i32>} : memref<32x200xi32, #tpu.memory_space<vmem>>, vector<16xi32>,
      %add3A_307 = arith.constant 0 : i32
      %add3A_308 = arith.addi %mul3A_267, %add3A_307 : i32
      %get3A_309 = arith.index_cast %add3A_308 : i32 to index
      %get3A_310 = arith.constant 128 : index
      %get3A_311 = tpu.vector_load %arg5[%get3A_309, %get3A_310] {strides = array<i32>} : memref<32x200xi32, #tpu.memory_space<vmem>>, vector<16xi32>,
      %add3A_312 = arith.constant 0 : i32
      %add3A_313 = arith.addi %mul3A_267, %add3A_312 : i32
      %get3A_314 = arith.index_cast %add3A_313 : i32 to index
      %get3A_315 = arith.constant 144 : index
      %get3A_316 = tpu.vector_load %arg5[%get3A_314, %get3A_315] {strides = array<i32>} : memref<32x200xi32, #tpu.memory_space<vmem>>, vector<16xi32>,
      %add3A_317 = arith.constant 0 : i32
      %add3A_318 = arith.addi %mul3A_267, %add3A_317 : i32
      %get3A_319 = arith.index_cast %add3A_318 : i32 to index
      %get3A_320 = arith.constant 160 : index
      %get3A_321 = tpu.vector_load %arg5[%get3A_319, %get3A_320] {strides = array<i32>} : memref<32x200xi32, #tpu.memory_space<vmem>>, vector<16xi32>,
      %add3A_322 = arith.constant 0 : i32
      %add3A_323 = arith.addi %mul3A_267, %add3A_322 : i32
      %get3A_324 = arith.index_cast %add3A_323 : i32 to index
      %get3A_325 = arith.constant 176 : index
      %get3A_326 = tpu.vector_load %arg5[%get3A_324, %get3A_325] {strides = array<i32>} : memref<32x200xi32, #tpu.memory_space<vmem>>, vector<16xi32>,
      %add3A_327 = arith.constant 0 : i32
      %add3A_328 = arith.addi %mul3A_267, %add3A_327 : i32
      %get3A_329 = arith.index_cast %add3A_328 : i32 to index
      %get3A_330 = arith.constant 184 : index
      %get3A_331 = tpu.vector_load %arg5[%get3A_329, %get3A_330] {strides = array<i32>} : memref<32x200xi32, #tpu.memory_space<vmem>>, vector<16xi32>,
      tpu.vector_store_idx %arg4[%get3A_271], %broadcast_in_dim3A_13 {add = true} : memref<100096xi32, #tpu.memory_space<vmem>>[vector<16xi32>], vector<16xi32>,
      tpu.vector_store_idx %arg4[%get3A_276], %broadcast_in_dim3A_13 {add = true} : memref<100096xi32, #tpu.memory_space<vmem>>[vector<16xi32>], vector<16xi32>,
      tpu.vector_store_idx %arg4[%get3A_281], %broadcast_in_dim3A_13 {add = true} : memref<100096xi32, #tpu.memory_space<vmem>>[vector<16xi32>], vector<16xi32>,
      tpu.vector_store_idx %arg4[%get3A_286], %broadcast_in_dim3A_13 {add = true} : memref<100096xi32, #tpu.memory_space<vmem>>[vector<16xi32>], vector<16xi32>,
      tpu.vector_store_idx %arg4[%get3A_291], %broadcast_in_dim3A_13 {add = true} : memref<100096xi32, #tpu.memory_space<vmem>>[vector<16xi32>], vector<16xi32>,
      tpu.vector_store_idx %arg4[%get3A_296], %broadcast_in_dim3A_13 {add = true} : memref<100096xi32, #tpu.memory_space<vmem>>[vector<16xi32>], vector<16xi32>,
      tpu.vector_store_idx %arg4[%get3A_301], %broadcast_in_dim3A_13 {add = true} : memref<100096xi32, #tpu.memory_space<vmem>>[vector<16xi32>], vector<16xi32>,
      tpu.vector_store_idx %arg4[%get3A_306], %broadcast_in_dim3A_13 {add = true} : memref<100096xi32, #tpu.memory_space<vmem>>[vector<16xi32>], vector<16xi32>,
      tpu.vector_store_idx %arg4[%get3A_311], %broadcast_in_dim3A_13 {add = true} : memref<100096xi32, #tpu.memory_space<vmem>>[vector<16xi32>], vector<16xi32>,
      tpu.vector_store_idx %arg4[%get3A_316], %broadcast_in_dim3A_13 {add = true} : memref<100096xi32, #tpu.memory_space<vmem>>[vector<16xi32>], vector<16xi32>,
      tpu.vector_store_idx %arg4[%get3A_321], %broadcast_in_dim3A_13 {add = true} : memref<100096xi32, #tpu.memory_space<vmem>>[vector<16xi32>], vector<16xi32>,
      tpu.vector_store_idx %arg4[%get3A_326], %broadcast_in_dim3A_13 {add = true} : memref<100096xi32, #tpu.memory_space<vmem>>[vector<16xi32>], vector<16xi32>,
      tpu.vector_store_idx %arg4[%get3A_331], %broadcast_in_dim3A_13 masked %ge3A_15 {add = true} : memref<100096xi32, #tpu.memory_space<vmem>>[vector<16xi32>], vector<16xi32>, vector<16xi1>
    }
    %scan3A_190 = arith.constant 32 : i32
    %add3A_191 = arith.constant 384 : i32
    %add3A_192 = arith.addi %mul3A_2, %add3A_191 : i32
    %dma_start3A_193 = arith.constant 0 : i32
    %dma_start3A_194 = tpu.memref_slice %arg2[%add3A_192, %dma_start3A_193] : memref<16384x200xi32, #tpu.memory_space<hbm>> -> memref<32x200xi32, #tpu.memory_space<hbm>>
    %dma_start3A_195 = arith.constant 0 : i32
    %dma_start3A_196 = tpu.memref_slice %arg2[%add3A_192, %dma_start3A_195] : memref<16384x200xi32, #tpu.memory_space<hbm>> -> memref<32x200xi32, #tpu.memory_space<hbm>>
    tpu.enqueue_dma source(%dma_start3A_196 : memref<32x200xi32, #tpu.memory_space<hbm>>) target(%arg5 : memref<32x200xi32, #tpu.memory_space<vmem>>) target_semaphore(%arg7 : memref<!tpu.dma_semaphore, #tpu.memory_space<semaphore_mem>>)
    %dma_wait3A_197 = arith.constant 0 : i32
    %dma_wait3A_198 = tpu.memref_slice %arg2[%add3A_176, %dma_wait3A_197] : memref<16384x200xi32, #tpu.memory_space<hbm>> -> memref<32x200xi32, #tpu.memory_space<hbm>>
    %dma_wait3A_199 = arith.constant 0 : i32
    %dma_wait3A_200 = tpu.memref_slice %arg2[%add3A_176, %dma_wait3A_199] : memref<16384x200xi32, #tpu.memory_space<hbm>> -> memref<32x200xi32, #tpu.memory_space<hbm>>
    tpu.wait_dma2 semaphore(%arg8 : memref<!tpu.dma_semaphore, #tpu.memory_space<semaphore_mem>>) src(%dma_wait3A_200 : memref<32x200xi32, #tpu.memory_space<hbm>>) dst(%arg6 : memref<32x200xi32, #tpu.memory_space<vmem>>)
    %scan3A_201 = arith.constant 0 : i32
    %scan3A_202 = arith.constant 0 : i32
    %scan3A_203 = arith.constant 32 : i32
    %scan3A_204 = arith.addi %scan3A_202, %scan3A_203 : i32
    %scan3A_205 = arith.constant 1 : i32
    scf.for %scan3A_265 = %scan3A_202 to %scan3A_204 step %scan3A_205  : i32 {
      %mul3A_266 = arith.constant 1 : i32
      %mul3A_267 = arith.muli %scan3A_265, %mul3A_266 : i32
      %add3A_268 = arith.constant 0 : i32
      %add3A_269 = arith.addi %mul3A_267, %add3A_268 : i32
      %get3A = arith.index_cast %add3A_269 : i32 to index
      %get3A_270 = arith.constant 0 : index
      %get3A_271 = tpu.vector_load %arg6[%get3A, %get3A_270] {strides = array<i32>} : memref<32x200xi32, #tpu.memory_space<vmem>>, vector<16xi32>,
      %add3A_272 = arith.constant 0 : i32
      %add3A_273 = arith.addi %mul3A_267, %add3A_272 : i32
      %get3A_274 = arith.index_cast %add3A_273 : i32 to index
      %get3A_275 = arith.constant 16 : index
      %get3A_276 = tpu.vector_load %arg6[%get3A_274, %get3A_275] {strides = array<i32>} : memref<32x200xi32, #tpu.memory_space<vmem>>, vector<16xi32>,
      %add3A_277 = arith.constant 0 : i32
      %add3A_278 = arith.addi %mul3A_267, %add3A_277 : i32
      %get3A_279 = arith.index_cast %add3A_278 : i32 to index
      %get3A_280 = arith.constant 32 : index
      %get3A_281 = tpu.vector_load %arg6[%get3A_279, %get3A_280] {strides = array<i32>} : memref<32x200xi32, #tpu.memory_space<vmem>>, vector<16xi32>,
      %add3A_282 = arith.constant 0 : i32
      %add3A_283 = arith.addi %mul3A_267, %add3A_282 : i32
      %get3A_284 = arith.index_cast %add3A_283 : i32 to index
      %get3A_285 = arith.constant 48 : index
      %get3A_286 = tpu.vector_load %arg6[%get3A_284, %get3A_285] {strides = array<i32>} : memref<32x200xi32, #tpu.memory_space<vmem>>, vector<16xi32>,
      %add3A_287 = arith.constant 0 : i32
      %add3A_288 = arith.addi %mul3A_267, %add3A_287 : i32
      %get3A_289 = arith.index_cast %add3A_288 : i32 to index
      %get3A_290 = arith.constant 64 : index
      %get3A_291 = tpu.vector_load %arg6[%get3A_289, %get3A_290] {strides = array<i32>} : memref<32x200xi32, #tpu.memory_space<vmem>>, vector<16xi32>,
      %add3A_292 = arith.constant 0 : i32
      %add3A_293 = arith.addi %mul3A_267, %add3A_292 : i32
      %get3A_294 = arith.index_cast %add3A_293 : i32 to index
      %get3A_295 = arith.constant 80 : index
      %get3A_296 = tpu.vector_load %arg6[%get3A_294, %get3A_295] {strides = array<i32>} : memref<32x200xi32, #tpu.memory_space<vmem>>, vector<16xi32>,
      %add3A_297 = arith.constant 0 : i32
      %add3A_298 = arith.addi %mul3A_267, %add3A_297 : i32
      %get3A_299 = arith.index_cast %add3A_298 : i32 to index
      %get3A_300 = arith.constant 96 : index
      %get3A_301 = tpu.vector_load %arg6[%get3A_299, %get3A_300] {strides = array<i32>} : memref<32x200xi32, #tpu.memory_space<vmem>>, vector<16xi32>,
      %add3A_302 = arith.constant 0 : i32
      %add3A_303 = arith.addi %mul3A_267, %add3A_302 : i32
      %get3A_304 = arith.index_cast %add3A_303 : i32 to index
      %get3A_305 = arith.constant 112 : index
      %get3A_306 = tpu.vector_load %arg6[%get3A_304, %get3A_305] {strides = array<i32>} : memref<32x200xi32, #tpu.memory_space<vmem>>, vector<16xi32>,
      %add3A_307 = arith.constant 0 : i32
      %add3A_308 = arith.addi %mul3A_267, %add3A_307 : i32
      %get3A_309 = arith.index_cast %add3A_308 : i32 to index
      %get3A_310 = arith.constant 128 : index
      %get3A_311 = tpu.vector_load %arg6[%get3A_309, %get3A_310] {strides = array<i32>} : memref<32x200xi32, #tpu.memory_space<vmem>>, vector<16xi32>,
      %add3A_312 = arith.constant 0 : i32
      %add3A_313 = arith.addi %mul3A_267, %add3A_312 : i32
      %get3A_314 = arith.index_cast %add3A_313 : i32 to index
      %get3A_315 = arith.constant 144 : index
      %get3A_316 = tpu.vector_load %arg6[%get3A_314, %get3A_315] {strides = array<i32>} : memref<32x200xi32, #tpu.memory_space<vmem>>, vector<16xi32>,
      %add3A_317 = arith.constant 0 : i32
      %add3A_318 = arith.addi %mul3A_267, %add3A_317 : i32
      %get3A_319 = arith.index_cast %add3A_318 : i32 to index
      %get3A_320 = arith.constant 160 : index
      %get3A_321 = tpu.vector_load %arg6[%get3A_319, %get3A_320] {strides = array<i32>} : memref<32x200xi32, #tpu.memory_space<vmem>>, vector<16xi32>,
      %add3A_322 = arith.constant 0 : i32
      %add3A_323 = arith.addi %mul3A_267, %add3A_322 : i32
      %get3A_324 = arith.index_cast %add3A_323 : i32 to index
      %get3A_325 = arith.constant 176 : index
      %get3A_326 = tpu.vector_load %arg6[%get3A_324, %get3A_325] {strides = array<i32>} : memref<32x200xi32, #tpu.memory_space<vmem>>, vector<16xi32>,
      %add3A_327 = arith.constant 0 : i32
      %add3A_328 = arith.addi %mul3A_267, %add3A_327 : i32
      %get3A_329 = arith.index_cast %add3A_328 : i32 to index
      %get3A_330 = arith.constant 184 : index
      %get3A_331 = tpu.vector_load %arg6[%get3A_329, %get3A_330] {strides = array<i32>} : memref<32x200xi32, #tpu.memory_space<vmem>>, vector<16xi32>,
      tpu.vector_store_idx %arg4[%get3A_271], %broadcast_in_dim3A_13 {add = true} : memref<100096xi32, #tpu.memory_space<vmem>>[vector<16xi32>], vector<16xi32>,
      tpu.vector_store_idx %arg4[%get3A_276], %broadcast_in_dim3A_13 {add = true} : memref<100096xi32, #tpu.memory_space<vmem>>[vector<16xi32>], vector<16xi32>,
      tpu.vector_store_idx %arg4[%get3A_281], %broadcast_in_dim3A_13 {add = true} : memref<100096xi32, #tpu.memory_space<vmem>>[vector<16xi32>], vector<16xi32>,
      tpu.vector_store_idx %arg4[%get3A_286], %broadcast_in_dim3A_13 {add = true} : memref<100096xi32, #tpu.memory_space<vmem>>[vector<16xi32>], vector<16xi32>,
      tpu.vector_store_idx %arg4[%get3A_291], %broadcast_in_dim3A_13 {add = true} : memref<100096xi32, #tpu.memory_space<vmem>>[vector<16xi32>], vector<16xi32>,
      tpu.vector_store_idx %arg4[%get3A_296], %broadcast_in_dim3A_13 {add = true} : memref<100096xi32, #tpu.memory_space<vmem>>[vector<16xi32>], vector<16xi32>,
      tpu.vector_store_idx %arg4[%get3A_301], %broadcast_in_dim3A_13 {add = true} : memref<100096xi32, #tpu.memory_space<vmem>>[vector<16xi32>], vector<16xi32>,
      tpu.vector_store_idx %arg4[%get3A_306], %broadcast_in_dim3A_13 {add = true} : memref<100096xi32, #tpu.memory_space<vmem>>[vector<16xi32>], vector<16xi32>,
      tpu.vector_store_idx %arg4[%get3A_311], %broadcast_in_dim3A_13 {add = true} : memref<100096xi32, #tpu.memory_space<vmem>>[vector<16xi32>], vector<16xi32>,
      tpu.vector_store_idx %arg4[%get3A_316], %broadcast_in_dim3A_13 {add = true} : memref<100096xi32, #tpu.memory_space<vmem>>[vector<16xi32>], vector<16xi32>,
      tpu.vector_store_idx %arg4[%get3A_321], %broadcast_in_dim3A_13 {add = true} : memref<100096xi32, #tpu.memory_space<vmem>>[vector<16xi32>], vector<16xi32>,
      tpu.vector_store_idx %arg4[%get3A_326], %broadcast_in_dim3A_13 {add = true} : memref<100096xi32, #tpu.memory_space<vmem>>[vector<16xi32>], vector<16xi32>,
      tpu.vector_store_idx %arg4[%get3A_331], %broadcast_in_dim3A_13 masked %ge3A_15 {add = true} : memref<100096xi32, #tpu.memory_space<vmem>>[vector<16xi32>], vector<16xi32>, vector<16xi1>
    }
    %scan3A_206 = arith.constant 32 : i32
    %add3A_207 = arith.constant 416 : i32
    %add3A_208 = arith.addi %mul3A_2, %add3A_207 : i32
    %dma_start3A_209 = arith.constant 0 : i32
    %dma_start3A_210 = tpu.memref_slice %arg2[%add3A_208, %dma_start3A_209] : memref<16384x200xi32, #tpu.memory_space<hbm>> -> memref<32x200xi32, #tpu.memory_space<hbm>>
    %dma_start3A_211 = arith.constant 0 : i32
    %dma_start3A_212 = tpu.memref_slice %arg2[%add3A_208, %dma_start3A_211] : memref<16384x200xi32, #tpu.memory_space<hbm>> -> memref<32x200xi32, #tpu.memory_space<hbm>>
    tpu.enqueue_dma source(%dma_start3A_212 : memref<32x200xi32, #tpu.memory_space<hbm>>) target(%arg6 : memref<32x200xi32, #tpu.memory_space<vmem>>) target_semaphore(%arg8 : memref<!tpu.dma_semaphore, #tpu.memory_space<semaphore_mem>>)
    %dma_wait3A_213 = arith.constant 0 : i32
    %dma_wait3A_214 = tpu.memref_slice %arg2[%add3A_192, %dma_wait3A_213] : memref<16384x200xi32, #tpu.memory_space<hbm>> -> memref<32x200xi32, #tpu.memory_space<hbm>>
    %dma_wait3A_215 = arith.constant 0 : i32
    %dma_wait3A_216 = tpu.memref_slice %arg2[%add3A_192, %dma_wait3A_215] : memref<16384x200xi32, #tpu.memory_space<hbm>> -> memref<32x200xi32, #tpu.memory_space<hbm>>
    tpu.wait_dma2 semaphore(%arg7 : memref<!tpu.dma_semaphore, #tpu.memory_space<semaphore_mem>>) src(%dma_wait3A_216 : memref<32x200xi32, #tpu.memory_space<hbm>>) dst(%arg5 : memref<32x200xi32, #tpu.memory_space<vmem>>)
    %scan3A_217 = arith.constant 0 : i32
    %scan3A_218 = arith.constant 0 : i32
    %scan3A_219 = arith.constant 32 : i32
    %scan3A_220 = arith.addi %scan3A_218, %scan3A_219 : i32
    %scan3A_221 = arith.constant 1 : i32
    scf.for %scan3A_265 = %scan3A_218 to %scan3A_220 step %scan3A_221  : i32 {
      %mul3A_266 = arith.constant 1 : i32
      %mul3A_267 = arith.muli %scan3A_265, %mul3A_266 : i32
      %add3A_268 = arith.constant 0 : i32
      %add3A_269 = arith.addi %mul3A_267, %add3A_268 : i32
      %get3A = arith.index_cast %add3A_269 : i32 to index
      %get3A_270 = arith.constant 0 : index
      %get3A_271 = tpu.vector_load %arg5[%get3A, %get3A_270] {strides = array<i32>} : memref<32x200xi32, #tpu.memory_space<vmem>>, vector<16xi32>,
      %add3A_272 = arith.constant 0 : i32
      %add3A_273 = arith.addi %mul3A_267, %add3A_272 : i32
      %get3A_274 = arith.index_cast %add3A_273 : i32 to index
      %get3A_275 = arith.constant 16 : index
      %get3A_276 = tpu.vector_load %arg5[%get3A_274, %get3A_275] {strides = array<i32>} : memref<32x200xi32, #tpu.memory_space<vmem>>, vector<16xi32>,
      %add3A_277 = arith.constant 0 : i32
      %add3A_278 = arith.addi %mul3A_267, %add3A_277 : i32
      %get3A_279 = arith.index_cast %add3A_278 : i32 to index
      %get3A_280 = arith.constant 32 : index
      %get3A_281 = tpu.vector_load %arg5[%get3A_279, %get3A_280] {strides = array<i32>} : memref<32x200xi32, #tpu.memory_space<vmem>>, vector<16xi32>,
      %add3A_282 = arith.constant 0 : i32
      %add3A_283 = arith.addi %mul3A_267, %add3A_282 : i32
      %get3A_284 = arith.index_cast %add3A_283 : i32 to index
      %get3A_285 = arith.constant 48 : index
      %get3A_286 = tpu.vector_load %arg5[%get3A_284, %get3A_285] {strides = array<i32>} : memref<32x200xi32, #tpu.memory_space<vmem>>, vector<16xi32>,
      %add3A_287 = arith.constant 0 : i32
      %add3A_288 = arith.addi %mul3A_267, %add3A_287 : i32
      %get3A_289 = arith.index_cast %add3A_288 : i32 to index
      %get3A_290 = arith.constant 64 : index
      %get3A_291 = tpu.vector_load %arg5[%get3A_289, %get3A_290] {strides = array<i32>} : memref<32x200xi32, #tpu.memory_space<vmem>>, vector<16xi32>,
      %add3A_292 = arith.constant 0 : i32
      %add3A_293 = arith.addi %mul3A_267, %add3A_292 : i32
      %get3A_294 = arith.index_cast %add3A_293 : i32 to index
      %get3A_295 = arith.constant 80 : index
      %get3A_296 = tpu.vector_load %arg5[%get3A_294, %get3A_295] {strides = array<i32>} : memref<32x200xi32, #tpu.memory_space<vmem>>, vector<16xi32>,
      %add3A_297 = arith.constant 0 : i32
      %add3A_298 = arith.addi %mul3A_267, %add3A_297 : i32
      %get3A_299 = arith.index_cast %add3A_298 : i32 to index
      %get3A_300 = arith.constant 96 : index
      %get3A_301 = tpu.vector_load %arg5[%get3A_299, %get3A_300] {strides = array<i32>} : memref<32x200xi32, #tpu.memory_space<vmem>>, vector<16xi32>,
      %add3A_302 = arith.constant 0 : i32
      %add3A_303 = arith.addi %mul3A_267, %add3A_302 : i32
      %get3A_304 = arith.index_cast %add3A_303 : i32 to index
      %get3A_305 = arith.constant 112 : index
      %get3A_306 = tpu.vector_load %arg5[%get3A_304, %get3A_305] {strides = array<i32>} : memref<32x200xi32, #tpu.memory_space<vmem>>, vector<16xi32>,
      %add3A_307 = arith.constant 0 : i32
      %add3A_308 = arith.addi %mul3A_267, %add3A_307 : i32
      %get3A_309 = arith.index_cast %add3A_308 : i32 to index
      %get3A_310 = arith.constant 128 : index
      %get3A_311 = tpu.vector_load %arg5[%get3A_309, %get3A_310] {strides = array<i32>} : memref<32x200xi32, #tpu.memory_space<vmem>>, vector<16xi32>,
      %add3A_312 = arith.constant 0 : i32
      %add3A_313 = arith.addi %mul3A_267, %add3A_312 : i32
      %get3A_314 = arith.index_cast %add3A_313 : i32 to index
      %get3A_315 = arith.constant 144 : index
      %get3A_316 = tpu.vector_load %arg5[%get3A_314, %get3A_315] {strides = array<i32>} : memref<32x200xi32, #tpu.memory_space<vmem>>, vector<16xi32>,
      %add3A_317 = arith.constant 0 : i32
      %add3A_318 = arith.addi %mul3A_267, %add3A_317 : i32
      %get3A_319 = arith.index_cast %add3A_318 : i32 to index
      %get3A_320 = arith.constant 160 : index
      %get3A_321 = tpu.vector_load %arg5[%get3A_319, %get3A_320] {strides = array<i32>} : memref<32x200xi32, #tpu.memory_space<vmem>>, vector<16xi32>,
      %add3A_322 = arith.constant 0 : i32
      %add3A_323 = arith.addi %mul3A_267, %add3A_322 : i32
      %get3A_324 = arith.index_cast %add3A_323 : i32 to index
      %get3A_325 = arith.constant 176 : index
      %get3A_326 = tpu.vector_load %arg5[%get3A_324, %get3A_325] {strides = array<i32>} : memref<32x200xi32, #tpu.memory_space<vmem>>, vector<16xi32>,
      %add3A_327 = arith.constant 0 : i32
      %add3A_328 = arith.addi %mul3A_267, %add3A_327 : i32
      %get3A_329 = arith.index_cast %add3A_328 : i32 to index
      %get3A_330 = arith.constant 184 : index
      %get3A_331 = tpu.vector_load %arg5[%get3A_329, %get3A_330] {strides = array<i32>} : memref<32x200xi32, #tpu.memory_space<vmem>>, vector<16xi32>,
      tpu.vector_store_idx %arg4[%get3A_271], %broadcast_in_dim3A_13 {add = true} : memref<100096xi32, #tpu.memory_space<vmem>>[vector<16xi32>], vector<16xi32>,
      tpu.vector_store_idx %arg4[%get3A_276], %broadcast_in_dim3A_13 {add = true} : memref<100096xi32, #tpu.memory_space<vmem>>[vector<16xi32>], vector<16xi32>,
      tpu.vector_store_idx %arg4[%get3A_281], %broadcast_in_dim3A_13 {add = true} : memref<100096xi32, #tpu.memory_space<vmem>>[vector<16xi32>], vector<16xi32>,
      tpu.vector_store_idx %arg4[%get3A_286], %broadcast_in_dim3A_13 {add = true} : memref<100096xi32, #tpu.memory_space<vmem>>[vector<16xi32>], vector<16xi32>,
      tpu.vector_store_idx %arg4[%get3A_291], %broadcast_in_dim3A_13 {add = true} : memref<100096xi32, #tpu.memory_space<vmem>>[vector<16xi32>], vector<16xi32>,
      tpu.vector_store_idx %arg4[%get3A_296], %broadcast_in_dim3A_13 {add = true} : memref<100096xi32, #tpu.memory_space<vmem>>[vector<16xi32>], vector<16xi32>,
      tpu.vector_store_idx %arg4[%get3A_301], %broadcast_in_dim3A_13 {add = true} : memref<100096xi32, #tpu.memory_space<vmem>>[vector<16xi32>], vector<16xi32>,
      tpu.vector_store_idx %arg4[%get3A_306], %broadcast_in_dim3A_13 {add = true} : memref<100096xi32, #tpu.memory_space<vmem>>[vector<16xi32>], vector<16xi32>,
      tpu.vector_store_idx %arg4[%get3A_311], %broadcast_in_dim3A_13 {add = true} : memref<100096xi32, #tpu.memory_space<vmem>>[vector<16xi32>], vector<16xi32>,
      tpu.vector_store_idx %arg4[%get3A_316], %broadcast_in_dim3A_13 {add = true} : memref<100096xi32, #tpu.memory_space<vmem>>[vector<16xi32>], vector<16xi32>,
      tpu.vector_store_idx %arg4[%get3A_321], %broadcast_in_dim3A_13 {add = true} : memref<100096xi32, #tpu.memory_space<vmem>>[vector<16xi32>], vector<16xi32>,
      tpu.vector_store_idx %arg4[%get3A_326], %broadcast_in_dim3A_13 {add = true} : memref<100096xi32, #tpu.memory_space<vmem>>[vector<16xi32>], vector<16xi32>,
      tpu.vector_store_idx %arg4[%get3A_331], %broadcast_in_dim3A_13 masked %ge3A_15 {add = true} : memref<100096xi32, #tpu.memory_space<vmem>>[vector<16xi32>], vector<16xi32>, vector<16xi1>
    }
    %scan3A_222 = arith.constant 32 : i32
    %add3A_223 = arith.constant 448 : i32
    %add3A_224 = arith.addi %mul3A_2, %add3A_223 : i32
    %dma_start3A_225 = arith.constant 0 : i32
    %dma_start3A_226 = tpu.memref_slice %arg2[%add3A_224, %dma_start3A_225] : memref<16384x200xi32, #tpu.memory_space<hbm>> -> memref<32x200xi32, #tpu.memory_space<hbm>>
    %dma_start3A_227 = arith.constant 0 : i32
    %dma_start3A_228 = tpu.memref_slice %arg2[%add3A_224, %dma_start3A_227] : memref<16384x200xi32, #tpu.memory_space<hbm>> -> memref<32x200xi32, #tpu.memory_space<hbm>>
    tpu.enqueue_dma source(%dma_start3A_228 : memref<32x200xi32, #tpu.memory_space<hbm>>) target(%arg5 : memref<32x200xi32, #tpu.memory_space<vmem>>) target_semaphore(%arg7 : memref<!tpu.dma_semaphore, #tpu.memory_space<semaphore_mem>>)
    %dma_wait3A_229 = arith.constant 0 : i32
    %dma_wait3A_230 = tpu.memref_slice %arg2[%add3A_208, %dma_wait3A_229] : memref<16384x200xi32, #tpu.memory_space<hbm>> -> memref<32x200xi32, #tpu.memory_space<hbm>>
    %dma_wait3A_231 = arith.constant 0 : i32
    %dma_wait3A_232 = tpu.memref_slice %arg2[%add3A_208, %dma_wait3A_231] : memref<16384x200xi32, #tpu.memory_space<hbm>> -> memref<32x200xi32, #tpu.memory_space<hbm>>
    tpu.wait_dma2 semaphore(%arg8 : memref<!tpu.dma_semaphore, #tpu.memory_space<semaphore_mem>>) src(%dma_wait3A_232 : memref<32x200xi32, #tpu.memory_space<hbm>>) dst(%arg6 : memref<32x200xi32, #tpu.memory_space<vmem>>)
    %scan3A_233 = arith.constant 0 : i32
    %scan3A_234 = arith.constant 0 : i32
    %scan3A_235 = arith.constant 32 : i32
    %scan3A_236 = arith.addi %scan3A_234, %scan3A_235 : i32
    %scan3A_237 = arith.constant 1 : i32
    scf.for %scan3A_265 = %scan3A_234 to %scan3A_236 step %scan3A_237  : i32 {
      %mul3A_266 = arith.constant 1 : i32
      %mul3A_267 = arith.muli %scan3A_265, %mul3A_266 : i32
      %add3A_268 = arith.constant 0 : i32
      %add3A_269 = arith.addi %mul3A_267, %add3A_268 : i32
      %get3A = arith.index_cast %add3A_269 : i32 to index
      %get3A_270 = arith.constant 0 : index
      %get3A_271 = tpu.vector_load %arg6[%get3A, %get3A_270] {strides = array<i32>} : memref<32x200xi32, #tpu.memory_space<vmem>>, vector<16xi32>,
      %add3A_272 = arith.constant 0 : i32
      %add3A_273 = arith.addi %mul3A_267, %add3A_272 : i32
      %get3A_274 = arith.index_cast %add3A_273 : i32 to index
      %get3A_275 = arith.constant 16 : index
      %get3A_276 = tpu.vector_load %arg6[%get3A_274, %get3A_275] {strides = array<i32>} : memref<32x200xi32, #tpu.memory_space<vmem>>, vector<16xi32>,
      %add3A_277 = arith.constant 0 : i32
      %add3A_278 = arith.addi %mul3A_267, %add3A_277 : i32
      %get3A_279 = arith.index_cast %add3A_278 : i32 to index
      %get3A_280 = arith.constant 32 : index
      %get3A_281 = tpu.vector_load %arg6[%get3A_279, %get3A_280] {strides = array<i32>} : memref<32x200xi32, #tpu.memory_space<vmem>>, vector<16xi32>,
      %add3A_282 = arith.constant 0 : i32
      %add3A_283 = arith.addi %mul3A_267, %add3A_282 : i32
      %get3A_284 = arith.index_cast %add3A_283 : i32 to index
      %get3A_285 = arith.constant 48 : index
      %get3A_286 = tpu.vector_load %arg6[%get3A_284, %get3A_285] {strides = array<i32>} : memref<32x200xi32, #tpu.memory_space<vmem>>, vector<16xi32>,
      %add3A_287 = arith.constant 0 : i32
      %add3A_288 = arith.addi %mul3A_267, %add3A_287 : i32
      %get3A_289 = arith.index_cast %add3A_288 : i32 to index
      %get3A_290 = arith.constant 64 : index
      %get3A_291 = tpu.vector_load %arg6[%get3A_289, %get3A_290] {strides = array<i32>} : memref<32x200xi32, #tpu.memory_space<vmem>>, vector<16xi32>,
      %add3A_292 = arith.constant 0 : i32
      %add3A_293 = arith.addi %mul3A_267, %add3A_292 : i32
      %get3A_294 = arith.index_cast %add3A_293 : i32 to index
      %get3A_295 = arith.constant 80 : index
      %get3A_296 = tpu.vector_load %arg6[%get3A_294, %get3A_295] {strides = array<i32>} : memref<32x200xi32, #tpu.memory_space<vmem>>, vector<16xi32>,
      %add3A_297 = arith.constant 0 : i32
      %add3A_298 = arith.addi %mul3A_267, %add3A_297 : i32
      %get3A_299 = arith.index_cast %add3A_298 : i32 to index
      %get3A_300 = arith.constant 96 : index
      %get3A_301 = tpu.vector_load %arg6[%get3A_299, %get3A_300] {strides = array<i32>} : memref<32x200xi32, #tpu.memory_space<vmem>>, vector<16xi32>,
      %add3A_302 = arith.constant 0 : i32
      %add3A_303 = arith.addi %mul3A_267, %add3A_302 : i32
      %get3A_304 = arith.index_cast %add3A_303 : i32 to index
      %get3A_305 = arith.constant 112 : index
      %get3A_306 = tpu.vector_load %arg6[%get3A_304, %get3A_305] {strides = array<i32>} : memref<32x200xi32, #tpu.memory_space<vmem>>, vector<16xi32>,
      %add3A_307 = arith.constant 0 : i32
      %add3A_308 = arith.addi %mul3A_267, %add3A_307 : i32
      %get3A_309 = arith.index_cast %add3A_308 : i32 to index
      %get3A_310 = arith.constant 128 : index
      %get3A_311 = tpu.vector_load %arg6[%get3A_309, %get3A_310] {strides = array<i32>} : memref<32x200xi32, #tpu.memory_space<vmem>>, vector<16xi32>,
      %add3A_312 = arith.constant 0 : i32
      %add3A_313 = arith.addi %mul3A_267, %add3A_312 : i32
      %get3A_314 = arith.index_cast %add3A_313 : i32 to index
      %get3A_315 = arith.constant 144 : index
      %get3A_316 = tpu.vector_load %arg6[%get3A_314, %get3A_315] {strides = array<i32>} : memref<32x200xi32, #tpu.memory_space<vmem>>, vector<16xi32>,
      %add3A_317 = arith.constant 0 : i32
      %add3A_318 = arith.addi %mul3A_267, %add3A_317 : i32
      %get3A_319 = arith.index_cast %add3A_318 : i32 to index
      %get3A_320 = arith.constant 160 : index
      %get3A_321 = tpu.vector_load %arg6[%get3A_319, %get3A_320] {strides = array<i32>} : memref<32x200xi32, #tpu.memory_space<vmem>>, vector<16xi32>,
      %add3A_322 = arith.constant 0 : i32
      %add3A_323 = arith.addi %mul3A_267, %add3A_322 : i32
      %get3A_324 = arith.index_cast %add3A_323 : i32 to index
      %get3A_325 = arith.constant 176 : index
      %get3A_326 = tpu.vector_load %arg6[%get3A_324, %get3A_325] {strides = array<i32>} : memref<32x200xi32, #tpu.memory_space<vmem>>, vector<16xi32>,
      %add3A_327 = arith.constant 0 : i32
      %add3A_328 = arith.addi %mul3A_267, %add3A_327 : i32
      %get3A_329 = arith.index_cast %add3A_328 : i32 to index
      %get3A_330 = arith.constant 184 : index
      %get3A_331 = tpu.vector_load %arg6[%get3A_329, %get3A_330] {strides = array<i32>} : memref<32x200xi32, #tpu.memory_space<vmem>>, vector<16xi32>,
      tpu.vector_store_idx %arg4[%get3A_271], %broadcast_in_dim3A_13 {add = true} : memref<100096xi32, #tpu.memory_space<vmem>>[vector<16xi32>], vector<16xi32>,
      tpu.vector_store_idx %arg4[%get3A_276], %broadcast_in_dim3A_13 {add = true} : memref<100096xi32, #tpu.memory_space<vmem>>[vector<16xi32>], vector<16xi32>,
      tpu.vector_store_idx %arg4[%get3A_281], %broadcast_in_dim3A_13 {add = true} : memref<100096xi32, #tpu.memory_space<vmem>>[vector<16xi32>], vector<16xi32>,
      tpu.vector_store_idx %arg4[%get3A_286], %broadcast_in_dim3A_13 {add = true} : memref<100096xi32, #tpu.memory_space<vmem>>[vector<16xi32>], vector<16xi32>,
      tpu.vector_store_idx %arg4[%get3A_291], %broadcast_in_dim3A_13 {add = true} : memref<100096xi32, #tpu.memory_space<vmem>>[vector<16xi32>], vector<16xi32>,
      tpu.vector_store_idx %arg4[%get3A_296], %broadcast_in_dim3A_13 {add = true} : memref<100096xi32, #tpu.memory_space<vmem>>[vector<16xi32>], vector<16xi32>,
      tpu.vector_store_idx %arg4[%get3A_301], %broadcast_in_dim3A_13 {add = true} : memref<100096xi32, #tpu.memory_space<vmem>>[vector<16xi32>], vector<16xi32>,
      tpu.vector_store_idx %arg4[%get3A_306], %broadcast_in_dim3A_13 {add = true} : memref<100096xi32, #tpu.memory_space<vmem>>[vector<16xi32>], vector<16xi32>,
      tpu.vector_store_idx %arg4[%get3A_311], %broadcast_in_dim3A_13 {add = true} : memref<100096xi32, #tpu.memory_space<vmem>>[vector<16xi32>], vector<16xi32>,
      tpu.vector_store_idx %arg4[%get3A_316], %broadcast_in_dim3A_13 {add = true} : memref<100096xi32, #tpu.memory_space<vmem>>[vector<16xi32>], vector<16xi32>,
      tpu.vector_store_idx %arg4[%get3A_321], %broadcast_in_dim3A_13 {add = true} : memref<100096xi32, #tpu.memory_space<vmem>>[vector<16xi32>], vector<16xi32>,
      tpu.vector_store_idx %arg4[%get3A_326], %broadcast_in_dim3A_13 {add = true} : memref<100096xi32, #tpu.memory_space<vmem>>[vector<16xi32>], vector<16xi32>,
      tpu.vector_store_idx %arg4[%get3A_331], %broadcast_in_dim3A_13 masked %ge3A_15 {add = true} : memref<100096xi32, #tpu.memory_space<vmem>>[vector<16xi32>], vector<16xi32>, vector<16xi1>
    }
    %scan3A_238 = arith.constant 32 : i32
    %add3A_239 = arith.constant 480 : i32
    %add3A_240 = arith.addi %mul3A_2, %add3A_239 : i32
    %dma_start3A_241 = arith.constant 0 : i32
    %dma_start3A_242 = tpu.memref_slice %arg2[%add3A_240, %dma_start3A_241] : memref<16384x200xi32, #tpu.memory_space<hbm>> -> memref<32x200xi32, #tpu.memory_space<hbm>>
    %dma_start3A_243 = arith.constant 0 : i32
    %dma_start3A_244 = tpu.memref_slice %arg2[%add3A_240, %dma_start3A_243] : memref<16384x200xi32, #tpu.memory_space<hbm>> -> memref<32x200xi32, #tpu.memory_space<hbm>>
    tpu.enqueue_dma source(%dma_start3A_244 : memref<32x200xi32, #tpu.memory_space<hbm>>) target(%arg6 : memref<32x200xi32, #tpu.memory_space<vmem>>) target_semaphore(%arg8 : memref<!tpu.dma_semaphore, #tpu.memory_space<semaphore_mem>>)
    %dma_wait3A_245 = arith.constant 0 : i32
    %dma_wait3A_246 = tpu.memref_slice %arg2[%add3A_224, %dma_wait3A_245] : memref<16384x200xi32, #tpu.memory_space<hbm>> -> memref<32x200xi32, #tpu.memory_space<hbm>>
    %dma_wait3A_247 = arith.constant 0 : i32
    %dma_wait3A_248 = tpu.memref_slice %arg2[%add3A_224, %dma_wait3A_247] : memref<16384x200xi32, #tpu.memory_space<hbm>> -> memref<32x200xi32, #tpu.memory_space<hbm>>
    tpu.wait_dma2 semaphore(%arg7 : memref<!tpu.dma_semaphore, #tpu.memory_space<semaphore_mem>>) src(%dma_wait3A_248 : memref<32x200xi32, #tpu.memory_space<hbm>>) dst(%arg5 : memref<32x200xi32, #tpu.memory_space<vmem>>)
    %scan3A_249 = arith.constant 0 : i32
    %scan3A_250 = arith.constant 0 : i32
    %scan3A_251 = arith.constant 32 : i32
    %scan3A_252 = arith.addi %scan3A_250, %scan3A_251 : i32
    %scan3A_253 = arith.constant 1 : i32
    scf.for %scan3A_265 = %scan3A_250 to %scan3A_252 step %scan3A_253  : i32 {
      %mul3A_266 = arith.constant 1 : i32
      %mul3A_267 = arith.muli %scan3A_265, %mul3A_266 : i32
      %add3A_268 = arith.constant 0 : i32
      %add3A_269 = arith.addi %mul3A_267, %add3A_268 : i32
      %get3A = arith.index_cast %add3A_269 : i32 to index
      %get3A_270 = arith.constant 0 : index
      %get3A_271 = tpu.vector_load %arg5[%get3A, %get3A_270] {strides = array<i32>} : memref<32x200xi32, #tpu.memory_space<vmem>>, vector<16xi32>,
      %add3A_272 = arith.constant 0 : i32
      %add3A_273 = arith.addi %mul3A_267, %add3A_272 : i32
      %get3A_274 = arith.index_cast %add3A_273 : i32 to index
      %get3A_275 = arith.constant 16 : index
      %get3A_276 = tpu.vector_load %arg5[%get3A_274, %get3A_275] {strides = array<i32>} : memref<32x200xi32, #tpu.memory_space<vmem>>, vector<16xi32>,
      %add3A_277 = arith.constant 0 : i32
      %add3A_278 = arith.addi %mul3A_267, %add3A_277 : i32
      %get3A_279 = arith.index_cast %add3A_278 : i32 to index
      %get3A_280 = arith.constant 32 : index
      %get3A_281 = tpu.vector_load %arg5[%get3A_279, %get3A_280] {strides = array<i32>} : memref<32x200xi32, #tpu.memory_space<vmem>>, vector<16xi32>,
      %add3A_282 = arith.constant 0 : i32
      %add3A_283 = arith.addi %mul3A_267, %add3A_282 : i32
      %get3A_284 = arith.index_cast %add3A_283 : i32 to index
      %get3A_285 = arith.constant 48 : index
      %get3A_286 = tpu.vector_load %arg5[%get3A_284, %get3A_285] {strides = array<i32>} : memref<32x200xi32, #tpu.memory_space<vmem>>, vector<16xi32>,
      %add3A_287 = arith.constant 0 : i32
      %add3A_288 = arith.addi %mul3A_267, %add3A_287 : i32
      %get3A_289 = arith.index_cast %add3A_288 : i32 to index
      %get3A_290 = arith.constant 64 : index
      %get3A_291 = tpu.vector_load %arg5[%get3A_289, %get3A_290] {strides = array<i32>} : memref<32x200xi32, #tpu.memory_space<vmem>>, vector<16xi32>,
      %add3A_292 = arith.constant 0 : i32
      %add3A_293 = arith.addi %mul3A_267, %add3A_292 : i32
      %get3A_294 = arith.index_cast %add3A_293 : i32 to index
      %get3A_295 = arith.constant 80 : index
      %get3A_296 = tpu.vector_load %arg5[%get3A_294, %get3A_295] {strides = array<i32>} : memref<32x200xi32, #tpu.memory_space<vmem>>, vector<16xi32>,
      %add3A_297 = arith.constant 0 : i32
      %add3A_298 = arith.addi %mul3A_267, %add3A_297 : i32
      %get3A_299 = arith.index_cast %add3A_298 : i32 to index
      %get3A_300 = arith.constant 96 : index
      %get3A_301 = tpu.vector_load %arg5[%get3A_299, %get3A_300] {strides = array<i32>} : memref<32x200xi32, #tpu.memory_space<vmem>>, vector<16xi32>,
      %add3A_302 = arith.constant 0 : i32
      %add3A_303 = arith.addi %mul3A_267, %add3A_302 : i32
      %get3A_304 = arith.index_cast %add3A_303 : i32 to index
      %get3A_305 = arith.constant 112 : index
      %get3A_306 = tpu.vector_load %arg5[%get3A_304, %get3A_305] {strides = array<i32>} : memref<32x200xi32, #tpu.memory_space<vmem>>, vector<16xi32>,
      %add3A_307 = arith.constant 0 : i32
      %add3A_308 = arith.addi %mul3A_267, %add3A_307 : i32
      %get3A_309 = arith.index_cast %add3A_308 : i32 to index
      %get3A_310 = arith.constant 128 : index
      %get3A_311 = tpu.vector_load %arg5[%get3A_309, %get3A_310] {strides = array<i32>} : memref<32x200xi32, #tpu.memory_space<vmem>>, vector<16xi32>,
      %add3A_312 = arith.constant 0 : i32
      %add3A_313 = arith.addi %mul3A_267, %add3A_312 : i32
      %get3A_314 = arith.index_cast %add3A_313 : i32 to index
      %get3A_315 = arith.constant 144 : index
      %get3A_316 = tpu.vector_load %arg5[%get3A_314, %get3A_315] {strides = array<i32>} : memref<32x200xi32, #tpu.memory_space<vmem>>, vector<16xi32>,
      %add3A_317 = arith.constant 0 : i32
      %add3A_318 = arith.addi %mul3A_267, %add3A_317 : i32
      %get3A_319 = arith.index_cast %add3A_318 : i32 to index
      %get3A_320 = arith.constant 160 : index
      %get3A_321 = tpu.vector_load %arg5[%get3A_319, %get3A_320] {strides = array<i32>} : memref<32x200xi32, #tpu.memory_space<vmem>>, vector<16xi32>,
      %add3A_322 = arith.constant 0 : i32
      %add3A_323 = arith.addi %mul3A_267, %add3A_322 : i32
      %get3A_324 = arith.index_cast %add3A_323 : i32 to index
      %get3A_325 = arith.constant 176 : index
      %get3A_326 = tpu.vector_load %arg5[%get3A_324, %get3A_325] {strides = array<i32>} : memref<32x200xi32, #tpu.memory_space<vmem>>, vector<16xi32>,
      %add3A_327 = arith.constant 0 : i32
      %add3A_328 = arith.addi %mul3A_267, %add3A_327 : i32
      %get3A_329 = arith.index_cast %add3A_328 : i32 to index
      %get3A_330 = arith.constant 184 : index
      %get3A_331 = tpu.vector_load %arg5[%get3A_329, %get3A_330] {strides = array<i32>} : memref<32x200xi32, #tpu.memory_space<vmem>>, vector<16xi32>,
      tpu.vector_store_idx %arg4[%get3A_271], %broadcast_in_dim3A_13 {add = true} : memref<100096xi32, #tpu.memory_space<vmem>>[vector<16xi32>], vector<16xi32>,
      tpu.vector_store_idx %arg4[%get3A_276], %broadcast_in_dim3A_13 {add = true} : memref<100096xi32, #tpu.memory_space<vmem>>[vector<16xi32>], vector<16xi32>,
      tpu.vector_store_idx %arg4[%get3A_281], %broadcast_in_dim3A_13 {add = true} : memref<100096xi32, #tpu.memory_space<vmem>>[vector<16xi32>], vector<16xi32>,
      tpu.vector_store_idx %arg4[%get3A_286], %broadcast_in_dim3A_13 {add = true} : memref<100096xi32, #tpu.memory_space<vmem>>[vector<16xi32>], vector<16xi32>,
      tpu.vector_store_idx %arg4[%get3A_291], %broadcast_in_dim3A_13 {add = true} : memref<100096xi32, #tpu.memory_space<vmem>>[vector<16xi32>], vector<16xi32>,
      tpu.vector_store_idx %arg4[%get3A_296], %broadcast_in_dim3A_13 {add = true} : memref<100096xi32, #tpu.memory_space<vmem>>[vector<16xi32>], vector<16xi32>,
      tpu.vector_store_idx %arg4[%get3A_301], %broadcast_in_dim3A_13 {add = true} : memref<100096xi32, #tpu.memory_space<vmem>>[vector<16xi32>], vector<16xi32>,
      tpu.vector_store_idx %arg4[%get3A_306], %broadcast_in_dim3A_13 {add = true} : memref<100096xi32, #tpu.memory_space<vmem>>[vector<16xi32>], vector<16xi32>,
      tpu.vector_store_idx %arg4[%get3A_311], %broadcast_in_dim3A_13 {add = true} : memref<100096xi32, #tpu.memory_space<vmem>>[vector<16xi32>], vector<16xi32>,
      tpu.vector_store_idx %arg4[%get3A_316], %broadcast_in_dim3A_13 {add = true} : memref<100096xi32, #tpu.memory_space<vmem>>[vector<16xi32>], vector<16xi32>,
      tpu.vector_store_idx %arg4[%get3A_321], %broadcast_in_dim3A_13 {add = true} : memref<100096xi32, #tpu.memory_space<vmem>>[vector<16xi32>], vector<16xi32>,
      tpu.vector_store_idx %arg4[%get3A_326], %broadcast_in_dim3A_13 {add = true} : memref<100096xi32, #tpu.memory_space<vmem>>[vector<16xi32>], vector<16xi32>,
      tpu.vector_store_idx %arg4[%get3A_331], %broadcast_in_dim3A_13 masked %ge3A_15 {add = true} : memref<100096xi32, #tpu.memory_space<vmem>>[vector<16xi32>], vector<16xi32>, vector<16xi1>
    }
    %scan3A_254 = arith.constant 32 : i32
    %dma_wait3A_255 = arith.constant 0 : i32
    %dma_wait3A_256 = tpu.memref_slice %arg2[%add3A_240, %dma_wait3A_255] : memref<16384x200xi32, #tpu.memory_space<hbm>> -> memref<32x200xi32, #tpu.memory_space<hbm>>
    %dma_wait3A_257 = arith.constant 0 : i32
    %dma_wait3A_258 = tpu.memref_slice %arg2[%add3A_240, %dma_wait3A_257] : memref<16384x200xi32, #tpu.memory_space<hbm>> -> memref<32x200xi32, #tpu.memory_space<hbm>>
    tpu.wait_dma2 semaphore(%arg8 : memref<!tpu.dma_semaphore, #tpu.memory_space<semaphore_mem>>) src(%dma_wait3A_258 : memref<32x200xi32, #tpu.memory_space<hbm>>) dst(%arg6 : memref<32x200xi32, #tpu.memory_space<vmem>>)
    %scan3A_259 = arith.constant 0 : i32
    %scan3A_260 = arith.constant 0 : i32
    %scan3A_261 = arith.constant 32 : i32
    %scan3A_262 = arith.addi %scan3A_260, %scan3A_261 : i32
    %scan3A_263 = arith.constant 1 : i32
    scf.for %scan3A_265 = %scan3A_260 to %scan3A_262 step %scan3A_263  : i32 {
      %mul3A_266 = arith.constant 1 : i32
      %mul3A_267 = arith.muli %scan3A_265, %mul3A_266 : i32
      %add3A_268 = arith.constant 0 : i32
      %add3A_269 = arith.addi %mul3A_267, %add3A_268 : i32
      %get3A = arith.index_cast %add3A_269 : i32 to index
      %get3A_270 = arith.constant 0 : index
      %get3A_271 = tpu.vector_load %arg6[%get3A, %get3A_270] {strides = array<i32>} : memref<32x200xi32, #tpu.memory_space<vmem>>, vector<16xi32>,
      %add3A_272 = arith.constant 0 : i32
      %add3A_273 = arith.addi %mul3A_267, %add3A_272 : i32
      %get3A_274 = arith.index_cast %add3A_273 : i32 to index
      %get3A_275 = arith.constant 16 : index
      %get3A_276 = tpu.vector_load %arg6[%get3A_274, %get3A_275] {strides = array<i32>} : memref<32x200xi32, #tpu.memory_space<vmem>>, vector<16xi32>,
      %add3A_277 = arith.constant 0 : i32
      %add3A_278 = arith.addi %mul3A_267, %add3A_277 : i32
      %get3A_279 = arith.index_cast %add3A_278 : i32 to index
      %get3A_280 = arith.constant 32 : index
      %get3A_281 = tpu.vector_load %arg6[%get3A_279, %get3A_280] {strides = array<i32>} : memref<32x200xi32, #tpu.memory_space<vmem>>, vector<16xi32>,
      %add3A_282 = arith.constant 0 : i32
      %add3A_283 = arith.addi %mul3A_267, %add3A_282 : i32
      %get3A_284 = arith.index_cast %add3A_283 : i32 to index
      %get3A_285 = arith.constant 48 : index
      %get3A_286 = tpu.vector_load %arg6[%get3A_284, %get3A_285] {strides = array<i32>} : memref<32x200xi32, #tpu.memory_space<vmem>>, vector<16xi32>,
      %add3A_287 = arith.constant 0 : i32
      %add3A_288 = arith.addi %mul3A_267, %add3A_287 : i32
      %get3A_289 = arith.index_cast %add3A_288 : i32 to index
      %get3A_290 = arith.constant 64 : index
      %get3A_291 = tpu.vector_load %arg6[%get3A_289, %get3A_290] {strides = array<i32>} : memref<32x200xi32, #tpu.memory_space<vmem>>, vector<16xi32>,
      %add3A_292 = arith.constant 0 : i32
      %add3A_293 = arith.addi %mul3A_267, %add3A_292 : i32
      %get3A_294 = arith.index_cast %add3A_293 : i32 to index
      %get3A_295 = arith.constant 80 : index
      %get3A_296 = tpu.vector_load %arg6[%get3A_294, %get3A_295] {strides = array<i32>} : memref<32x200xi32, #tpu.memory_space<vmem>>, vector<16xi32>,
      %add3A_297 = arith.constant 0 : i32
      %add3A_298 = arith.addi %mul3A_267, %add3A_297 : i32
      %get3A_299 = arith.index_cast %add3A_298 : i32 to index
      %get3A_300 = arith.constant 96 : index
      %get3A_301 = tpu.vector_load %arg6[%get3A_299, %get3A_300] {strides = array<i32>} : memref<32x200xi32, #tpu.memory_space<vmem>>, vector<16xi32>,
      %add3A_302 = arith.constant 0 : i32
      %add3A_303 = arith.addi %mul3A_267, %add3A_302 : i32
      %get3A_304 = arith.index_cast %add3A_303 : i32 to index
      %get3A_305 = arith.constant 112 : index
      %get3A_306 = tpu.vector_load %arg6[%get3A_304, %get3A_305] {strides = array<i32>} : memref<32x200xi32, #tpu.memory_space<vmem>>, vector<16xi32>,
      %add3A_307 = arith.constant 0 : i32
      %add3A_308 = arith.addi %mul3A_267, %add3A_307 : i32
      %get3A_309 = arith.index_cast %add3A_308 : i32 to index
      %get3A_310 = arith.constant 128 : index
      %get3A_311 = tpu.vector_load %arg6[%get3A_309, %get3A_310] {strides = array<i32>} : memref<32x200xi32, #tpu.memory_space<vmem>>, vector<16xi32>,
      %add3A_312 = arith.constant 0 : i32
      %add3A_313 = arith.addi %mul3A_267, %add3A_312 : i32
      %get3A_314 = arith.index_cast %add3A_313 : i32 to index
      %get3A_315 = arith.constant 144 : index
      %get3A_316 = tpu.vector_load %arg6[%get3A_314, %get3A_315] {strides = array<i32>} : memref<32x200xi32, #tpu.memory_space<vmem>>, vector<16xi32>,
      %add3A_317 = arith.constant 0 : i32
      %add3A_318 = arith.addi %mul3A_267, %add3A_317 : i32
      %get3A_319 = arith.index_cast %add3A_318 : i32 to index
      %get3A_320 = arith.constant 160 : index
      %get3A_321 = tpu.vector_load %arg6[%get3A_319, %get3A_320] {strides = array<i32>} : memref<32x200xi32, #tpu.memory_space<vmem>>, vector<16xi32>,
      %add3A_322 = arith.constant 0 : i32
      %add3A_323 = arith.addi %mul3A_267, %add3A_322 : i32
      %get3A_324 = arith.index_cast %add3A_323 : i32 to index
      %get3A_325 = arith.constant 176 : index
      %get3A_326 = tpu.vector_load %arg6[%get3A_324, %get3A_325] {strides = array<i32>} : memref<32x200xi32, #tpu.memory_space<vmem>>, vector<16xi32>,
      %add3A_327 = arith.constant 0 : i32
      %add3A_328 = arith.addi %mul3A_267, %add3A_327 : i32
      %get3A_329 = arith.index_cast %add3A_328 : i32 to index
      %get3A_330 = arith.constant 184 : index
      %get3A_331 = tpu.vector_load %arg6[%get3A_329, %get3A_330] {strides = array<i32>} : memref<32x200xi32, #tpu.memory_space<vmem>>, vector<16xi32>,
      tpu.vector_store_idx %arg4[%get3A_271], %broadcast_in_dim3A_13 {add = true} : memref<100096xi32, #tpu.memory_space<vmem>>[vector<16xi32>], vector<16xi32>,
      tpu.vector_store_idx %arg4[%get3A_276], %broadcast_in_dim3A_13 {add = true} : memref<100096xi32, #tpu.memory_space<vmem>>[vector<16xi32>], vector<16xi32>,
      tpu.vector_store_idx %arg4[%get3A_281], %broadcast_in_dim3A_13 {add = true} : memref<100096xi32, #tpu.memory_space<vmem>>[vector<16xi32>], vector<16xi32>,
      tpu.vector_store_idx %arg4[%get3A_286], %broadcast_in_dim3A_13 {add = true} : memref<100096xi32, #tpu.memory_space<vmem>>[vector<16xi32>], vector<16xi32>,
      tpu.vector_store_idx %arg4[%get3A_291], %broadcast_in_dim3A_13 {add = true} : memref<100096xi32, #tpu.memory_space<vmem>>[vector<16xi32>], vector<16xi32>,
      tpu.vector_store_idx %arg4[%get3A_296], %broadcast_in_dim3A_13 {add = true} : memref<100096xi32, #tpu.memory_space<vmem>>[vector<16xi32>], vector<16xi32>,
      tpu.vector_store_idx %arg4[%get3A_301], %broadcast_in_dim3A_13 {add = true} : memref<100096xi32, #tpu.memory_space<vmem>>[vector<16xi32>], vector<16xi32>,
      tpu.vector_store_idx %arg4[%get3A_306], %broadcast_in_dim3A_13 {add = true} : memref<100096xi32, #tpu.memory_space<vmem>>[vector<16xi32>], vector<16xi32>,
      tpu.vector_store_idx %arg4[%get3A_311], %broadcast_in_dim3A_13 {add = true} : memref<100096xi32, #tpu.memory_space<vmem>>[vector<16xi32>], vector<16xi32>,
      tpu.vector_store_idx %arg4[%get3A_316], %broadcast_in_dim3A_13 {add = true} : memref<100096xi32, #tpu.memory_space<vmem>>[vector<16xi32>], vector<16xi32>,
      tpu.vector_store_idx %arg4[%get3A_321], %broadcast_in_dim3A_13 {add = true} : memref<100096xi32, #tpu.memory_space<vmem>>[vector<16xi32>], vector<16xi32>,
      tpu.vector_store_idx %arg4[%get3A_326], %broadcast_in_dim3A_13 {add = true} : memref<100096xi32, #tpu.memory_space<vmem>>[vector<16xi32>], vector<16xi32>,
      tpu.vector_store_idx %arg4[%get3A_331], %broadcast_in_dim3A_13 masked %ge3A_15 {add = true} : memref<100096xi32, #tpu.memory_space<vmem>>[vector<16xi32>], vector<16xi32>, vector<16xi1>
    }
    %scan3A_264 = arith.constant 32 : i32
    "tpu.region"() ({
      %run_scoped3A = tpu.sem_alloc : memref<!tpu.dma_semaphore, #tpu.memory_space<semaphore_mem>>
      %dma_start3A_265 = arith.constant 0 : i32
      %dma_start3A_266 = tpu.memref_slice %arg3[%add3A, %dma_start3A_265] : memref<32x100096xi32, #tpu.memory_space<hbm>> -> memref<1x100096xi32, #tpu.memory_space<hbm>>
      %dma_start3A_267 = tpu.memref_squeeze %dma_start3A_266 : memref<1x100096xi32, #tpu.memory_space<hbm>> -> memref<100096xi32, #tpu.memory_space<hbm>>
      %dma_start3A_268 = arith.constant 0 : i32
      %dma_start3A_269 = tpu.memref_slice %arg3[%add3A, %dma_start3A_268] : memref<32x100096xi32, #tpu.memory_space<hbm>> -> memref<1x100096xi32, #tpu.memory_space<hbm>>
      %dma_start3A_270 = tpu.memref_squeeze %dma_start3A_269 : memref<1x100096xi32, #tpu.memory_space<hbm>> -> memref<100096xi32, #tpu.memory_space<hbm>>
      tpu.enqueue_dma source(%arg4 : memref<100096xi32, #tpu.memory_space<vmem>>) target(%dma_start3A_270 : memref<100096xi32, #tpu.memory_space<hbm>>) target_semaphore(%run_scoped3A : memref<!tpu.dma_semaphore, #tpu.memory_space<semaphore_mem>>)
      %dma_wait3A_271 = arith.constant 0 : i32
      %dma_wait3A_272 = tpu.memref_slice %arg3[%add3A, %dma_wait3A_271] : memref<32x100096xi32, #tpu.memory_space<hbm>> -> memref<1x100096xi32, #tpu.memory_space<hbm>>
      %dma_wait3A_273 = tpu.memref_squeeze %dma_wait3A_272 : memref<1x100096xi32, #tpu.memory_space<hbm>> -> memref<100096xi32, #tpu.memory_space<hbm>>
      %dma_wait3A_274 = arith.constant 0 : i32
      %dma_wait3A_275 = tpu.memref_slice %arg3[%add3A, %dma_wait3A_274] : memref<32x100096xi32, #tpu.memory_space<hbm>> -> memref<1x100096xi32, #tpu.memory_space<hbm>>
      %dma_wait3A_276 = tpu.memref_squeeze %dma_wait3A_275 : memref<1x100096xi32, #tpu.memory_space<hbm>> -> memref<100096xi32, #tpu.memory_space<hbm>>
      tpu.wait_dma2 semaphore(%run_scoped3A : memref<!tpu.dma_semaphore, #tpu.memory_space<semaphore_mem>>) src(%arg4 : memref<100096xi32, #tpu.memory_space<vmem>>) dst(%dma_wait3A_276 : memref<100096xi32, #tpu.memory_space<hbm>>)
      tpu.yield
    }) : () -> ()
    return
  }
}

module attributes {stable_mosaic.version = 14 : i64} {
  func.func @_tc_entropy(%arg0: i32, %arg1: memref<32x50048xi32, #tpu.memory_space<vmem>>, %arg2: memref<1x1xf32, #tpu.memory_space<smem>>, %arg3: memref<2xf32, #tpu.memory_space<smem>>) attributes {dimension_semantics = [#tpu.dimension_semantics<arbitrary>], iteration_bounds = array<i64: 2>, scalar_prefetch = 0 : i64, scratch_operands = 1 : i64, tpu.core_type = #tpu.core_type<tc>, window_params = [{transform_indices = @transform_0, window_bounds = array<i64: 32, 50048>}, {transform_indices = @transform_1, window_bounds = array<i64: 1, 1>}]} {
    %eq3A = arith.constant 0 : i32
    %eq3A_0 = arith.cmpi eq, %arg0, %eq3A : i32
    %convert_element_type3A = arith.extui %eq3A_0 : i1 to i32
    %cond3A = arith.constant 0 : i32
    %cond3A_1 = arith.cmpi ne, %convert_element_type3A, %cond3A : i32
    scf.if %cond3A_1 {
      %swap3A_34 = arith.constant 0.000000e+00 : f32
      %swap3A_35 = arith.constant 0 : index
      %swap3A_36 = memref.load %arg3[%swap3A_35] : memref<2xf32, #tpu.memory_space<smem>>
      memref.store %swap3A_34, %arg3[%swap3A_35] : memref<2xf32, #tpu.memory_space<smem>>
      %swap3A_37 = arith.constant 0.000000e+00 : f32
      %swap3A_38 = arith.constant 1 : index
      %swap3A_39 = memref.load %arg3[%swap3A_38] : memref<2xf32, #tpu.memory_space<smem>>
      memref.store %swap3A_37, %arg3[%swap3A_38] : memref<2xf32, #tpu.memory_space<smem>>
    } else {
    }
    %get3A = arith.constant 0 : index
    %get3A_2 = arith.constant 0 : index
    %get3A_3 = vector.load %arg1[%get3A, %get3A_2] : memref<32x50048xi32, #tpu.memory_space<vmem>>, vector<32x50048xi32>
    %reduce_sum3A = arith.constant dense<0> : vector<50048xi32>
    %reduce_sum3A_4 = vector.multi_reduction <add>, %get3A_3, %reduce_sum3A [0] : vector<32x50048xi32> to vector<50048xi32>
    %broadcast_in_dim3A = vector.shape_cast %reduce_sum3A_4 : vector<50048xi32> to vector<1x50048xi32>
    %convert_element_type3A_5 = arith.sitofp %broadcast_in_dim3A : vector<1x50048xi32> to vector<1x50048xf32>
    %gt3A = arith.constant 0.000000e+00 : f32
    %gt3A_6 = vector.broadcast %gt3A : f32 to vector<1x50048xf32>
    %gt3A_7 = arith.cmpf ogt, %convert_element_type3A_5, %gt3A_6 : vector<1x50048xf32>
    %jit3A = arith.constant 1.000000e+00 : f32
    %broadcast_in_dim3A_8 = vector.broadcast %jit3A : f32 to vector<1x50048xf32>
    %select_n3A = arith.select %gt3A_7, %convert_element_type3A_5, %broadcast_in_dim3A_8 : vector<1x50048xi1>, vector<1x50048xf32>
    %get3A_9 = arith.constant 0 : index
    %get3A_10 = memref.load %arg3[%get3A_9] : memref<2xf32, #tpu.memory_space<smem>>
    %log3A = math.log %select_n3A : vector<1x50048xf32>
    %mul3A = arith.mulf %select_n3A, %log3A : vector<1x50048xf32>
    %reduce_sum3A_11 = vector.shape_cast %mul3A : vector<1x50048xf32> to vector<1x1x50048xf32>
    %reduce_sum3A_12 = arith.constant dense<0.000000e+00> : vector<1xf32>
    %reduce_sum3A_13 = vector.multi_reduction <add>, %reduce_sum3A_11, %reduce_sum3A_12 [1, 2] : vector<1x1x50048xf32> to vector<1xf32>
    %reduce_sum3A_14 = vector.shape_cast %reduce_sum3A_13 : vector<1xf32> to vector<1x1x1xf32>
    %reduce_sum3A_15 = vector.extract %reduce_sum3A_14[0, 0, 0] : f32 from vector<1x1x1xf32>
    %add3A = arith.addf %get3A_10, %reduce_sum3A_15 : f32
    %swap3A = arith.constant 0 : index
    %swap3A_16 = memref.load %arg3[%swap3A] : memref<2xf32, #tpu.memory_space<smem>>
    memref.store %add3A, %arg3[%swap3A] : memref<2xf32, #tpu.memory_space<smem>>
    %get3A_17 = arith.constant 1 : index
    %get3A_18 = memref.load %arg3[%get3A_17] : memref<2xf32, #tpu.memory_space<smem>>
    %convert_element_type3A_19 = arith.extui %gt3A_7 : vector<1x50048xi1> to vector<1x50048xi32>
    %convert_element_type3A_20 = arith.sitofp %convert_element_type3A_19 : vector<1x50048xi32> to vector<1x50048xf32>
    %reduce_sum3A_21 = vector.shape_cast %convert_element_type3A_20 : vector<1x50048xf32> to vector<1x1x50048xf32>
    %reduce_sum3A_22 = arith.constant dense<0.000000e+00> : vector<1xf32>
    %reduce_sum3A_23 = vector.multi_reduction <add>, %reduce_sum3A_21, %reduce_sum3A_22 [1, 2] : vector<1x1x50048xf32> to vector<1xf32>
    %reduce_sum3A_24 = vector.shape_cast %reduce_sum3A_23 : vector<1xf32> to vector<1x1x1xf32>
    %reduce_sum3A_25 = vector.extract %reduce_sum3A_24[0, 0, 0] : f32 from vector<1x1x1xf32>
    %add3A_26 = arith.addf %get3A_18, %reduce_sum3A_25 : f32
    %swap3A_27 = arith.constant 1 : index
    %swap3A_28 = memref.load %arg3[%swap3A_27] : memref<2xf32, #tpu.memory_space<smem>>
    memref.store %add3A_26, %arg3[%swap3A_27] : memref<2xf32, #tpu.memory_space<smem>>
    %eq3A_29 = arith.constant 1 : i32
    %eq3A_30 = arith.cmpi eq, %arg0, %eq3A_29 : i32
    %convert_element_type3A_31 = arith.extui %eq3A_30 : i1 to i32
    %cond3A_32 = arith.constant 0 : i32
    %cond3A_33 = arith.cmpi ne, %convert_element_type3A_31, %cond3A_32 : i32
    scf.if %cond3A_33 {
      %get3A_34 = arith.constant 0 : index
      %get3A_35 = memref.load %arg3[%get3A_34] : memref<2xf32, #tpu.memory_space<smem>>
      %get3A_36 = arith.constant 1 : index
      %get3A_37 = memref.load %arg3[%get3A_36] : memref<2xf32, #tpu.memory_space<smem>>
      %div3A = arith.constant 3.276800e+06 : f32
      %div3A_38 = arith.divf %get3A_35, %div3A : f32
      %sub3A = arith.constant 15.0023775 : f32
      %sub3A_39 = arith.subf %sub3A, %div3A_38 : f32
      %log3A_40 = math.log %get3A_37 : f32
      %div3A_41 = arith.divf %sub3A_39, %log3A_40 : f32
      %swap3A_42 = arith.constant 0 : index
      %swap3A_43 = arith.constant 0 : index
      %swap3A_44 = memref.load %arg2[%swap3A_42, %swap3A_43] : memref<1x1xf32, #tpu.memory_space<smem>>
      memref.store %div3A_41, %arg2[%swap3A_42, %swap3A_43] : memref<1x1xf32, #tpu.memory_space<smem>>
    } else {
    }
    return
  }
  func.func @transform_0(%arg0: i32) -> (i32, i32) {
    %c0_i32 = arith.constant 0 : i32
    %c0_i32_0 = arith.constant 0 : i32
    return %c0_i32, %arg0 : i32, i32
  }
  func.func @transform_1(%arg0: i32) -> (i32, i32) {
    %c0_i32 = arith.constant 0 : i32
    %c0_i32_0 = arith.constant 0 : i32
    %c0_i32_1 = arith.constant 0 : i32
    return %c0_i32, %c0_i32_0 : i32, i32
  }
}

</mosaic_0001>

<sc_bundles>
// kernel: kernel.4.cloned.1.call-start
scs
__scs_entry_jumppad:
0x0: {  	(pc) =	sbr.rel $0x88, $3  }
0x1: {  	(tag) =	ssettag $0x0;
	lr =	simm.s32 $0x1  }
0x2: {  	[smem:$0x3FA0] =	sst lr;
	_ =	strace $0xD0000000  }
0x3: {  	_ = 	snop  }
0x4: {  	_ = 	snop  }
0x5: {  	_ = 	snop  }
0x6: {  	_ = 	snop  }
0x7: {  	_ = 	snop  }
__scs_overlays_trampoline_lowered:
0x8: {  	[smem:$0x3FAF] =	sst s0  }
0x9: {  	[smem:$0x3FB0] =	sst s1  }
0xa: {  	[smem:$0x3FB1] =	sst s2  }
0xb: {  	[smem:$0x3FB2] =	sst s3  }
0xc: {  	[smem:$0x3FB3] =	sst s4  }
0xd: {  	[smem:$0x3FB4] =	sst s5  }
0xe: {  	[smem:$0x3FB5] =	sst s6  }
0xf: {  	[smem:$0x3FB6] =	sst s7  }
0x10: {  	[smem:$0x3FB7] =	sst s8  }
0x11: {  	[smem:$0x3FB8] =	sst s9;
	s0 =	simm.s32 @!p0 $0x0  }
0x12: {  	s1 =	sld [smem:$0x3F9E];
	s0 =	simm.s32 @p0 $0x1  }
0x13: {  	[smem:$0x3FB9] =	sst s0;
	s0 =	simm.s32 @!p1 $0x0  }
0x14: {  	s2 =	sld [smem:$0x3F9D];
	s0 =	simm.s32 @p1 $0x1  }
0x15: {  	[smem:$0x3FBA] =	sst s0;
	s0 =	simm.s32 @!p2 $0x0  }
0x16: {  	s3 =	sld [smem:$0x3FDB];
	s0 =	simm.s32 @p2 $0x1  }
0x17: {  	s4 =	simm.s32 $0x1BF5;
	[smem:$0x3FBC] =	sst s0  }
0x18: {  	s0 =	sld [smem:$0x3F9F];
	_ =	swait.ge [sflag:s4], $0x0  }
0x19: {  	s7 =	sld [smem:$0x3FA0]  }
0x1a: {  	s8 =	sadd.s32 $0xFFFFE003, lr  }
0x1b: {  	s9 =	sadd.s32 $0xFFFFFEF7, lr;
	s5 =	simm.s32 $0xFFFFFFFF;
	p2 =	slt.u32 s8, $0xFFFFF086  }
0x1c: {  	p1 =	slt.u32 s9, $0xF7A;
	s5 =	simm.s32 @!p2 $0x0  }
0x1d: {  	s5 =	simm.s32 @p1 $0x1;
	p0 =	seq.s32 s7, s2  }
0x1e: {  	s7 =	smul.u32 @!p0 $0xF7A, s2;
	p2 =	seq.s32 @!p0 s5, $0x0  }
0x1f: {  	s9 =	smul.u32 $0xF7A, s1;
	s8 =	simm.s32 @!p0 $0x1BF5;
	p2 =	por !p2, p0  }
0x20: {  	[sflag:s8] =	ssyncset.s32 @!p0 $0xFFFFF086;
	s6 =	sadd.s32 @!p0 s3, s7;
	s7 =	simm.s32 @!p0 $0x108  }
0x21: {  	s3 =	sadd.s32 s3, s9;
	s6 =	sadd.s32 @!p0 $0x88, s6;
	s7 =	simm.s32 @p2 $0x1082  }
0x22: {  	[simem:s7], [sflag:s8] =	dma.local @!p0 [hbm:s6], $0xF7A  }
0x23: {  	s9 =	sor.u32 $0xD0000000, s2;
	s6 =	simm.s32 $0x108;
	_ =	swait.ge @!p0 [sflag:s8], $0x0  }
0x24: {  	s3 =	sadd.s32 $0x88, s3;
	s6 =	simm.s32 @!p1 $0x1082;
	[sflag:s4] =	ssyncset.s32 $0xFFFFF086  }
0x25: {  	[simem:s6], [sflag:s4] =	dma.local [hbm:s3], $0xF7A  }
0x26: {  	[smem:$0x3FA0] =	sst s1;
	(tag) =	ssettag s2;
	_ =	strace s9  }
0x27: {  	s1 =	sld [smem:$0x3FB0]  }
0x28: {  	s2 =	sld [smem:$0x3FB1]  }
0x29: {  	s4 =	sld [smem:$0x3FB3]  }
0x2a: {  	p0 =	seq.s32 s5, $0x0;
	s5 =	sld [smem:$0x3FB4]  }
0x2b: {  	s6 =	sld [smem:$0x3FB5]  }
0x2c: {  	s7 =	sld [smem:$0x3FB6]  }
0x2d: {  	s3 =	simm.s32 $0x108;
	s8 =	sld [smem:$0x3FB7]  }
0x2e: {  	s3 =	simm.s32 @!p0 $0x1082;
	s9 =	sld [smem:$0x3FB8]  }
0x2f: {  	lr =	sadd.s32 s0, s3;
	s0 =	sld [smem:$0x3FAF]  }
0x30: {  	s3 =	sld [smem:$0x3FB2]  }
0x31: {  	[smem:$0x3FBB] =	sst s10  }
0x32: {  	s10 =	sld [smem:$0x3FB9];
	_ =	sdelay $0x3  }
0x33: {  	p0 =	seq.s32 s10, $0x1;
	s10 =	sld [smem:$0x3FBB];
	_ =	sdelay $0x3  }
0x34: {  	[smem:$0x3FBB] =	sst s10  }
0x35: {  	s10 =	sld [smem:$0x3FBA];
	_ =	sdelay $0x3  }
0x36: {  	p1 =	seq.s32 s10, $0x1;
	s10 =	sld [smem:$0x3FBB];
	_ =	sdelay $0x3  }
0x37: {  	[smem:$0x3FBB] =	sst s10  }
0x38: {  	s10 =	sld [smem:$0x3FBC]  }
0x39: {  	_ = 	snop;
	(pc) =	sbr.ind lr, $3  }
0x3a: {  	_ = 	snop  }
0x3b: {  	_ = 	snop  }
0x3c: {  	p2 =	seq.s32 s10, $0x1;
	s10 =	sld [smem:$0x3FBB]  }
0x3d: {  	_ =	shalt  }
0x3e: {  	_ =	shalt  }
0x3f: {  	_ =	shalt  }
0x40: {  	_ =	shalt  }
0x41: {  	_ =	shalt  }
0x42: {  	_ =	shalt  }
0x43: {  	_ =	shalt  }
0x44: {  	_ =	shalt  }
0x45: {  	_ =	shalt  }
0x46: {  	_ =	shalt  }
0x47: {  	_ =	shalt  }
0x48: {  	_ =	shalt  }
0x49: {  	_ =	shalt  }
0x4a: {  	_ =	shalt  }
0x4b: {  	_ =	shalt  }
0x4c: {  	_ =	shalt  }
0x4d: {  	_ =	shalt  }
0x4e: {  	_ =	shalt  }
0x4f: {  	_ =	shalt  }
0x50: {  	_ =	shalt  }
0x51: {  	_ =	shalt  }
0x52: {  	_ =	shalt  }
0x53: {  	_ =	shalt  }
0x54: {  	_ =	shalt  }
0x55: {  	_ =	shalt  }
0x56: {  	_ =	shalt  }
0x57: {  	_ =	shalt  }
0x58: {  	_ =	shalt  }
0x59: {  	_ =	shalt  }
0x5a: {  	_ =	shalt  }
0x5b: {  	_ =	shalt  }
0x5c: {  	_ =	shalt  }
0x5d: {  	_ =	shalt  }
0x5e: {  	_ =	shalt  }
0x5f: {  	_ =	shalt  }
0x60: {  	_ =	shalt  }
0x61: {  	_ =	shalt  }
0x62: {  	_ =	shalt  }
0x63: {  	_ =	shalt  }
0x64: {  	_ =	shalt  }
0x65: {  	_ =	shalt  }
0x66: {  	_ =	shalt  }
0x67: {  	_ =	shalt  }
0x68: {  	_ =	shalt  }
0x69: {  	_ =	shalt  }
0x6a: {  	_ =	shalt  }
0x6b: {  	_ =	shalt  }
0x6c: {  	_ =	shalt  }
0x6d: {  	_ =	shalt  }
0x6e: {  	_ =	shalt  }
0x6f: {  	_ =	shalt  }
0x70: {  	_ =	shalt  }
0x71: {  	_ =	shalt  }
0x72: {  	_ =	shalt  }
0x73: {  	_ =	shalt  }
0x74: {  	_ =	shalt  }
0x75: {  	_ =	shalt  }
0x76: {  	_ =	shalt  }
0x77: {  	_ =	shalt  }
0x78: {  	_ =	shalt  }
0x79: {  	_ =	shalt  }
0x7a: {  	_ =	shalt  }
0x7b: {  	_ =	shalt  }
0x7c: {  	_ =	shalt  }
0x7d: {  	_ =	shalt  }
0x7e: {  	_ =	shalt  }
0x7f: {  	_ =	shalt  }
0x80: {  	_ =	shalt  }
0x81: {  	_ =	shalt  }
0x82: {  	_ =	shalt  }
0x83: {  	_ =	shalt  }
0x84: {  	_ =	shalt  }
0x85: {  	_ =	shalt  }
0x86: {  	_ =	shalt  }
0x87: {  	_ =	shalt  }
.Lfunc_end0:
.L_simem_size_0:
called_computation_lowered:
.L_overlay_start_0:
0x88: {  	s2 =	sld [smem:$0x3FD9]  }
0x89: {  	s3 =	sld [smem:$0x3FFE];
	_ =	sdelay $0x1  }
0x8a: {  	s1 =	srdreg.scid  }
0x8b: {  	s0 =	sand.u32 $0x1, s1  }
0x8c: {  	s16 =	sshll.u32 s0, $0xA;
	s2 =	sadd.s32 s3, s2  }
0x8d: {  	s2 =	sadd.s32 s2, s16  }
0x8e: {  	[smem:$0x3FC7] =	sst s2  }
0x8f: {  	_ = 	snop  }
0x90: {  	(tm) =	ssettm $0x1  }
0x91: {  	s17 =	sld [smem:$0x3FFB];
	_ =	sdelay $0x3  }
0x92: {  	_ =	strace s17  }
0x93: {  	s2 =	sld [smem:$0x3FFC];
	_ =	sdelay $0x3  }
0x94: {  	_ =	strace s2  }
0x95: {  	s2 =	sld [smem:$0x3FFD];
	_ =	sdelay $0x3  }
0x96: {  	_ =	strace s2  }
0x97: {  	_ =	strace $0x8FFFFFFF  }
0x98: {  	s18 =	sld [smem:$0x3FDB];
	_ =	sdelay $0x1  }
0x99: {  	s19 =	simm.s32 $_scs_section_size  }
0x9a: {  	s4 =	simm.s32 $_size__tile_overlayer_lowered;
	s5 =	simm.s32 $_tile_overlayer_lowered  }
0x9b: {  	s22 =	simm.s32 $0x1BFF;
	s21 =	sshll.u32 s5, $0x1;
	s2 =	sadd.s32 s19, s18  }
0x9c: {  	s6 =	simm.s32 $0x0;
	s20 =	sshll.u32 s4, $0x1;
	s4 =	sadd.s32 s21, s2  }
0x9d: {  	[timem:s6], [sflag:s22] =	dma.local [hbm:s4], s20  }
0x9e: {  	_ =	swait.ge [sflag:s22], s20  }
0x9f: {  	s3 =	ssub.s32 $0x0, s20;
	[sflag:s22] =	ssyncset.done $0x0  }
0xa0: {  	[sflag:s22] =	ssyncadd.s32 s3;
	_ =	sdelay $0x1  }
0xa1: {  	s23 =	simm.s32 $0x1B8B  }
0xa2: {  	_ =	swait.ge [sflag:s23], $0x1  }
0xa3: {  	[sflag:s23] =	ssyncset.done $0x0  }
0xa4: {  	s25 =	simm.s32 $0x1B8E;
	s24 =	sld [smem:$0x3FFE];
	[sflag:s23] =	ssyncadd.s32 $0xFFFFFFFF  }
0xa5: {  	s26 =	simm.s32 $execute0_lowered;
	[smem:$0x3FD2] =	sst s25  }
0xa6: {  	s4 =	sshll.u32 s26, $0x1;
	_ =	strace $0x80000046;
	[dreg:$0x1] =	wrdreg $0xFFFFFFFF  }
0xa7: {  	s28 =	simm.s32 $_size_execute0_lowered;
	s2 =	sadd.s32 s2, s4;
	[dreg:$0x0] =	wrdreg $0x0  }
0xa8: {  	s4 =	sshll.u32 s28, $0x1;
	[dreg:$0x2] =	wrdreg s2  }
0xa9: {  	[dreg:$0x3] =	wrdreg s4  }
0xaa: {  	[dreg:$0x4] =	wrdreg $0xC0  }
0xab: {  	_ =	task [dreg:s6], $0x5FFFF  }
0xac: {  	[dreg:$0x1] =	wrdreg $0xFFFFFFFF  }
0xad: {  	[dreg:$0x0] =	wrdreg $0x60  }
0xae: {  	[dreg:$0x2] =	wrdreg s24  }
0xaf: {  	[dreg:$0x3] =	wrdreg $0x9  }
0xb0: {  	_ =	task.clear_ibuf [dreg:s6], $0x4FFFF;
	_ =	strace $0x90000046  }
0xb1: {  	s29 =	simm.s32 $0x9;
	_ =	strace $0x80000048  }
0xb2: {  	_ =	swait.ge [sflag:s29], $0x1  }
0xb3: {  	[sflag:s29] =	ssyncadd.s32 $0xFFFFFFFF  }
0xb4: {  	_ =	strace $0x90000048  }
0xb5: {  	_ =	sfence  }
0xb6: {  	s30 =	sld [smem:$0x0];
	_ =	sdelay $0x2  }
0xb7: {  	s31 =	sshll.u32 s1, $0xD;
	s1 =	sshrl.u32 s1, $0x2  }
0xb8: {  	s3 =	sand.u32 $0x4000, s31;
	s1 =	sadd.s32 s1, s30  }
0xb9: {  	s0 =	sor.u32 s3, s0;
	s1 =	sshll.u32 s1, $0x11  }
0xba: {  	s0 =	sor.u32 s1, s0  }
0xbb: {  	s0 =	sadd.s32 $0x8F2B, s0  }
0xbc: {  	[sflag:s0] =	ssyncadd.remote.s32 $0x1  }
0xbd: {  	_ =	sfence.sel $0xFFFF  }
0xbe: {  	[dreg:$0x0] =	wrdreg $0xFFFFFFFF;
	(pc) =	sbr.abs _section_cstart, $3  }
0xbf: {  	[dreg:$0x1] =	wrdreg $0xFFFFFFFF  }
0xc0: {  	_ =	task.clear_ibuf [dreg:s6], $0x2FFFF;
	_ =	strace $0x9FFFFFFF  }
0xc1: {  	(tm) =	ssettm $0x7FFFFFFF  }
tec
execute0_lowered:
.L_overlay_start_1:
0x0: {  	(tag) =	ssettag $0x1  }
0x1: {  	s1 =	srdreg.scid  }
0x2: {  	s0 =	stileid.u32;
	s3 =	rddreg [dreg:$0x0];
	s21 =	simm.s32 $0x18700  }
0x3: {  	s22 =	simm.s32 $0x1A700;
	s23 =	simm.s32 $0x1;
	s24 =	simm.s32 $0x2  }
0x4: {  	s26 =	simm.s32 $0x400;
	s28 =	simm.s32 $0x3;
	s29 =	simm.s32 $0x0  }
0x5: {  	s4 =	sand.u32 $0x1, s1;
	s2 =	sshll.u32 s0, $0x1;
	s6 =	sshrl.u32 s0, $0x2  }
0x6: {  	s5 =	sor.u32 s4, s2;
	s2 =	simm.s32 $0x0;
	s6 =	smul.u32 $0xC3800, s6  }
0x7: {  	s4 =	ssub.s32 $0x2, s4;
	s7 =	sshll.u32 s5, $0x7;
	[smem:$0x7FF] =	sst s2  }
0x8: {  	s5 =	sshll.u32 s5, $0xE;
	s31 =	sshrl.u32 s4, $0x1;
	s7 =	sand.u32 $0x380, s7  }
0x9: {  	_ =	strace $0x80000047;
	s18 =	sadd.s32 s5, s3;
	s20 =	ssub.s32 s4, s31  }
0xa: {  	s6 =	sor.u32 s6, s7;
	s4 =	sadd.s32 $0xA00, s18;
	s5 =	sadd.s32 $0xE00, s18  }
0xb: {  	s7 =	sadd.s32 $0x1600, s18;
	s8 =	sadd.s32 $0x1A00, s18;
	s9 =	sadd.s32 $0x1E00, s18  }
0xc: {  	s10 =	sadd.s32 $0x2200, s18;
	s11 =	sadd.s32 $0x2600, s18;
	s12 =	sadd.s32 $0x2A00, s18  }
0xd: {  	s13 =	sadd.s32 $0x2E00, s18;
	s14 =	sadd.s32 $0x3200, s18;
	s15 =	sadd.s32 $0x3600, s18  }
0xe: {  	vm0 =	vcmask $0x3F20;
	s16 =	sadd.s32 $0x3A00, s18;
	s17 =	sadd.s32 $0x3E00, s18;
	s6 =	sshrl.u32 s6, $0x3  }
0xf: {  	s20 =	smax.u32 s20, $0x1;
	s19 =	sadd.s32 s6, s3;
	s3 =	sadd.s32 $0x600, s18  }
0x10: {  	v0 =	vimm.s32 $0x0;
	v1 =	vimm.s32 $0x1;
	s6 =	sadd.s32 $0x1200, s18;
	s18 =	sadd.s32 $0x4200, s18;
	s19 =	sadd.s32 $0x80600, s19  }
.LBB2_1:
0x11: {  	[tilespmem:s21], [sflag:$0x1] =	stream.linear.gather [hbm4b:s3+s2], $0x2000, $0x38;
	[tilespmem:$0x1C700] =	vst v63  }
0x12: {  	s30 =	simm.s32 $0x40  }
0x13: {  	[tilespmem:s30+$0xFFFFFFC0] =	vst v0  }
0x14: {  	[tilespmem:s30+$0x30] =	vst v0  }
0x15: {  	[tilespmem:s30+$0x20] =	vst v0  }
0x16: {  	[tilespmem:s30+$0x10] =	vst v0  }
0x17: {  	[tilespmem:s30+$0x0] =	vst v0  }
0x18: {  	[tilespmem:s30+$0xFFFFFFF0] =	vst v0  }
0x19: {  	s31 =	simm.s32 $0x0;
	[tilespmem:s30+$0xFFFFFFE0] =	vst v0  }
.LBB2_2:
0x1a: {  	s31 =	sadd.s32 $0x8, s31;
	[tilespmem:s30+$0xFFFFFFD0] =	vst v0;
	s30 =	sadd.s32 $0x80, s30  }
0x1b: {  	[tilespmem:s30+$0xFFFFFFC0] =	vst v0;
	p0 =	slt.u32 s31, $0x1868  }
0x1c: {  	[tilespmem:s30+$0x30] =	vst v0  }
.Ltmp0:
0x1d: {  	[tilespmem:s30+$0x20] =	vst v0;
	(pc) =	sbr.rel @p0 .LBB2_2-.Ltmp0, $4  }
0x1e: {  	[tilespmem:s30+$0x10] =	vst v0  }
0x1f: {  	[tilespmem:s30+$0x0] =	vst v0  }
0x20: {  	[tilespmem:s30+$0xFFFFFFF0] =	vst v0  }
0x21: {  	[tilespmem:s30+$0xFFFFFFE0] =	vst v0  }
0x22: {  	[tilespmem:s30+$0xFFFFFFD0] =	vst v0;
	s30 =	simm.s32 $0x0  }
0x23: {  	[tilespmem:s22], [sflag:$0x2] =	stream.linear.gather [hbm4b:s4+s30], $0x2000, $0x38;
	[tilespmem:$0x1C700] =	vst v63  }
0x24: {  	_ =	swait.ge [sflag:s23], $0x2000  }
0x25: {  	s31 =	sand.u32 $0x1800, s30;
	s30 =	sand.u32 $0x380, s30;
	[sflag:s23] =	ssyncset.done $0x0  }
0x26: {  	s30 =	sor.u32 s30, s31;
	[sflag:s23] =	ssyncadd.s32 $0xFFFFE000  }
0x27: {  	s31 =	sadd.s32 $0x18700, s30;
	v5 =	vld [tilespmem:s30+$0x18700]  }
0x28: {  	v6 =	vld [tilespmem:s31+$0x60]  }
0x29: {  	v2 =	vld [tilespmem:s31+$0x438]  }
0x2a: {  	v7 =	vld [tilespmem:s31+$0x50]  }
0x2b: {  	v8 =	vld [tilespmem:s31+$0x40]  }
0x2c: {  	v9 =	vld [tilespmem:s31+$0x30]  }
0x2d: {  	v10 =	vld [tilespmem:s31+$0x10]  }
0x2e: {  	v11 =	vld [tilespmem:s31+$0x20]  }
0x2f: {  	v3 =	vld [tilespmem:s31+$0x420]  }
0x30: {  	v12 =	vld [tilespmem:s31+$0x410]  }
0x31: {  	v13 =	vld [tilespmem:s31+$0x400]  }
0x32: {  	v4 =	vld [tilespmem:s31+$0x430]  }
0x33: {  	v14 =	vld [tilespmem:s31+$0x70]  }
0x34: {  	[tilespmem:v5+s2+$0x0] =	vst.idx.add.s32.msk $0xffff, v1  }
0x35: {  	[tilespmem:v10+s2+$0x0] =	vst.idx.add.s32.msk $0xffff, v1  }
0x36: {  	[tilespmem:v11+s2+$0x0] =	vst.idx.add.s32.msk $0xffff, v1  }
0x37: {  	[tilespmem:v9+s2+$0x0] =	vst.idx.add.s32.msk $0xffff, v1  }
0x38: {  	[tilespmem:v8+s2+$0x0] =	vst.idx.add.s32.msk $0xffff, v1  }
0x39: {  	[tilespmem:v7+s2+$0x0] =	vst.idx.add.s32.msk $0xffff, v1  }
0x3a: {  	[tilespmem:v6+s2+$0x0] =	vst.idx.add.s32.msk $0xffff, v1  }
0x3b: {  	[tilespmem:v14+s2+$0x0] =	vst.idx.add.s32.msk $0xffff, v1  }
0x3c: {  	[tilespmem:v13+s2+$0x0] =	vst.idx.add.s32.msk $0xffff, v1  }
0x3d: {  	s31 =	simm.s32 $0x100;
	s30 =	simm.s32 $0x80;
	[tilespmem:v12+s2+$0x0] =	vst.idx.add.s32.msk $0xffff, v1  }
.LBB2_4:
0x3e: {  	s25 =	smov.u32 s31  }
0x3f: {  	s1 =	sand.u32 $0x1800, s31;
	s0 =	sand.u32 $0x380, s30;
	[tilespmem:v3+s2+$0x0] =	vst.idx.add.s32.msk $0xffff, v1;
	s25 =	sadd.s32 $0x100, s31  }
0x40: {  	p0 =	sne.s32 s31, $0x1F00;
	s0 =	sor.u32 s0, s1;
	[tilespmem:v4+s2+$0x0] =	vst.idx.add.s32.msk $0xffff, v1  }
0x41: {  	s1 =	sadd.s32 $0x18700, s0;
	[tilespmem:v2+s2+$0x0] =	vst.idx.add.s32.msk vm0, v1  }
0x42: {  	v5 =	vld [tilespmem:s0+$0x18700]  }
0x43: {  	v6 =	vld [tilespmem:s1+$0x60]  }
0x44: {  	v2 =	vld [tilespmem:s1+$0x438]  }
0x45: {  	v7 =	vld [tilespmem:s1+$0x50]  }
0x46: {  	v8 =	vld [tilespmem:s1+$0x40]  }
0x47: {  	v9 =	vld [tilespmem:s1+$0x30]  }
0x48: {  	v10 =	vld [tilespmem:s1+$0x20]  }
0x49: {  	v11 =	vld [tilespmem:s1+$0x10]  }
0x4a: {  	v3 =	vld [tilespmem:s1+$0x420]  }
0x4b: {  	v12 =	vld [tilespmem:s1+$0x410]  }
0x4c: {  	v13 =	vld [tilespmem:s1+$0x400]  }
0x4d: {  	v4 =	vld [tilespmem:s1+$0x430]  }
0x4e: {  	v14 =	vld [tilespmem:s1+$0x70]  }
0x4f: {  	[tilespmem:v5+s2+$0x0] =	vst.idx.add.s32.msk $0xffff, v1;
	_ =	sdelay $0x1  }
0x50: {  	[tilespmem:v11+s2+$0x0] =	vst.idx.add.s32.msk $0xffff, v1  }
0x51: {  	[tilespmem:v10+s2+$0x0] =	vst.idx.add.s32.msk $0xffff, v1  }
0x52: {  	[tilespmem:v9+s2+$0x0] =	vst.idx.add.s32.msk $0xffff, v1  }
0x53: {  	[tilespmem:v8+s2+$0x0] =	vst.idx.add.s32.msk $0xffff, v1  }
.Ltmp1:
0x54: {  	[tilespmem:v7+s2+$0x0] =	vst.idx.add.s32.msk $0xffff, v1;
	(pc) =	sbr.rel @p0 .LBB2_4-.Ltmp1, $4  }
0x55: {  	[tilespmem:v6+s2+$0x0] =	vst.idx.add.s32.msk $0xffff, v1  }
0x56: {  	[tilespmem:v14+s2+$0x0] =	vst.idx.add.s32.msk $0xffff, v1  }
0x57: {  	[tilespmem:v13+s2+$0x0] =	vst.idx.add.s32.msk $0xffff, v1  }
0x58: {  	s30 =	sadd.s32 $0x80, s30;
	s31 =	smov.u32 s25;
	[tilespmem:v12+s2+$0x0] =	vst.idx.add.s32.msk $0xffff, v1  }
0x59: {  	_ =	sdelay $0x3  }
0x5a: {  	[tilespmem:v3+s2+$0x0] =	vst.idx.add.s32.msk $0xffff, v1  }
0x5b: {  	[tilespmem:v4+s2+$0x0] =	vst.idx.add.s32.msk $0xffff, v1  }
0x5c: {  	s0 =	simm.s32 $0x0;
	[tilespmem:v2+s2+$0x0] =	vst.idx.add.s32.msk vm0, v1  }
0x5d: {  	[tilespmem:s21], [sflag:$0x1] =	stream.linear.gather [hbm4b:s5+s0], $0x2000, $0x38;
	[tilespmem:$0x1C700] =	vst v63  }
0x5e: {  	_ =	swait.ge [sflag:s24], $0x2000  }
0x5f: {  	s1 =	sand.u32 $0x1800, s0;
	s0 =	sand.u32 $0x380, s0;
	[sflag:s24] =	ssyncset.done $0x0  }
0x60: {  	s0 =	sor.u32 s0, s1;
	[sflag:s24] =	ssyncadd.s32 $0xFFFFE000  }
0x61: {  	s1 =	sadd.s32 $0x1A700, s0;
	v5 =	vld [tilespmem:s0+$0x1A700]  }
0x62: {  	v6 =	vld [tilespmem:s1+$0x60]  }
0x63: {  	v2 =	vld [tilespmem:s1+$0x438]  }
0x64: {  	v7 =	vld [tilespmem:s1+$0x50]  }
0x65: {  	v8 =	vld [tilespmem:s1+$0x40]  }
0x66: {  	v9 =	vld [tilespmem:s1+$0x30]  }
0x67: {  	v10 =	vld [tilespmem:s1+$0x10]  }
0x68: {  	v11 =	vld [tilespmem:s1+$0x20]  }
0x69: {  	v3 =	vld [tilespmem:s1+$0x420]  }
0x6a: {  	v12 =	vld [tilespmem:s1+$0x410]  }
0x6b: {  	v13 =	vld [tilespmem:s1+$0x400]  }
0x6c: {  	v4 =	vld [tilespmem:s1+$0x430]  }
0x6d: {  	v14 =	vld [tilespmem:s1+$0x70]  }
0x6e: {  	[tilespmem:v5+s2+$0x0] =	vst.idx.add.s32.msk $0xffff, v1  }
0x6f: {  	[tilespmem:v10+s2+$0x0] =	vst.idx.add.s32.msk $0xffff, v1  }
0x70: {  	[tilespmem:v11+s2+$0x0] =	vst.idx.add.s32.msk $0xffff, v1  }
0x71: {  	[tilespmem:v9+s2+$0x0] =	vst.idx.add.s32.msk $0xffff, v1  }
0x72: {  	[tilespmem:v8+s2+$0x0] =	vst.idx.add.s32.msk $0xffff, v1  }
0x73: {  	[tilespmem:v7+s2+$0x0] =	vst.idx.add.s32.msk $0xffff, v1  }
0x74: {  	[tilespmem:v6+s2+$0x0] =	vst.idx.add.s32.msk $0xffff, v1  }
0x75: {  	[tilespmem:v14+s2+$0x0] =	vst.idx.add.s32.msk $0xffff, v1  }
0x76: {  	[tilespmem:v13+s2+$0x0] =	vst.idx.add.s32.msk $0xffff, v1  }
0x77: {  	s31 =	simm.s32 $0x100;
	s30 =	simm.s32 $0x80;
	[tilespmem:v12+s2+$0x0] =	vst.idx.add.s32.msk $0xffff, v1  }
.LBB2_6:
0x78: {  	s25 =	smov.u32 s31  }
0x79: {  	s0 =	sand.u32 $0x1800, s31;
	s1 =	sand.u32 $0x380, s30;
	[tilespmem:v3+s2+$0x0] =	vst.idx.add.s32.msk $0xffff, v1;
	s25 =	sadd.s32 $0x100, s31  }
0x7a: {  	p0 =	sne.s32 s31, $0x1F00;
	s0 =	sor.u32 s1, s0;
	[tilespmem:v4+s2+$0x0] =	vst.idx.add.s32.msk $0xffff, v1  }
0x7b: {  	s1 =	sadd.s32 $0x1A700, s0;
	[tilespmem:v2+s2+$0x0] =	vst.idx.add.s32.msk vm0, v1  }
0x7c: {  	v5 =	vld [tilespmem:s0+$0x1A700]  }
0x7d: {  	v6 =	vld [tilespmem:s1+$0x60]  }
0x7e: {  	v2 =	vld [tilespmem:s1+$0x438]  }
0x7f: {  	v7 =	vld [tilespmem:s1+$0x50]  }
0x80: {  	v8 =	vld [tilespmem:s1+$0x40]  }
0x81: {  	v9 =	vld [tilespmem:s1+$0x30]  }
0x82: {  	v10 =	vld [tilespmem:s1+$0x20]  }
0x83: {  	v11 =	vld [tilespmem:s1+$0x10]  }
0x84: {  	v3 =	vld [tilespmem:s1+$0x420]  }
0x85: {  	v12 =	vld [tilespmem:s1+$0x410]  }
0x86: {  	v13 =	vld [tilespmem:s1+$0x400]  }
0x87: {  	v4 =	vld [tilespmem:s1+$0x430]  }
0x88: {  	v14 =	vld [tilespmem:s1+$0x70]  }
0x89: {  	[tilespmem:v5+s2+$0x0] =	vst.idx.add.s32.msk $0xffff, v1;
	_ =	sdelay $0x1  }
0x8a: {  	[tilespmem:v11+s2+$0x0] =	vst.idx.add.s32.msk $0xffff, v1  }
0x8b: {  	[tilespmem:v10+s2+$0x0] =	vst.idx.add.s32.msk $0xffff, v1  }
0x8c: {  	[tilespmem:v9+s2+$0x0] =	vst.idx.add.s32.msk $0xffff, v1  }
0x8d: {  	[tilespmem:v8+s2+$0x0] =	vst.idx.add.s32.msk $0xffff, v1  }
.Ltmp2:
0x8e: {  	[tilespmem:v7+s2+$0x0] =	vst.idx.add.s32.msk $0xffff, v1;
	(pc) =	sbr.rel @p0 .LBB2_6-.Ltmp2, $4  }
0x8f: {  	[tilespmem:v6+s2+$0x0] =	vst.idx.add.s32.msk $0xffff, v1  }
0x90: {  	[tilespmem:v14+s2+$0x0] =	vst.idx.add.s32.msk $0xffff, v1  }
0x91: {  	[tilespmem:v13+s2+$0x0] =	vst.idx.add.s32.msk $0xffff, v1  }
0x92: {  	s30 =	sadd.s32 $0x80, s30;
	s31 =	smov.u32 s25;
	[tilespmem:v12+s2+$0x0] =	vst.idx.add.s32.msk $0xffff, v1  }
0x93: {  	_ =	sdelay $0x3  }
0x94: {  	[tilespmem:v3+s2+$0x0] =	vst.idx.add.s32.msk $0xffff, v1  }
0x95: {  	[tilespmem:v4+s2+$0x0] =	vst.idx.add.s32.msk $0xffff, v1  }
0x96: {  	s0 =	simm.s32 $0x0;
	[tilespmem:v2+s2+$0x0] =	vst.idx.add.s32.msk vm0, v1  }
0x97: {  	[tilespmem:s22], [sflag:$0x2] =	stream.linear.gather [hbm4b:s6+s0], $0x2000, $0x38;
	[tilespmem:$0x1C700] =	vst v63  }
0x98: {  	_ =	swait.ge [sflag:s23], $0x2000  }
0x99: {  	s1 =	sand.u32 $0x1800, s0;
	s0 =	sand.u32 $0x380, s0;
	[sflag:s23] =	ssyncset.done $0x0  }
0x9a: {  	s0 =	sor.u32 s0, s1;
	[sflag:s23] =	ssyncadd.s32 $0xFFFFE000  }
0x9b: {  	s1 =	sadd.s32 $0x18700, s0;
	v5 =	vld [tilespmem:s0+$0x18700]  }
0x9c: {  	v6 =	vld [tilespmem:s1+$0x60]  }
0x9d: {  	v2 =	vld [tilespmem:s1+$0x438]  }
0x9e: {  	v7 =	vld [tilespmem:s1+$0x50]  }
0x9f: {  	v8 =	vld [tilespmem:s1+$0x40]  }
0xa0: {  	v9 =	vld [tilespmem:s1+$0x30]  }
0xa1: {  	v10 =	vld [tilespmem:s1+$0x10]  }
0xa2: {  	v11 =	vld [tilespmem:s1+$0x20]  }
0xa3: {  	v3 =	vld [tilespmem:s1+$0x420]  }
0xa4: {  	v12 =	vld [tilespmem:s1+$0x410]  }
0xa5: {  	v13 =	vld [tilespmem:s1+$0x400]  }
0xa6: {  	v4 =	vld [tilespmem:s1+$0x430]  }
0xa7: {  	v14 =	vld [tilespmem:s1+$0x70]  }
0xa8: {  	[tilespmem:v5+s2+$0x0] =	vst.idx.add.s32.msk $0xffff, v1  }
0xa9: {  	[tilespmem:v10+s2+$0x0] =	vst.idx.add.s32.msk $0xffff, v1  }
0xaa: {  	[tilespmem:v11+s2+$0x0] =	vst.idx.add.s32.msk $0xffff, v1  }
0xab: {  	[tilespmem:v9+s2+$0x0] =	vst.idx.add.s32.msk $0xffff, v1  }
0xac: {  	[tilespmem:v8+s2+$0x0] =	vst.idx.add.s32.msk $0xffff, v1  }
0xad: {  	[tilespmem:v7+s2+$0x0] =	vst.idx.add.s32.msk $0xffff, v1  }
0xae: {  	[tilespmem:v6+s2+$0x0] =	vst.idx.add.s32.msk $0xffff, v1  }
0xaf: {  	[tilespmem:v14+s2+$0x0] =	vst.idx.add.s32.msk $0xffff, v1  }
0xb0: {  	[tilespmem:v13+s2+$0x0] =	vst.idx.add.s32.msk $0xffff, v1  }
0xb1: {  	s31 =	simm.s32 $0x100;
	s30 =	simm.s32 $0x80;
	[tilespmem:v12+s2+$0x0] =	vst.idx.add.s32.msk $0xffff, v1  }
.LBB2_8:
0xb2: {  	s25 =	smov.u32 s31  }
0xb3: {  	s0 =	sand.u32 $0x1800, s31;
	s1 =	sand.u32 $0x380, s30;
	[tilespmem:v3+s2+$0x0] =	vst.idx.add.s32.msk $0xffff, v1;
	s25 =	sadd.s32 $0x100, s31  }
0xb4: {  	p0 =	sne.s32 s31, $0x1F00;
	s0 =	sor.u32 s1, s0;
	[tilespmem:v4+s2+$0x0] =	vst.idx.add.s32.msk $0xffff, v1  }
0xb5: {  	s1 =	sadd.s32 $0x18700, s0;
	[tilespmem:v2+s2+$0x0] =	vst.idx.add.s32.msk vm0, v1  }
0xb6: {  	v5 =	vld [tilespmem:s0+$0x18700]  }
0xb7: {  	v6 =	vld [tilespmem:s1+$0x60]  }
0xb8: {  	v2 =	vld [tilespmem:s1+$0x438]  }
0xb9: {  	v7 =	vld [tilespmem:s1+$0x50]  }
0xba: {  	v8 =	vld [tilespmem:s1+$0x40]  }
0xbb: {  	v9 =	vld [tilespmem:s1+$0x30]  }
0xbc: {  	v10 =	vld [tilespmem:s1+$0x20]  }
0xbd: {  	v11 =	vld [tilespmem:s1+$0x10]  }
0xbe: {  	v3 =	vld [tilespmem:s1+$0x420]  }
0xbf: {  	v12 =	vld [tilespmem:s1+$0x410]  }
0xc0: {  	v13 =	vld [tilespmem:s1+$0x400]  }
0xc1: {  	v4 =	vld [tilespmem:s1+$0x430]  }
0xc2: {  	v14 =	vld [tilespmem:s1+$0x70]  }
0xc3: {  	[tilespmem:v5+s2+$0x0] =	vst.idx.add.s32.msk $0xffff, v1;
	_ =	sdelay $0x1  }
0xc4: {  	[tilespmem:v11+s2+$0x0] =	vst.idx.add.s32.msk $0xffff, v1  }
0xc5: {  	[tilespmem:v10+s2+$0x0] =	vst.idx.add.s32.msk $0xffff, v1  }
0xc6: {  	[tilespmem:v9+s2+$0x0] =	vst.idx.add.s32.msk $0xffff, v1  }
0xc7: {  	[tilespmem:v8+s2+$0x0] =	vst.idx.add.s32.msk $0xffff, v1  }
.Ltmp3:
0xc8: {  	[tilespmem:v7+s2+$0x0] =	vst.idx.add.s32.msk $0xffff, v1;
	(pc) =	sbr.rel @p0 .LBB2_8-.Ltmp3, $4  }
0xc9: {  	[tilespmem:v6+s2+$0x0] =	vst.idx.add.s32.msk $0xffff, v1  }
0xca: {  	[tilespmem:v14+s2+$0x0] =	vst.idx.add.s32.msk $0xffff, v1  }
0xcb: {  	[tilespmem:v13+s2+$0x0] =	vst.idx.add.s32.msk $0xffff, v1  }
0xcc: {  	s30 =	sadd.s32 $0x80, s30;
	s31 =	smov.u32 s25;
	[tilespmem:v12+s2+$0x0] =	vst.idx.add.s32.msk $0xffff, v1  }
0xcd: {  	_ =	sdelay $0x3  }
0xce: {  	[tilespmem:v3+s2+$0x0] =	vst.idx.add.s32.msk $0xffff, v1  }
0xcf: {  	[tilespmem:v4+s2+$0x0] =	vst.idx.add.s32.msk $0xffff, v1  }
0xd0: {  	s0 =	simm.s32 $0x0;
	[tilespmem:v2+s2+$0x0] =	vst.idx.add.s32.msk vm0, v1  }
0xd1: {  	[tilespmem:s21], [sflag:$0x1] =	stream.linear.gather [hbm4b:s7+s0], $0x2000, $0x38;
	[tilespmem:$0x1C700] =	vst v63  }
0xd2: {  	_ =	swait.ge [sflag:s24], $0x2000  }
0xd3: {  	s1 =	sand.u32 $0x1800, s0;
	s0 =	sand.u32 $0x380, s0;
	[sflag:s24] =	ssyncset.done $0x0  }
0xd4: {  	s0 =	sor.u32 s0, s1;
	[sflag:s24] =	ssyncadd.s32 $0xFFFFE000  }
0xd5: {  	s1 =	sadd.s32 $0x1A700, s0;
	v5 =	vld [tilespmem:s0+$0x1A700]  }
0xd6: {  	v6 =	vld [tilespmem:s1+$0x60]  }
0xd7: {  	v2 =	vld [tilespmem:s1+$0x438]  }
0xd8: {  	v7 =	vld [tilespmem:s1+$0x50]  }
0xd9: {  	v8 =	vld [tilespmem:s1+$0x40]  }
0xda: {  	v9 =	vld [tilespmem:s1+$0x30]  }
0xdb: {  	v10 =	vld [tilespmem:s1+$0x10]  }
0xdc: {  	v11 =	vld [tilespmem:s1+$0x20]  }
0xdd: {  	v3 =	vld [tilespmem:s1+$0x420]  }
0xde: {  	v12 =	vld [tilespmem:s1+$0x410]  }
0xdf: {  	v13 =	vld [tilespmem:s1+$0x400]  }
0xe0: {  	v4 =	vld [tilespmem:s1+$0x430]  }
0xe1: {  	v14 =	vld [tilespmem:s1+$0x70]  }
0xe2: {  	[tilespmem:v5+s2+$0x0] =	vst.idx.add.s32.msk $0xffff, v1  }
0xe3: {  	[tilespmem:v10+s2+$0x0] =	vst.idx.add.s32.msk $0xffff, v1  }
0xe4: {  	[tilespmem:v11+s2+$0x0] =	vst.idx.add.s32.msk $0xffff, v1  }
0xe5: {  	[tilespmem:v9+s2+$0x0] =	vst.idx.add.s32.msk $0xffff, v1  }
0xe6: {  	[tilespmem:v8+s2+$0x0] =	vst.idx.add.s32.msk $0xffff, v1  }
0xe7: {  	[tilespmem:v7+s2+$0x0] =	vst.idx.add.s32.msk $0xffff, v1  }
0xe8: {  	[tilespmem:v6+s2+$0x0] =	vst.idx.add.s32.msk $0xffff, v1  }
0xe9: {  	[tilespmem:v14+s2+$0x0] =	vst.idx.add.s32.msk $0xffff, v1  }
0xea: {  	[tilespmem:v13+s2+$0x0] =	vst.idx.add.s32.msk $0xffff, v1  }
0xeb: {  	s31 =	simm.s32 $0x100;
	s30 =	simm.s32 $0x80;
	[tilespmem:v12+s2+$0x0] =	vst.idx.add.s32.msk $0xffff, v1  }
.LBB2_10:
0xec: {  	s25 =	smov.u32 s31  }
0xed: {  	s0 =	sand.u32 $0x1800, s31;
	s1 =	sand.u32 $0x380, s30;
	[tilespmem:v3+s2+$0x0] =	vst.idx.add.s32.msk $0xffff, v1;
	s25 =	sadd.s32 $0x100, s31  }
0xee: {  	p0 =	sne.s32 s31, $0x1F00;
	s0 =	sor.u32 s1, s0;
	[tilespmem:v4+s2+$0x0] =	vst.idx.add.s32.msk $0xffff, v1  }
0xef: {  	s1 =	sadd.s32 $0x1A700, s0;
	[tilespmem:v2+s2+$0x0] =	vst.idx.add.s32.msk vm0, v1  }
0xf0: {  	v5 =	vld [tilespmem:s0+$0x1A700]  }
0xf1: {  	v6 =	vld [tilespmem:s1+$0x60]  }
0xf2: {  	v2 =	vld [tilespmem:s1+$0x438]  }
0xf3: {  	v7 =	vld [tilespmem:s1+$0x50]  }
0xf4: {  	v8 =	vld [tilespmem:s1+$0x40]  }
0xf5: {  	v9 =	vld [tilespmem:s1+$0x30]  }
0xf6: {  	v10 =	vld [tilespmem:s1+$0x20]  }
0xf7: {  	v11 =	vld [tilespmem:s1+$0x10]  }
0xf8: {  	v3 =	vld [tilespmem:s1+$0x420]  }
0xf9: {  	v12 =	vld [tilespmem:s1+$0x410]  }
0xfa: {  	v13 =	vld [tilespmem:s1+$0x400]  }
0xfb: {  	v4 =	vld [tilespmem:s1+$0x430]  }
0xfc: {  	v14 =	vld [tilespmem:s1+$0x70]  }
0xfd: {  	[tilespmem:v5+s2+$0x0] =	vst.idx.add.s32.msk $0xffff, v1;
	_ =	sdelay $0x1  }
0xfe: {  	[tilespmem:v11+s2+$0x0] =	vst.idx.add.s32.msk $0xffff, v1  }
0xff: {  	[tilespmem:v10+s2+$0x0] =	vst.idx.add.s32.msk $0xffff, v1  }
0x100: {  	[tilespmem:v9+s2+$0x0] =	vst.idx.add.s32.msk $0xffff, v1  }
0x101: {  	[tilespmem:v8+s2+$0x0] =	vst.idx.add.s32.msk $0xffff, v1  }
.Ltmp4:
0x102: {  	[tilespmem:v7+s2+$0x0] =	vst.idx.add.s32.msk $0xffff, v1;
	(pc) =	sbr.rel @p0 .LBB2_10-.Ltmp4, $4  }
0x103: {  	[tilespmem:v6+s2+$0x0] =	vst.idx.add.s32.msk $0xffff, v1  }
0x104: {  	[tilespmem:v14+s2+$0x0] =	vst.idx.add.s32.msk $0xffff, v1  }
0x105: {  	[tilespmem:v13+s2+$0x0] =	vst.idx.add.s32.msk $0xffff, v1  }
0x106: {  	s30 =	sadd.s32 $0x80, s30;
	s31 =	smov.u32 s25;
	[tilespmem:v12+s2+$0x0] =	vst.idx.add.s32.msk $0xffff, v1  }
0x107: {  	_ =	sdelay $0x3  }
0x108: {  	[tilespmem:v3+s2+$0x0] =	vst.idx.add.s32.msk $0xffff, v1  }
0x109: {  	[tilespmem:v4+s2+$0x0] =	vst.idx.add.s32.msk $0xffff, v1  }
0x10a: {  	s0 =	simm.s32 $0x0;
	[tilespmem:v2+s2+$0x0] =	vst.idx.add.s32.msk vm0, v1  }
0x10b: {  	[tilespmem:s22], [sflag:$0x2] =	stream.linear.gather [hbm4b:s8+s0], $0x2000, $0x38;
	[tilespmem:$0x1C700] =	vst v63  }
0x10c: {  	_ =	swait.ge [sflag:s23], $0x2000  }
0x10d: {  	s1 =	sand.u32 $0x1800, s0;
	s0 =	sand.u32 $0x380, s0;
	[sflag:s23] =	ssyncset.done $0x0  }
0x10e: {  	s0 =	sor.u32 s0, s1;
	[sflag:s23] =	ssyncadd.s32 $0xFFFFE000  }
0x10f: {  	s1 =	sadd.s32 $0x18700, s0;
	v5 =	vld [tilespmem:s0+$0x18700]  }
0x110: {  	v6 =	vld [tilespmem:s1+$0x60]  }
0x111: {  	v2 =	vld [tilespmem:s1+$0x438]  }
0x112: {  	v7 =	vld [tilespmem:s1+$0x50]  }
0x113: {  	v8 =	vld [tilespmem:s1+$0x40]  }
0x114: {  	v9 =	vld [tilespmem:s1+$0x30]  }
0x115: {  	v10 =	vld [tilespmem:s1+$0x10]  }
0x116: {  	v11 =	vld [tilespmem:s1+$0x20]  }
0x117: {  	v3 =	vld [tilespmem:s1+$0x420]  }
0x118: {  	v12 =	vld [tilespmem:s1+$0x410]  }
0x119: {  	v13 =	vld [tilespmem:s1+$0x400]  }
0x11a: {  	v4 =	vld [tilespmem:s1+$0x430]  }
0x11b: {  	v14 =	vld [tilespmem:s1+$0x70]  }
0x11c: {  	[tilespmem:v5+s2+$0x0] =	vst.idx.add.s32.msk $0xffff, v1  }
0x11d: {  	[tilespmem:v10+s2+$0x0] =	vst.idx.add.s32.msk $0xffff, v1  }
0x11e: {  	[tilespmem:v11+s2+$0x0] =	vst.idx.add.s32.msk $0xffff, v1  }
0x11f: {  	[tilespmem:v9+s2+$0x0] =	vst.idx.add.s32.msk $0xffff, v1  }
0x120: {  	[tilespmem:v8+s2+$0x0] =	vst.idx.add.s32.msk $0xffff, v1  }
0x121: {  	[tilespmem:v7+s2+$0x0] =	vst.idx.add.s32.msk $0xffff, v1  }
0x122: {  	[tilespmem:v6+s2+$0x0] =	vst.idx.add.s32.msk $0xffff, v1  }
0x123: {  	[tilespmem:v14+s2+$0x0] =	vst.idx.add.s32.msk $0xffff, v1  }
0x124: {  	[tilespmem:v13+s2+$0x0] =	vst.idx.add.s32.msk $0xffff, v1  }
0x125: {  	s31 =	simm.s32 $0x100;
	s30 =	simm.s32 $0x80;
	[tilespmem:v12+s2+$0x0] =	vst.idx.add.s32.msk $0xffff, v1  }
.LBB2_12:
0x126: {  	s25 =	smov.u32 s31  }
0x127: {  	s0 =	sand.u32 $0x1800, s31;
	s1 =	sand.u32 $0x380, s30;
	[tilespmem:v3+s2+$0x0] =	vst.idx.add.s32.msk $0xffff, v1;
	s25 =	sadd.s32 $0x100, s31  }
0x128: {  	p0 =	sne.s32 s31, $0x1F00;
	s0 =	sor.u32 s1, s0;
	[tilespmem:v4+s2+$0x0] =	vst.idx.add.s32.msk $0xffff, v1  }
0x129: {  	s1 =	sadd.s32 $0x18700, s0;
	[tilespmem:v2+s2+$0x0] =	vst.idx.add.s32.msk vm0, v1  }
0x12a: {  	v5 =	vld [tilespmem:s0+$0x18700]  }
0x12b: {  	v6 =	vld [tilespmem:s1+$0x60]  }
0x12c: {  	v2 =	vld [tilespmem:s1+$0x438]  }
0x12d: {  	v7 =	vld [tilespmem:s1+$0x50]  }
0x12e: {  	v8 =	vld [tilespmem:s1+$0x40]  }
0x12f: {  	v9 =	vld [tilespmem:s1+$0x30]  }
0x130: {  	v10 =	vld [tilespmem:s1+$0x20]  }
0x131: {  	v11 =	vld [tilespmem:s1+$0x10]  }
0x132: {  	v3 =	vld [tilespmem:s1+$0x420]  }
0x133: {  	v12 =	vld [tilespmem:s1+$0x410]  }
0x134: {  	v13 =	vld [tilespmem:s1+$0x400]  }
0x135: {  	v4 =	vld [tilespmem:s1+$0x430]  }
0x136: {  	v14 =	vld [tilespmem:s1+$0x70]  }
0x137: {  	[tilespmem:v5+s2+$0x0] =	vst.idx.add.s32.msk $0xffff, v1;
	_ =	sdelay $0x1  }
0x138: {  	[tilespmem:v11+s2+$0x0] =	vst.idx.add.s32.msk $0xffff, v1  }
0x139: {  	[tilespmem:v10+s2+$0x0] =	vst.idx.add.s32.msk $0xffff, v1  }
0x13a: {  	[tilespmem:v9+s2+$0x0] =	vst.idx.add.s32.msk $0xffff, v1  }
0x13b: {  	[tilespmem:v8+s2+$0x0] =	vst.idx.add.s32.msk $0xffff, v1  }
.Ltmp5:
0x13c: {  	[tilespmem:v7+s2+$0x0] =	vst.idx.add.s32.msk $0xffff, v1;
	(pc) =	sbr.rel @p0 .LBB2_12-.Ltmp5, $4  }
0x13d: {  	[tilespmem:v6+s2+$0x0] =	vst.idx.add.s32.msk $0xffff, v1  }
0x13e: {  	[tilespmem:v14+s2+$0x0] =	vst.idx.add.s32.msk $0xffff, v1  }
0x13f: {  	[tilespmem:v13+s2+$0x0] =	vst.idx.add.s32.msk $0xffff, v1  }
0x140: {  	s30 =	sadd.s32 $0x80, s30;
	s31 =	smov.u32 s25;
	[tilespmem:v12+s2+$0x0] =	vst.idx.add.s32.msk $0xffff, v1  }
0x141: {  	_ =	sdelay $0x3  }
0x142: {  	[tilespmem:v3+s2+$0x0] =	vst.idx.add.s32.msk $0xffff, v1  }
0x143: {  	[tilespmem:v4+s2+$0x0] =	vst.idx.add.s32.msk $0xffff, v1  }
0x144: {  	s0 =	simm.s32 $0x0;
	[tilespmem:v2+s2+$0x0] =	vst.idx.add.s32.msk vm0, v1  }
0x145: {  	[tilespmem:s21], [sflag:$0x1] =	stream.linear.gather [hbm4b:s9+s0], $0x2000, $0x38;
	[tilespmem:$0x1C700] =	vst v63  }
0x146: {  	_ =	swait.ge [sflag:s24], $0x2000  }
0x147: {  	s1 =	sand.u32 $0x1800, s0;
	s0 =	sand.u32 $0x380, s0;
	[sflag:s24] =	ssyncset.done $0x0  }
0x148: {  	s0 =	sor.u32 s0, s1;
	[sflag:s24] =	ssyncadd.s32 $0xFFFFE000  }
0x149: {  	s1 =	sadd.s32 $0x1A700, s0;
	v5 =	vld [tilespmem:s0+$0x1A700]  }
0x14a: {  	v6 =	vld [tilespmem:s1+$0x60]  }
0x14b: {  	v2 =	vld [tilespmem:s1+$0x438]  }
0x14c: {  	v7 =	vld [tilespmem:s1+$0x50]  }
0x14d: {  	v8 =	vld [tilespmem:s1+$0x40]  }
0x14e: {  	v9 =	vld [tilespmem:s1+$0x30]  }
0x14f: {  	v10 =	vld [tilespmem:s1+$0x10]  }
0x150: {  	v11 =	vld [tilespmem:s1+$0x20]  }
0x151: {  	v3 =	vld [tilespmem:s1+$0x420]  }
0x152: {  	v12 =	vld [tilespmem:s1+$0x410]  }
0x153: {  	v13 =	vld [tilespmem:s1+$0x400]  }
0x154: {  	v4 =	vld [tilespmem:s1+$0x430]  }
0x155: {  	v14 =	vld [tilespmem:s1+$0x70]  }
0x156: {  	[tilespmem:v5+s2+$0x0] =	vst.idx.add.s32.msk $0xffff, v1  }
0x157: {  	[tilespmem:v10+s2+$0x0] =	vst.idx.add.s32.msk $0xffff, v1  }
0x158: {  	[tilespmem:v11+s2+$0x0] =	vst.idx.add.s32.msk $0xffff, v1  }
0x159: {  	[tilespmem:v9+s2+$0x0] =	vst.idx.add.s32.msk $0xffff, v1  }
0x15a: {  	[tilespmem:v8+s2+$0x0] =	vst.idx.add.s32.msk $0xffff, v1  }
0x15b: {  	[tilespmem:v7+s2+$0x0] =	vst.idx.add.s32.msk $0xffff, v1  }
0x15c: {  	[tilespmem:v6+s2+$0x0] =	vst.idx.add.s32.msk $0xffff, v1  }
0x15d: {  	[tilespmem:v14+s2+$0x0] =	vst.idx.add.s32.msk $0xffff, v1  }
0x15e: {  	[tilespmem:v13+s2+$0x0] =	vst.idx.add.s32.msk $0xffff, v1  }
0x15f: {  	s31 =	simm.s32 $0x100;
	s30 =	simm.s32 $0x80;
	[tilespmem:v12+s2+$0x0] =	vst.idx.add.s32.msk $0xffff, v1  }
.LBB2_14:
0x160: {  	s25 =	smov.u32 s31  }
0x161: {  	s0 =	sand.u32 $0x1800, s31;
	s1 =	sand.u32 $0x380, s30;
	[tilespmem:v3+s2+$0x0] =	vst.idx.add.s32.msk $0xffff, v1;
	s25 =	sadd.s32 $0x100, s31  }
0x162: {  	p0 =	sne.s32 s31, $0x1F00;
	s0 =	sor.u32 s1, s0;
	[tilespmem:v4+s2+$0x0] =	vst.idx.add.s32.msk $0xffff, v1  }
0x163: {  	s1 =	sadd.s32 $0x1A700, s0;
	[tilespmem:v2+s2+$0x0] =	vst.idx.add.s32.msk vm0, v1  }
0x164: {  	v5 =	vld [tilespmem:s0+$0x1A700]  }
0x165: {  	v6 =	vld [tilespmem:s1+$0x60]  }
0x166: {  	v2 =	vld [tilespmem:s1+$0x438]  }
0x167: {  	v7 =	vld [tilespmem:s1+$0x50]  }
0x168: {  	v8 =	vld [tilespmem:s1+$0x40]  }
0x169: {  	v9 =	vld [tilespmem:s1+$0x30]  }
0x16a: {  	v10 =	vld [tilespmem:s1+$0x20]  }
0x16b: {  	v11 =	vld [tilespmem:s1+$0x10]  }
0x16c: {  	v3 =	vld [tilespmem:s1+$0x420]  }
0x16d: {  	v12 =	vld [tilespmem:s1+$0x410]  }
0x16e: {  	v13 =	vld [tilespmem:s1+$0x400]  }
0x16f: {  	v4 =	vld [tilespmem:s1+$0x430]  }
0x170: {  	v14 =	vld [tilespmem:s1+$0x70]  }
0x171: {  	[tilespmem:v5+s2+$0x0] =	vst.idx.add.s32.msk $0xffff, v1;
	_ =	sdelay $0x1  }
0x172: {  	[tilespmem:v11+s2+$0x0] =	vst.idx.add.s32.msk $0xffff, v1  }
0x173: {  	[tilespmem:v10+s2+$0x0] =	vst.idx.add.s32.msk $0xffff, v1  }
0x174: {  	[tilespmem:v9+s2+$0x0] =	vst.idx.add.s32.msk $0xffff, v1  }
0x175: {  	[tilespmem:v8+s2+$0x0] =	vst.idx.add.s32.msk $0xffff, v1  }
.Ltmp6:
0x176: {  	[tilespmem:v7+s2+$0x0] =	vst.idx.add.s32.msk $0xffff, v1;
	(pc) =	sbr.rel @p0 .LBB2_14-.Ltmp6, $4  }
0x177: {  	[tilespmem:v6+s2+$0x0] =	vst.idx.add.s32.msk $0xffff, v1  }
0x178: {  	[tilespmem:v14+s2+$0x0] =	vst.idx.add.s32.msk $0xffff, v1  }
0x179: {  	[tilespmem:v13+s2+$0x0] =	vst.idx.add.s32.msk $0xffff, v1  }
0x17a: {  	s30 =	sadd.s32 $0x80, s30;
	s31 =	smov.u32 s25;
	[tilespmem:v12+s2+$0x0] =	vst.idx.add.s32.msk $0xffff, v1  }
0x17b: {  	_ =	sdelay $0x3  }
0x17c: {  	[tilespmem:v3+s2+$0x0] =	vst.idx.add.s32.msk $0xffff, v1  }
0x17d: {  	[tilespmem:v4+s2+$0x0] =	vst.idx.add.s32.msk $0xffff, v1  }
0x17e: {  	s0 =	simm.s32 $0x0;
	[tilespmem:v2+s2+$0x0] =	vst.idx.add.s32.msk vm0, v1  }
0x17f: {  	[tilespmem:s22], [sflag:$0x2] =	stream.linear.gather [hbm4b:s10+s0], $0x2000, $0x38;
	[tilespmem:$0x1C700] =	vst v63  }
0x180: {  	_ =	swait.ge [sflag:s23], $0x2000  }
0x181: {  	s1 =	sand.u32 $0x1800, s0;
	s0 =	sand.u32 $0x380, s0;
	[sflag:s23] =	ssyncset.done $0x0  }
0x182: {  	s0 =	sor.u32 s0, s1;
	[sflag:s23] =	ssyncadd.s32 $0xFFFFE000  }
0x183: {  	s1 =	sadd.s32 $0x18700, s0;
	v5 =	vld [tilespmem:s0+$0x18700]  }
0x184: {  	v6 =	vld [tilespmem:s1+$0x60]  }
0x185: {  	v2 =	vld [tilespmem:s1+$0x438]  }
0x186: {  	v7 =	vld [tilespmem:s1+$0x50]  }
0x187: {  	v8 =	vld [tilespmem:s1+$0x40]  }
0x188: {  	v9 =	vld [tilespmem:s1+$0x30]  }
0x189: {  	v10 =	vld [tilespmem:s1+$0x10]  }
0x18a: {  	v11 =	vld [tilespmem:s1+$0x20]  }
0x18b: {  	v3 =	vld [tilespmem:s1+$0x420]  }
0x18c: {  	v12 =	vld [tilespmem:s1+$0x410]  }
0x18d: {  	v13 =	vld [tilespmem:s1+$0x400]  }
0x18e: {  	v4 =	vld [tilespmem:s1+$0x430]  }
0x18f: {  	v14 =	vld [tilespmem:s1+$0x70]  }
0x190: {  	[tilespmem:v5+s2+$0x0] =	vst.idx.add.s32.msk $0xffff, v1  }
0x191: {  	[tilespmem:v10+s2+$0x0] =	vst.idx.add.s32.msk $0xffff, v1  }
0x192: {  	[tilespmem:v11+s2+$0x0] =	vst.idx.add.s32.msk $0xffff, v1  }
0x193: {  	[tilespmem:v9+s2+$0x0] =	vst.idx.add.s32.msk $0xffff, v1  }
0x194: {  	[tilespmem:v8+s2+$0x0] =	vst.idx.add.s32.msk $0xffff, v1  }
0x195: {  	[tilespmem:v7+s2+$0x0] =	vst.idx.add.s32.msk $0xffff, v1  }
0x196: {  	[tilespmem:v6+s2+$0x0] =	vst.idx.add.s32.msk $0xffff, v1  }
0x197: {  	[tilespmem:v14+s2+$0x0] =	vst.idx.add.s32.msk $0xffff, v1  }
0x198: {  	[tilespmem:v13+s2+$0x0] =	vst.idx.add.s32.msk $0xffff, v1  }
0x199: {  	s31 =	simm.s32 $0x100;
	s30 =	simm.s32 $0x80;
	[tilespmem:v12+s2+$0x0] =	vst.idx.add.s32.msk $0xffff, v1  }
.LBB2_16:
0x19a: {  	s25 =	smov.u32 s31  }
0x19b: {  	s0 =	sand.u32 $0x1800, s31;
	s1 =	sand.u32 $0x380, s30;
	[tilespmem:v3+s2+$0x0] =	vst.idx.add.s32.msk $0xffff, v1;
	s25 =	sadd.s32 $0x100, s31  }
0x19c: {  	p0 =	sne.s32 s31, $0x1F00;
	s0 =	sor.u32 s1, s0;
	[tilespmem:v4+s2+$0x0] =	vst.idx.add.s32.msk $0xffff, v1  }
0x19d: {  	s1 =	sadd.s32 $0x18700, s0;
	[tilespmem:v2+s2+$0x0] =	vst.idx.add.s32.msk vm0, v1  }
0x19e: {  	v5 =	vld [tilespmem:s0+$0x18700]  }
0x19f: {  	v6 =	vld [tilespmem:s1+$0x60]  }
0x1a0: {  	v2 =	vld [tilespmem:s1+$0x438]  }
0x1a1: {  	v7 =	vld [tilespmem:s1+$0x50]  }
0x1a2: {  	v8 =	vld [tilespmem:s1+$0x40]  }
0x1a3: {  	v9 =	vld [tilespmem:s1+$0x30]  }
0x1a4: {  	v10 =	vld [tilespmem:s1+$0x20]  }
0x1a5: {  	v11 =	vld [tilespmem:s1+$0x10]  }
0x1a6: {  	v3 =	vld [tilespmem:s1+$0x420]  }
0x1a7: {  	v12 =	vld [tilespmem:s1+$0x410]  }
0x1a8: {  	v13 =	vld [tilespmem:s1+$0x400]  }
0x1a9: {  	v4 =	vld [tilespmem:s1+$0x430]  }
0x1aa: {  	v14 =	vld [tilespmem:s1+$0x70]  }
0x1ab: {  	[tilespmem:v5+s2+$0x0] =	vst.idx.add.s32.msk $0xffff, v1;
	_ =	sdelay $0x1  }
0x1ac: {  	[tilespmem:v11+s2+$0x0] =	vst.idx.add.s32.msk $0xffff, v1  }
0x1ad: {  	[tilespmem:v10+s2+$0x0] =	vst.idx.add.s32.msk $0xffff, v1  }
0x1ae: {  	[tilespmem:v9+s2+$0x0] =	vst.idx.add.s32.msk $0xffff, v1  }
0x1af: {  	[tilespmem:v8+s2+$0x0] =	vst.idx.add.s32.msk $0xffff, v1  }
.Ltmp7:
0x1b0: {  	[tilespmem:v7+s2+$0x0] =	vst.idx.add.s32.msk $0xffff, v1;
	(pc) =	sbr.rel @p0 .LBB2_16-.Ltmp7, $4  }
0x1b1: {  	[tilespmem:v6+s2+$0x0] =	vst.idx.add.s32.msk $0xffff, v1  }
0x1b2: {  	[tilespmem:v14+s2+$0x0] =	vst.idx.add.s32.msk $0xffff, v1  }
0x1b3: {  	[tilespmem:v13+s2+$0x0] =	vst.idx.add.s32.msk $0xffff, v1  }
0x1b4: {  	s30 =	sadd.s32 $0x80, s30;
	s31 =	smov.u32 s25;
	[tilespmem:v12+s2+$0x0] =	vst.idx.add.s32.msk $0xffff, v1  }
0x1b5: {  	_ =	sdelay $0x3  }
0x1b6: {  	[tilespmem:v3+s2+$0x0] =	vst.idx.add.s32.msk $0xffff, v1  }
0x1b7: {  	[tilespmem:v4+s2+$0x0] =	vst.idx.add.s32.msk $0xffff, v1  }
0x1b8: {  	s0 =	simm.s32 $0x0;
	[tilespmem:v2+s2+$0x0] =	vst.idx.add.s32.msk vm0, v1  }
0x1b9: {  	[tilespmem:s21], [sflag:$0x1] =	stream.linear.gather [hbm4b:s11+s0], $0x2000, $0x38;
	[tilespmem:$0x1C700] =	vst v63  }
0x1ba: {  	_ =	swait.ge [sflag:s24], $0x2000  }
0x1bb: {  	s1 =	sand.u32 $0x1800, s0;
	s0 =	sand.u32 $0x380, s0;
	[sflag:s24] =	ssyncset.done $0x0  }
0x1bc: {  	s0 =	sor.u32 s0, s1;
	[sflag:s24] =	ssyncadd.s32 $0xFFFFE000  }
0x1bd: {  	s1 =	sadd.s32 $0x1A700, s0;
	v5 =	vld [tilespmem:s0+$0x1A700]  }
0x1be: {  	v6 =	vld [tilespmem:s1+$0x60]  }
0x1bf: {  	v2 =	vld [tilespmem:s1+$0x438]  }
0x1c0: {  	v7 =	vld [tilespmem:s1+$0x50]  }
0x1c1: {  	v8 =	vld [tilespmem:s1+$0x40]  }
0x1c2: {  	v9 =	vld [tilespmem:s1+$0x30]  }
0x1c3: {  	v10 =	vld [tilespmem:s1+$0x10]  }
0x1c4: {  	v11 =	vld [tilespmem:s1+$0x20]  }
0x1c5: {  	v3 =	vld [tilespmem:s1+$0x420]  }
0x1c6: {  	v12 =	vld [tilespmem:s1+$0x410]  }
0x1c7: {  	v13 =	vld [tilespmem:s1+$0x400]  }
0x1c8: {  	v4 =	vld [tilespmem:s1+$0x430]  }
0x1c9: {  	v14 =	vld [tilespmem:s1+$0x70]  }
0x1ca: {  	[tilespmem:v5+s2+$0x0] =	vst.idx.add.s32.msk $0xffff, v1  }
0x1cb: {  	[tilespmem:v10+s2+$0x0] =	vst.idx.add.s32.msk $0xffff, v1  }
0x1cc: {  	[tilespmem:v11+s2+$0x0] =	vst.idx.add.s32.msk $0xffff, v1  }
0x1cd: {  	[tilespmem:v9+s2+$0x0] =	vst.idx.add.s32.msk $0xffff, v1  }
0x1ce: {  	[tilespmem:v8+s2+$0x0] =	vst.idx.add.s32.msk $0xffff, v1  }
0x1cf: {  	[tilespmem:v7+s2+$0x0] =	vst.idx.add.s32.msk $0xffff, v1  }
0x1d0: {  	[tilespmem:v6+s2+$0x0] =	vst.idx.add.s32.msk $0xffff, v1  }
0x1d1: {  	[tilespmem:v14+s2+$0x0] =	vst.idx.add.s32.msk $0xffff, v1  }
0x1d2: {  	[tilespmem:v13+s2+$0x0] =	vst.idx.add.s32.msk $0xffff, v1  }
0x1d3: {  	s31 =	simm.s32 $0x100;
	s30 =	simm.s32 $0x80;
	[tilespmem:v12+s2+$0x0] =	vst.idx.add.s32.msk $0xffff, v1  }
.LBB2_18:
0x1d4: {  	s25 =	smov.u32 s31  }
0x1d5: {  	s0 =	sand.u32 $0x1800, s31;
	s1 =	sand.u32 $0x380, s30;
	[tilespmem:v3+s2+$0x0] =	vst.idx.add.s32.msk $0xffff, v1;
	s25 =	sadd.s32 $0x100, s31  }
0x1d6: {  	p0 =	sne.s32 s31, $0x1F00;
	s0 =	sor.u32 s1, s0;
	[tilespmem:v4+s2+$0x0] =	vst.idx.add.s32.msk $0xffff, v1  }
0x1d7: {  	s1 =	sadd.s32 $0x1A700, s0;
	[tilespmem:v2+s2+$0x0] =	vst.idx.add.s32.msk vm0, v1  }
0x1d8: {  	v5 =	vld [tilespmem:s0+$0x1A700]  }
0x1d9: {  	v6 =	vld [tilespmem:s1+$0x60]  }
0x1da: {  	v2 =	vld [tilespmem:s1+$0x438]  }
0x1db: {  	v7 =	vld [tilespmem:s1+$0x50]  }
0x1dc: {  	v8 =	vld [tilespmem:s1+$0x40]  }
0x1dd: {  	v9 =	vld [tilespmem:s1+$0x30]  }
0x1de: {  	v10 =	vld [tilespmem:s1+$0x20]  }
0x1df: {  	v11 =	vld [tilespmem:s1+$0x10]  }
0x1e0: {  	v3 =	vld [tilespmem:s1+$0x420]  }
0x1e1: {  	v12 =	vld [tilespmem:s1+$0x410]  }
0x1e2: {  	v13 =	vld [tilespmem:s1+$0x400]  }
0x1e3: {  	v4 =	vld [tilespmem:s1+$0x430]  }
0x1e4: {  	v14 =	vld [tilespmem:s1+$0x70]  }
0x1e5: {  	[tilespmem:v5+s2+$0x0] =	vst.idx.add.s32.msk $0xffff, v1;
	_ =	sdelay $0x1  }
0x1e6: {  	[tilespmem:v11+s2+$0x0] =	vst.idx.add.s32.msk $0xffff, v1  }
0x1e7: {  	[tilespmem:v10+s2+$0x0] =	vst.idx.add.s32.msk $0xffff, v1  }
0x1e8: {  	[tilespmem:v9+s2+$0x0] =	vst.idx.add.s32.msk $0xffff, v1  }
0x1e9: {  	[tilespmem:v8+s2+$0x0] =	vst.idx.add.s32.msk $0xffff, v1  }
.Ltmp8:
0x1ea: {  	[tilespmem:v7+s2+$0x0] =	vst.idx.add.s32.msk $0xffff, v1;
	(pc) =	sbr.rel @p0 .LBB2_18-.Ltmp8, $4  }
0x1eb: {  	[tilespmem:v6+s2+$0x0] =	vst.idx.add.s32.msk $0xffff, v1  }
0x1ec: {  	[tilespmem:v14+s2+$0x0] =	vst.idx.add.s32.msk $0xffff, v1  }
0x1ed: {  	[tilespmem:v13+s2+$0x0] =	vst.idx.add.s32.msk $0xffff, v1  }
0x1ee: {  	s30 =	sadd.s32 $0x80, s30;
	s31 =	smov.u32 s25;
	[tilespmem:v12+s2+$0x0] =	vst.idx.add.s32.msk $0xffff, v1  }
0x1ef: {  	_ =	sdelay $0x3  }
0x1f0: {  	[tilespmem:v3+s2+$0x0] =	vst.idx.add.s32.msk $0xffff, v1  }
0x1f1: {  	[tilespmem:v4+s2+$0x0] =	vst.idx.add.s32.msk $0xffff, v1  }
0x1f2: {  	s0 =	simm.s32 $0x0;
	[tilespmem:v2+s2+$0x0] =	vst.idx.add.s32.msk vm0, v1  }
0x1f3: {  	[tilespmem:s22], [sflag:$0x2] =	stream.linear.gather [hbm4b:s12+s0], $0x2000, $0x38;
	[tilespmem:$0x1C700] =	vst v63  }
0x1f4: {  	_ =	swait.ge [sflag:s23], $0x2000  }
0x1f5: {  	s1 =	sand.u32 $0x1800, s0;
	s0 =	sand.u32 $0x380, s0;
	[sflag:s23] =	ssyncset.done $0x0  }
0x1f6: {  	s0 =	sor.u32 s0, s1;
	[sflag:s23] =	ssyncadd.s32 $0xFFFFE000  }
0x1f7: {  	s1 =	sadd.s32 $0x18700, s0;
	v5 =	vld [tilespmem:s0+$0x18700]  }
0x1f8: {  	v6 =	vld [tilespmem:s1+$0x60]  }
0x1f9: {  	v2 =	vld [tilespmem:s1+$0x438]  }
0x1fa: {  	v7 =	vld [tilespmem:s1+$0x50]  }
0x1fb: {  	v8 =	vld [tilespmem:s1+$0x40]  }
0x1fc: {  	v9 =	vld [tilespmem:s1+$0x30]  }
0x1fd: {  	v10 =	vld [tilespmem:s1+$0x10]  }
0x1fe: {  	v11 =	vld [tilespmem:s1+$0x20]  }
0x1ff: {  	v3 =	vld [tilespmem:s1+$0x420]  }
0x200: {  	v12 =	vld [tilespmem:s1+$0x410]  }
0x201: {  	v13 =	vld [tilespmem:s1+$0x400]  }
0x202: {  	v4 =	vld [tilespmem:s1+$0x430]  }
0x203: {  	v14 =	vld [tilespmem:s1+$0x70]  }
0x204: {  	[tilespmem:v5+s2+$0x0] =	vst.idx.add.s32.msk $0xffff, v1  }
0x205: {  	[tilespmem:v10+s2+$0x0] =	vst.idx.add.s32.msk $0xffff, v1  }
0x206: {  	[tilespmem:v11+s2+$0x0] =	vst.idx.add.s32.msk $0xffff, v1  }
0x207: {  	[tilespmem:v9+s2+$0x0] =	vst.idx.add.s32.msk $0xffff, v1  }
0x208: {  	[tilespmem:v8+s2+$0x0] =	vst.idx.add.s32.msk $0xffff, v1  }
0x209: {  	[tilespmem:v7+s2+$0x0] =	vst.idx.add.s32.msk $0xffff, v1  }
0x20a: {  	[tilespmem:v6+s2+$0x0] =	vst.idx.add.s32.msk $0xffff, v1  }
0x20b: {  	[tilespmem:v14+s2+$0x0] =	vst.idx.add.s32.msk $0xffff, v1  }
0x20c: {  	[tilespmem:v13+s2+$0x0] =	vst.idx.add.s32.msk $0xffff, v1  }
0x20d: {  	s31 =	simm.s32 $0x100;
	s30 =	simm.s32 $0x80;
	[tilespmem:v12+s2+$0x0] =	vst.idx.add.s32.msk $0xffff, v1  }
.LBB2_20:
0x20e: {  	s25 =	smov.u32 s31  }
0x20f: {  	s0 =	sand.u32 $0x1800, s31;
	s1 =	sand.u32 $0x380, s30;
	[tilespmem:v3+s2+$0x0] =	vst.idx.add.s32.msk $0xffff, v1;
	s25 =	sadd.s32 $0x100, s31  }
0x210: {  	p0 =	sne.s32 s31, $0x1F00;
	s0 =	sor.u32 s1, s0;
	[tilespmem:v4+s2+$0x0] =	vst.idx.add.s32.msk $0xffff, v1  }
0x211: {  	s1 =	sadd.s32 $0x18700, s0;
	[tilespmem:v2+s2+$0x0] =	vst.idx.add.s32.msk vm0, v1  }
0x212: {  	v5 =	vld [tilespmem:s0+$0x18700]  }
0x213: {  	v6 =	vld [tilespmem:s1+$0x60]  }
0x214: {  	v2 =	vld [tilespmem:s1+$0x438]  }
0x215: {  	v7 =	vld [tilespmem:s1+$0x50]  }
0x216: {  	v8 =	vld [tilespmem:s1+$0x40]  }
0x217: {  	v9 =	vld [tilespmem:s1+$0x30]  }
0x218: {  	v10 =	vld [tilespmem:s1+$0x20]  }
0x219: {  	v11 =	vld [tilespmem:s1+$0x10]  }
0x21a: {  	v3 =	vld [tilespmem:s1+$0x420]  }
0x21b: {  	v12 =	vld [tilespmem:s1+$0x410]  }
0x21c: {  	v13 =	vld [tilespmem:s1+$0x400]  }
0x21d: {  	v4 =	vld [tilespmem:s1+$0x430]  }
0x21e: {  	v14 =	vld [tilespmem:s1+$0x70]  }
0x21f: {  	[tilespmem:v5+s2+$0x0] =	vst.idx.add.s32.msk $0xffff, v1;
	_ =	sdelay $0x1  }
0x220: {  	[tilespmem:v11+s2+$0x0] =	vst.idx.add.s32.msk $0xffff, v1  }
0x221: {  	[tilespmem:v10+s2+$0x0] =	vst.idx.add.s32.msk $0xffff, v1  }
0x222: {  	[tilespmem:v9+s2+$0x0] =	vst.idx.add.s32.msk $0xffff, v1  }
0x223: {  	[tilespmem:v8+s2+$0x0] =	vst.idx.add.s32.msk $0xffff, v1  }
.Ltmp9:
0x224: {  	[tilespmem:v7+s2+$0x0] =	vst.idx.add.s32.msk $0xffff, v1;
	(pc) =	sbr.rel @p0 .LBB2_20-.Ltmp9, $4  }
0x225: {  	[tilespmem:v6+s2+$0x0] =	vst.idx.add.s32.msk $0xffff, v1  }
0x226: {  	[tilespmem:v14+s2+$0x0] =	vst.idx.add.s32.msk $0xffff, v1  }
0x227: {  	[tilespmem:v13+s2+$0x0] =	vst.idx.add.s32.msk $0xffff, v1  }
0x228: {  	s30 =	sadd.s32 $0x80, s30;
	s31 =	smov.u32 s25;
	[tilespmem:v12+s2+$0x0] =	vst.idx.add.s32.msk $0xffff, v1  }
0x229: {  	_ =	sdelay $0x3  }
0x22a: {  	[tilespmem:v3+s2+$0x0] =	vst.idx.add.s32.msk $0xffff, v1  }
0x22b: {  	[tilespmem:v4+s2+$0x0] =	vst.idx.add.s32.msk $0xffff, v1  }
0x22c: {  	s0 =	simm.s32 $0x0;
	[tilespmem:v2+s2+$0x0] =	vst.idx.add.s32.msk vm0, v1  }
0x22d: {  	[tilespmem:s21], [sflag:$0x1] =	stream.linear.gather [hbm4b:s13+s0], $0x2000, $0x38;
	[tilespmem:$0x1C700] =	vst v63  }
0x22e: {  	_ =	swait.ge [sflag:s24], $0x2000  }
0x22f: {  	s1 =	sand.u32 $0x1800, s0;
	s0 =	sand.u32 $0x380, s0;
	[sflag:s24] =	ssyncset.done $0x0  }
0x230: {  	s0 =	sor.u32 s0, s1;
	[sflag:s24] =	ssyncadd.s32 $0xFFFFE000  }
0x231: {  	s1 =	sadd.s32 $0x1A700, s0;
	v5 =	vld [tilespmem:s0+$0x1A700]  }
0x232: {  	v6 =	vld [tilespmem:s1+$0x60]  }
0x233: {  	v2 =	vld [tilespmem:s1+$0x438]  }
0x234: {  	v7 =	vld [tilespmem:s1+$0x50]  }
0x235: {  	v8 =	vld [tilespmem:s1+$0x40]  }
0x236: {  	v9 =	vld [tilespmem:s1+$0x30]  }
0x237: {  	v10 =	vld [tilespmem:s1+$0x10]  }
0x238: {  	v11 =	vld [tilespmem:s1+$0x20]  }
0x239: {  	v3 =	vld [tilespmem:s1+$0x420]  }
0x23a: {  	v12 =	vld [tilespmem:s1+$0x410]  }
0x23b: {  	v13 =	vld [tilespmem:s1+$0x400]  }
0x23c: {  	v4 =	vld [tilespmem:s1+$0x430]  }
0x23d: {  	v14 =	vld [tilespmem:s1+$0x70]  }
0x23e: {  	[tilespmem:v5+s2+$0x0] =	vst.idx.add.s32.msk $0xffff, v1  }
0x23f: {  	[tilespmem:v10+s2+$0x0] =	vst.idx.add.s32.msk $0xffff, v1  }
0x240: {  	[tilespmem:v11+s2+$0x0] =	vst.idx.add.s32.msk $0xffff, v1  }
0x241: {  	[tilespmem:v9+s2+$0x0] =	vst.idx.add.s32.msk $0xffff, v1  }
0x242: {  	[tilespmem:v8+s2+$0x0] =	vst.idx.add.s32.msk $0xffff, v1  }
0x243: {  	[tilespmem:v7+s2+$0x0] =	vst.idx.add.s32.msk $0xffff, v1  }
0x244: {  	[tilespmem:v6+s2+$0x0] =	vst.idx.add.s32.msk $0xffff, v1  }
0x245: {  	[tilespmem:v14+s2+$0x0] =	vst.idx.add.s32.msk $0xffff, v1  }
0x246: {  	[tilespmem:v13+s2+$0x0] =	vst.idx.add.s32.msk $0xffff, v1  }
0x247: {  	s31 =	simm.s32 $0x100;
	s30 =	simm.s32 $0x80;
	[tilespmem:v12+s2+$0x0] =	vst.idx.add.s32.msk $0xffff, v1  }
.LBB2_22:
0x248: {  	s25 =	smov.u32 s31  }
0x249: {  	s0 =	sand.u32 $0x1800, s31;
	s1 =	sand.u32 $0x380, s30;
	[tilespmem:v3+s2+$0x0] =	vst.idx.add.s32.msk $0xffff, v1;
	s25 =	sadd.s32 $0x100, s31  }
0x24a: {  	p0 =	sne.s32 s31, $0x1F00;
	s0 =	sor.u32 s1, s0;
	[tilespmem:v4+s2+$0x0] =	vst.idx.add.s32.msk $0xffff, v1  }
0x24b: {  	s1 =	sadd.s32 $0x1A700, s0;
	[tilespmem:v2+s2+$0x0] =	vst.idx.add.s32.msk vm0, v1  }
0x24c: {  	v5 =	vld [tilespmem:s0+$0x1A700]  }
0x24d: {  	v6 =	vld [tilespmem:s1+$0x60]  }
0x24e: {  	v2 =	vld [tilespmem:s1+$0x438]  }
0x24f: {  	v7 =	vld [tilespmem:s1+$0x50]  }
0x250: {  	v8 =	vld [tilespmem:s1+$0x40]  }
0x251: {  	v9 =	vld [tilespmem:s1+$0x30]  }
0x252: {  	v10 =	vld [tilespmem:s1+$0x20]  }
0x253: {  	v11 =	vld [tilespmem:s1+$0x10]  }
0x254: {  	v3 =	vld [tilespmem:s1+$0x420]  }
0x255: {  	v12 =	vld [tilespmem:s1+$0x410]  }
0x256: {  	v13 =	vld [tilespmem:s1+$0x400]  }
0x257: {  	v4 =	vld [tilespmem:s1+$0x430]  }
0x258: {  	v14 =	vld [tilespmem:s1+$0x70]  }
0x259: {  	[tilespmem:v5+s2+$0x0] =	vst.idx.add.s32.msk $0xffff, v1;
	_ =	sdelay $0x1  }
0x25a: {  	[tilespmem:v11+s2+$0x0] =	vst.idx.add.s32.msk $0xffff, v1  }
0x25b: {  	[tilespmem:v10+s2+$0x0] =	vst.idx.add.s32.msk $0xffff, v1  }
0x25c: {  	[tilespmem:v9+s2+$0x0] =	vst.idx.add.s32.msk $0xffff, v1  }
0x25d: {  	[tilespmem:v8+s2+$0x0] =	vst.idx.add.s32.msk $0xffff, v1  }
.Ltmp10:
0x25e: {  	[tilespmem:v7+s2+$0x0] =	vst.idx.add.s32.msk $0xffff, v1;
	(pc) =	sbr.rel @p0 .LBB2_22-.Ltmp10, $4  }
0x25f: {  	[tilespmem:v6+s2+$0x0] =	vst.idx.add.s32.msk $0xffff, v1  }
0x260: {  	[tilespmem:v14+s2+$0x0] =	vst.idx.add.s32.msk $0xffff, v1  }
0x261: {  	[tilespmem:v13+s2+$0x0] =	vst.idx.add.s32.msk $0xffff, v1  }
0x262: {  	s30 =	sadd.s32 $0x80, s30;
	s31 =	smov.u32 s25;
	[tilespmem:v12+s2+$0x0] =	vst.idx.add.s32.msk $0xffff, v1  }
0x263: {  	_ =	sdelay $0x3  }
0x264: {  	[tilespmem:v3+s2+$0x0] =	vst.idx.add.s32.msk $0xffff, v1  }
0x265: {  	[tilespmem:v4+s2+$0x0] =	vst.idx.add.s32.msk $0xffff, v1  }
0x266: {  	s0 =	simm.s32 $0x0;
	[tilespmem:v2+s2+$0x0] =	vst.idx.add.s32.msk vm0, v1  }
0x267: {  	[tilespmem:s22], [sflag:$0x2] =	stream.linear.gather [hbm4b:s14+s0], $0x2000, $0x38;
	[tilespmem:$0x1C700] =	vst v63  }
0x268: {  	_ =	swait.ge [sflag:s23], $0x2000  }
0x269: {  	s1 =	sand.u32 $0x1800, s0;
	s0 =	sand.u32 $0x380, s0;
	[sflag:s23] =	ssyncset.done $0x0  }
0x26a: {  	s0 =	sor.u32 s0, s1;
	[sflag:s23] =	ssyncadd.s32 $0xFFFFE000  }
0x26b: {  	s1 =	sadd.s32 $0x18700, s0;
	v5 =	vld [tilespmem:s0+$0x18700]  }
0x26c: {  	v6 =	vld [tilespmem:s1+$0x60]  }
0x26d: {  	v2 =	vld [tilespmem:s1+$0x438]  }
0x26e: {  	v7 =	vld [tilespmem:s1+$0x50]  }
0x26f: {  	v8 =	vld [tilespmem:s1+$0x40]  }
0x270: {  	v9 =	vld [tilespmem:s1+$0x30]  }
0x271: {  	v10 =	vld [tilespmem:s1+$0x10]  }
0x272: {  	v11 =	vld [tilespmem:s1+$0x20]  }
0x273: {  	v3 =	vld [tilespmem:s1+$0x420]  }
0x274: {  	v12 =	vld [tilespmem:s1+$0x410]  }
0x275: {  	v13 =	vld [tilespmem:s1+$0x400]  }
0x276: {  	v4 =	vld [tilespmem:s1+$0x430]  }
0x277: {  	v14 =	vld [tilespmem:s1+$0x70]  }
0x278: {  	[tilespmem:v5+s2+$0x0] =	vst.idx.add.s32.msk $0xffff, v1  }
0x279: {  	[tilespmem:v10+s2+$0x0] =	vst.idx.add.s32.msk $0xffff, v1  }
0x27a: {  	[tilespmem:v11+s2+$0x0] =	vst.idx.add.s32.msk $0xffff, v1  }
0x27b: {  	[tilespmem:v9+s2+$0x0] =	vst.idx.add.s32.msk $0xffff, v1  }
0x27c: {  	[tilespmem:v8+s2+$0x0] =	vst.idx.add.s32.msk $0xffff, v1  }
0x27d: {  	[tilespmem:v7+s2+$0x0] =	vst.idx.add.s32.msk $0xffff, v1  }
0x27e: {  	[tilespmem:v6+s2+$0x0] =	vst.idx.add.s32.msk $0xffff, v1  }
0x27f: {  	[tilespmem:v14+s2+$0x0] =	vst.idx.add.s32.msk $0xffff, v1  }
0x280: {  	[tilespmem:v13+s2+$0x0] =	vst.idx.add.s32.msk $0xffff, v1  }
0x281: {  	s31 =	simm.s32 $0x100;
	s30 =	simm.s32 $0x80;
	[tilespmem:v12+s2+$0x0] =	vst.idx.add.s32.msk $0xffff, v1  }
.LBB2_24:
0x282: {  	s25 =	smov.u32 s31  }
0x283: {  	s0 =	sand.u32 $0x1800, s31;
	s1 =	sand.u32 $0x380, s30;
	[tilespmem:v3+s2+$0x0] =	vst.idx.add.s32.msk $0xffff, v1;
	s25 =	sadd.s32 $0x100, s31  }
0x284: {  	p0 =	sne.s32 s31, $0x1F00;
	s0 =	sor.u32 s1, s0;
	[tilespmem:v4+s2+$0x0] =	vst.idx.add.s32.msk $0xffff, v1  }
0x285: {  	s1 =	sadd.s32 $0x18700, s0;
	[tilespmem:v2+s2+$0x0] =	vst.idx.add.s32.msk vm0, v1  }
0x286: {  	v5 =	vld [tilespmem:s0+$0x18700]  }
0x287: {  	v6 =	vld [tilespmem:s1+$0x60]  }
0x288: {  	v2 =	vld [tilespmem:s1+$0x438]  }
0x289: {  	v7 =	vld [tilespmem:s1+$0x50]  }
0x28a: {  	v8 =	vld [tilespmem:s1+$0x40]  }
0x28b: {  	v9 =	vld [tilespmem:s1+$0x30]  }
0x28c: {  	v10 =	vld [tilespmem:s1+$0x20]  }
0x28d: {  	v11 =	vld [tilespmem:s1+$0x10]  }
0x28e: {  	v3 =	vld [tilespmem:s1+$0x420]  }
0x28f: {  	v12 =	vld [tilespmem:s1+$0x410]  }
0x290: {  	v13 =	vld [tilespmem:s1+$0x400]  }
0x291: {  	v4 =	vld [tilespmem:s1+$0x430]  }
0x292: {  	v14 =	vld [tilespmem:s1+$0x70]  }
0x293: {  	[tilespmem:v5+s2+$0x0] =	vst.idx.add.s32.msk $0xffff, v1;
	_ =	sdelay $0x1  }
0x294: {  	[tilespmem:v11+s2+$0x0] =	vst.idx.add.s32.msk $0xffff, v1  }
0x295: {  	[tilespmem:v10+s2+$0x0] =	vst.idx.add.s32.msk $0xffff, v1  }
0x296: {  	[tilespmem:v9+s2+$0x0] =	vst.idx.add.s32.msk $0xffff, v1  }
0x297: {  	[tilespmem:v8+s2+$0x0] =	vst.idx.add.s32.msk $0xffff, v1  }
.Ltmp11:
0x298: {  	[tilespmem:v7+s2+$0x0] =	vst.idx.add.s32.msk $0xffff, v1;
	(pc) =	sbr.rel @p0 .LBB2_24-.Ltmp11, $4  }
0x299: {  	[tilespmem:v6+s2+$0x0] =	vst.idx.add.s32.msk $0xffff, v1  }
0x29a: {  	[tilespmem:v14+s2+$0x0] =	vst.idx.add.s32.msk $0xffff, v1  }
0x29b: {  	[tilespmem:v13+s2+$0x0] =	vst.idx.add.s32.msk $0xffff, v1  }
0x29c: {  	s30 =	sadd.s32 $0x80, s30;
	s31 =	smov.u32 s25;
	[tilespmem:v12+s2+$0x0] =	vst.idx.add.s32.msk $0xffff, v1  }
0x29d: {  	_ =	sdelay $0x3  }
0x29e: {  	[tilespmem:v3+s2+$0x0] =	vst.idx.add.s32.msk $0xffff, v1  }
0x29f: {  	[tilespmem:v4+s2+$0x0] =	vst.idx.add.s32.msk $0xffff, v1  }
0x2a0: {  	s0 =	simm.s32 $0x0;
	[tilespmem:v2+s2+$0x0] =	vst.idx.add.s32.msk vm0, v1  }
0x2a1: {  	[tilespmem:s21], [sflag:$0x1] =	stream.linear.gather [hbm4b:s15+s0], $0x2000, $0x38;
	[tilespmem:$0x1C700] =	vst v63  }
0x2a2: {  	_ =	swait.ge [sflag:s24], $0x2000  }
0x2a3: {  	s1 =	sand.u32 $0x1800, s0;
	s0 =	sand.u32 $0x380, s0;
	[sflag:s24] =	ssyncset.done $0x0  }
0x2a4: {  	s0 =	sor.u32 s0, s1;
	[sflag:s24] =	ssyncadd.s32 $0xFFFFE000  }
0x2a5: {  	s1 =	sadd.s32 $0x1A700, s0;
	v5 =	vld [tilespmem:s0+$0x1A700]  }
0x2a6: {  	v6 =	vld [tilespmem:s1+$0x60]  }
0x2a7: {  	v2 =	vld [tilespmem:s1+$0x438]  }
0x2a8: {  	v7 =	vld [tilespmem:s1+$0x50]  }
0x2a9: {  	v8 =	vld [tilespmem:s1+$0x40]  }
0x2aa: {  	v9 =	vld [tilespmem:s1+$0x30]  }
0x2ab: {  	v10 =	vld [tilespmem:s1+$0x10]  }
0x2ac: {  	v11 =	vld [tilespmem:s1+$0x20]  }
0x2ad: {  	v3 =	vld [tilespmem:s1+$0x420]  }
0x2ae: {  	v12 =	vld [tilespmem:s1+$0x410]  }
0x2af: {  	v13 =	vld [tilespmem:s1+$0x400]  }
0x2b0: {  	v4 =	vld [tilespmem:s1+$0x430]  }
0x2b1: {  	v14 =	vld [tilespmem:s1+$0x70]  }
0x2b2: {  	[tilespmem:v5+s2+$0x0] =	vst.idx.add.s32.msk $0xffff, v1  }
0x2b3: {  	[tilespmem:v10+s2+$0x0] =	vst.idx.add.s32.msk $0xffff, v1  }
0x2b4: {  	[tilespmem:v11+s2+$0x0] =	vst.idx.add.s32.msk $0xffff, v1  }
0x2b5: {  	[tilespmem:v9+s2+$0x0] =	vst.idx.add.s32.msk $0xffff, v1  }
0x2b6: {  	[tilespmem:v8+s2+$0x0] =	vst.idx.add.s32.msk $0xffff, v1  }
0x2b7: {  	[tilespmem:v7+s2+$0x0] =	vst.idx.add.s32.msk $0xffff, v1  }
0x2b8: {  	[tilespmem:v6+s2+$0x0] =	vst.idx.add.s32.msk $0xffff, v1  }
0x2b9: {  	[tilespmem:v14+s2+$0x0] =	vst.idx.add.s32.msk $0xffff, v1  }
0x2ba: {  	[tilespmem:v13+s2+$0x0] =	vst.idx.add.s32.msk $0xffff, v1  }
0x2bb: {  	s31 =	simm.s32 $0x100;
	s30 =	simm.s32 $0x80;
	[tilespmem:v12+s2+$0x0] =	vst.idx.add.s32.msk $0xffff, v1  }
.LBB2_26:
0x2bc: {  	s25 =	smov.u32 s31  }
0x2bd: {  	s0 =	sand.u32 $0x1800, s31;
	s1 =	sand.u32 $0x380, s30;
	[tilespmem:v3+s2+$0x0] =	vst.idx.add.s32.msk $0xffff, v1;
	s25 =	sadd.s32 $0x100, s31  }
0x2be: {  	p0 =	sne.s32 s31, $0x1F00;
	s0 =	sor.u32 s1, s0;
	[tilespmem:v4+s2+$0x0] =	vst.idx.add.s32.msk $0xffff, v1  }
0x2bf: {  	s1 =	sadd.s32 $0x1A700, s0;
	[tilespmem:v2+s2+$0x0] =	vst.idx.add.s32.msk vm0, v1  }
0x2c0: {  	v5 =	vld [tilespmem:s0+$0x1A700]  }
0x2c1: {  	v6 =	vld [tilespmem:s1+$0x60]  }
0x2c2: {  	v2 =	vld [tilespmem:s1+$0x438]  }
0x2c3: {  	v7 =	vld [tilespmem:s1+$0x50]  }
0x2c4: {  	v8 =	vld [tilespmem:s1+$0x40]  }
0x2c5: {  	v9 =	vld [tilespmem:s1+$0x30]  }
0x2c6: {  	v10 =	vld [tilespmem:s1+$0x20]  }
0x2c7: {  	v11 =	vld [tilespmem:s1+$0x10]  }
0x2c8: {  	v3 =	vld [tilespmem:s1+$0x420]  }
0x2c9: {  	v12 =	vld [tilespmem:s1+$0x410]  }
0x2ca: {  	v13 =	vld [tilespmem:s1+$0x400]  }
0x2cb: {  	v4 =	vld [tilespmem:s1+$0x430]  }
0x2cc: {  	v14 =	vld [tilespmem:s1+$0x70]  }
0x2cd: {  	[tilespmem:v5+s2+$0x0] =	vst.idx.add.s32.msk $0xffff, v1;
	_ =	sdelay $0x1  }
0x2ce: {  	[tilespmem:v11+s2+$0x0] =	vst.idx.add.s32.msk $0xffff, v1  }
0x2cf: {  	[tilespmem:v10+s2+$0x0] =	vst.idx.add.s32.msk $0xffff, v1  }
0x2d0: {  	[tilespmem:v9+s2+$0x0] =	vst.idx.add.s32.msk $0xffff, v1  }
0x2d1: {  	[tilespmem:v8+s2+$0x0] =	vst.idx.add.s32.msk $0xffff, v1  }
.Ltmp12:
0x2d2: {  	[tilespmem:v7+s2+$0x0] =	vst.idx.add.s32.msk $0xffff, v1;
	(pc) =	sbr.rel @p0 .LBB2_26-.Ltmp12, $4  }
0x2d3: {  	[tilespmem:v6+s2+$0x0] =	vst.idx.add.s32.msk $0xffff, v1  }
0x2d4: {  	[tilespmem:v14+s2+$0x0] =	vst.idx.add.s32.msk $0xffff, v1  }
0x2d5: {  	[tilespmem:v13+s2+$0x0] =	vst.idx.add.s32.msk $0xffff, v1  }
0x2d6: {  	s30 =	sadd.s32 $0x80, s30;
	s31 =	smov.u32 s25;
	[tilespmem:v12+s2+$0x0] =	vst.idx.add.s32.msk $0xffff, v1  }
0x2d7: {  	_ =	sdelay $0x3  }
0x2d8: {  	[tilespmem:v3+s2+$0x0] =	vst.idx.add.s32.msk $0xffff, v1  }
0x2d9: {  	[tilespmem:v4+s2+$0x0] =	vst.idx.add.s32.msk $0xffff, v1  }
0x2da: {  	s0 =	simm.s32 $0x0;
	[tilespmem:v2+s2+$0x0] =	vst.idx.add.s32.msk vm0, v1  }
0x2db: {  	[tilespmem:s22], [sflag:$0x2] =	stream.linear.gather [hbm4b:s16+s0], $0x2000, $0x38;
	[tilespmem:$0x1C700] =	vst v63  }
0x2dc: {  	_ =	swait.ge [sflag:s23], $0x2000  }
0x2dd: {  	s1 =	sand.u32 $0x1800, s0;
	s0 =	sand.u32 $0x380, s0;
	[sflag:s23] =	ssyncset.done $0x0  }
0x2de: {  	s0 =	sor.u32 s0, s1;
	[sflag:s23] =	ssyncadd.s32 $0xFFFFE000  }
0x2df: {  	s1 =	sadd.s32 $0x18700, s0;
	v5 =	vld [tilespmem:s0+$0x18700]  }
0x2e0: {  	v6 =	vld [tilespmem:s1+$0x60]  }
0x2e1: {  	v2 =	vld [tilespmem:s1+$0x438]  }
0x2e2: {  	v7 =	vld [tilespmem:s1+$0x50]  }
0x2e3: {  	v8 =	vld [tilespmem:s1+$0x40]  }
0x2e4: {  	v9 =	vld [tilespmem:s1+$0x30]  }
0x2e5: {  	v10 =	vld [tilespmem:s1+$0x10]  }
0x2e6: {  	v11 =	vld [tilespmem:s1+$0x20]  }
0x2e7: {  	v3 =	vld [tilespmem:s1+$0x420]  }
0x2e8: {  	v12 =	vld [tilespmem:s1+$0x410]  }
0x2e9: {  	v13 =	vld [tilespmem:s1+$0x400]  }
0x2ea: {  	v4 =	vld [tilespmem:s1+$0x430]  }
0x2eb: {  	v14 =	vld [tilespmem:s1+$0x70]  }
0x2ec: {  	[tilespmem:v5+s2+$0x0] =	vst.idx.add.s32.msk $0xffff, v1  }
0x2ed: {  	[tilespmem:v10+s2+$0x0] =	vst.idx.add.s32.msk $0xffff, v1  }
0x2ee: {  	[tilespmem:v11+s2+$0x0] =	vst.idx.add.s32.msk $0xffff, v1  }
0x2ef: {  	[tilespmem:v9+s2+$0x0] =	vst.idx.add.s32.msk $0xffff, v1  }
0x2f0: {  	[tilespmem:v8+s2+$0x0] =	vst.idx.add.s32.msk $0xffff, v1  }
0x2f1: {  	[tilespmem:v7+s2+$0x0] =	vst.idx.add.s32.msk $0xffff, v1  }
0x2f2: {  	[tilespmem:v6+s2+$0x0] =	vst.idx.add.s32.msk $0xffff, v1  }
0x2f3: {  	[tilespmem:v14+s2+$0x0] =	vst.idx.add.s32.msk $0xffff, v1  }
0x2f4: {  	[tilespmem:v13+s2+$0x0] =	vst.idx.add.s32.msk $0xffff, v1  }
0x2f5: {  	s31 =	simm.s32 $0x100;
	s30 =	simm.s32 $0x80;
	[tilespmem:v12+s2+$0x0] =	vst.idx.add.s32.msk $0xffff, v1  }
.LBB2_28:
0x2f6: {  	s25 =	smov.u32 s31  }
0x2f7: {  	s0 =	sand.u32 $0x1800, s31;
	s1 =	sand.u32 $0x380, s30;
	[tilespmem:v3+s2+$0x0] =	vst.idx.add.s32.msk $0xffff, v1;
	s25 =	sadd.s32 $0x100, s31  }
0x2f8: {  	p0 =	sne.s32 s31, $0x1F00;
	s0 =	sor.u32 s1, s0;
	[tilespmem:v4+s2+$0x0] =	vst.idx.add.s32.msk $0xffff, v1  }
0x2f9: {  	s1 =	sadd.s32 $0x18700, s0;
	[tilespmem:v2+s2+$0x0] =	vst.idx.add.s32.msk vm0, v1  }
0x2fa: {  	v5 =	vld [tilespmem:s0+$0x18700]  }
0x2fb: {  	v6 =	vld [tilespmem:s1+$0x60]  }
0x2fc: {  	v2 =	vld [tilespmem:s1+$0x438]  }
0x2fd: {  	v7 =	vld [tilespmem:s1+$0x50]  }
0x2fe: {  	v8 =	vld [tilespmem:s1+$0x40]  }
0x2ff: {  	v9 =	vld [tilespmem:s1+$0x30]  }
0x300: {  	v10 =	vld [tilespmem:s1+$0x20]  }
0x301: {  	v11 =	vld [tilespmem:s1+$0x10]  }
0x302: {  	v3 =	vld [tilespmem:s1+$0x420]  }
0x303: {  	v12 =	vld [tilespmem:s1+$0x410]  }
0x304: {  	v13 =	vld [tilespmem:s1+$0x400]  }
0x305: {  	v4 =	vld [tilespmem:s1+$0x430]  }
0x306: {  	v14 =	vld [tilespmem:s1+$0x70]  }
0x307: {  	[tilespmem:v5+s2+$0x0] =	vst.idx.add.s32.msk $0xffff, v1;
	_ =	sdelay $0x1  }
0x308: {  	[tilespmem:v11+s2+$0x0] =	vst.idx.add.s32.msk $0xffff, v1  }
0x309: {  	[tilespmem:v10+s2+$0x0] =	vst.idx.add.s32.msk $0xffff, v1  }
0x30a: {  	[tilespmem:v9+s2+$0x0] =	vst.idx.add.s32.msk $0xffff, v1  }
0x30b: {  	[tilespmem:v8+s2+$0x0] =	vst.idx.add.s32.msk $0xffff, v1  }
.Ltmp13:
0x30c: {  	[tilespmem:v7+s2+$0x0] =	vst.idx.add.s32.msk $0xffff, v1;
	(pc) =	sbr.rel @p0 .LBB2_28-.Ltmp13, $4  }
0x30d: {  	[tilespmem:v6+s2+$0x0] =	vst.idx.add.s32.msk $0xffff, v1  }
0x30e: {  	[tilespmem:v14+s2+$0x0] =	vst.idx.add.s32.msk $0xffff, v1  }
0x30f: {  	[tilespmem:v13+s2+$0x0] =	vst.idx.add.s32.msk $0xffff, v1  }
0x310: {  	s30 =	sadd.s32 $0x80, s30;
	s31 =	smov.u32 s25;
	[tilespmem:v12+s2+$0x0] =	vst.idx.add.s32.msk $0xffff, v1  }
0x311: {  	_ =	sdelay $0x3  }
0x312: {  	[tilespmem:v3+s2+$0x0] =	vst.idx.add.s32.msk $0xffff, v1  }
0x313: {  	[tilespmem:v4+s2+$0x0] =	vst.idx.add.s32.msk $0xffff, v1  }
0x314: {  	s0 =	simm.s32 $0x0;
	[tilespmem:v2+s2+$0x0] =	vst.idx.add.s32.msk vm0, v1  }
0x315: {  	[tilespmem:s21], [sflag:$0x1] =	stream.linear.gather [hbm4b:s17+s0], $0x2000, $0x38;
	[tilespmem:$0x1C700] =	vst v63  }
0x316: {  	_ =	swait.ge [sflag:s24], $0x2000  }
0x317: {  	s1 =	sand.u32 $0x1800, s0;
	s0 =	sand.u32 $0x380, s0;
	[sflag:s24] =	ssyncset.done $0x0  }
0x318: {  	s0 =	sor.u32 s0, s1;
	[sflag:s24] =	ssyncadd.s32 $0xFFFFE000  }
0x319: {  	s1 =	sadd.s32 $0x1A700, s0;
	v5 =	vld [tilespmem:s0+$0x1A700]  }
0x31a: {  	v6 =	vld [tilespmem:s1+$0x60]  }
0x31b: {  	v2 =	vld [tilespmem:s1+$0x438]  }
0x31c: {  	v7 =	vld [tilespmem:s1+$0x50]  }
0x31d: {  	v8 =	vld [tilespmem:s1+$0x40]  }
0x31e: {  	v9 =	vld [tilespmem:s1+$0x30]  }
0x31f: {  	v10 =	vld [tilespmem:s1+$0x10]  }
0x320: {  	v11 =	vld [tilespmem:s1+$0x20]  }
0x321: {  	v3 =	vld [tilespmem:s1+$0x420]  }
0x322: {  	v12 =	vld [tilespmem:s1+$0x410]  }
0x323: {  	v13 =	vld [tilespmem:s1+$0x400]  }
0x324: {  	v4 =	vld [tilespmem:s1+$0x430]  }
0x325: {  	v14 =	vld [tilespmem:s1+$0x70]  }
0x326: {  	[tilespmem:v5+s2+$0x0] =	vst.idx.add.s32.msk $0xffff, v1  }
0x327: {  	[tilespmem:v10+s2+$0x0] =	vst.idx.add.s32.msk $0xffff, v1  }
0x328: {  	[tilespmem:v11+s2+$0x0] =	vst.idx.add.s32.msk $0xffff, v1  }
0x329: {  	[tilespmem:v9+s2+$0x0] =	vst.idx.add.s32.msk $0xffff, v1  }
0x32a: {  	[tilespmem:v8+s2+$0x0] =	vst.idx.add.s32.msk $0xffff, v1  }
0x32b: {  	[tilespmem:v7+s2+$0x0] =	vst.idx.add.s32.msk $0xffff, v1  }
0x32c: {  	[tilespmem:v6+s2+$0x0] =	vst.idx.add.s32.msk $0xffff, v1  }
0x32d: {  	[tilespmem:v14+s2+$0x0] =	vst.idx.add.s32.msk $0xffff, v1  }
0x32e: {  	[tilespmem:v13+s2+$0x0] =	vst.idx.add.s32.msk $0xffff, v1  }
0x32f: {  	s31 =	simm.s32 $0x100;
	s30 =	simm.s32 $0x80;
	[tilespmem:v12+s2+$0x0] =	vst.idx.add.s32.msk $0xffff, v1  }
.LBB2_30:
0x330: {  	s25 =	smov.u32 s31  }
0x331: {  	s0 =	sand.u32 $0x1800, s31;
	s1 =	sand.u32 $0x380, s30;
	[tilespmem:v3+s2+$0x0] =	vst.idx.add.s32.msk $0xffff, v1;
	s25 =	sadd.s32 $0x100, s31  }
0x332: {  	p0 =	sne.s32 s31, $0x1F00;
	s0 =	sor.u32 s1, s0;
	[tilespmem:v4+s2+$0x0] =	vst.idx.add.s32.msk $0xffff, v1  }
0x333: {  	s1 =	sadd.s32 $0x1A700, s0;
	[tilespmem:v2+s2+$0x0] =	vst.idx.add.s32.msk vm0, v1  }
0x334: {  	v5 =	vld [tilespmem:s0+$0x1A700]  }
0x335: {  	v6 =	vld [tilespmem:s1+$0x60]  }
0x336: {  	v2 =	vld [tilespmem:s1+$0x438]  }
0x337: {  	v7 =	vld [tilespmem:s1+$0x50]  }
0x338: {  	v8 =	vld [tilespmem:s1+$0x40]  }
0x339: {  	v9 =	vld [tilespmem:s1+$0x30]  }
0x33a: {  	v10 =	vld [tilespmem:s1+$0x20]  }
0x33b: {  	v11 =	vld [tilespmem:s1+$0x10]  }
0x33c: {  	v3 =	vld [tilespmem:s1+$0x420]  }
0x33d: {  	v12 =	vld [tilespmem:s1+$0x410]  }
0x33e: {  	v13 =	vld [tilespmem:s1+$0x400]  }
0x33f: {  	v4 =	vld [tilespmem:s1+$0x430]  }
0x340: {  	v14 =	vld [tilespmem:s1+$0x70]  }
0x341: {  	[tilespmem:v5+s2+$0x0] =	vst.idx.add.s32.msk $0xffff, v1;
	_ =	sdelay $0x1  }
0x342: {  	[tilespmem:v11+s2+$0x0] =	vst.idx.add.s32.msk $0xffff, v1  }
0x343: {  	[tilespmem:v10+s2+$0x0] =	vst.idx.add.s32.msk $0xffff, v1  }
0x344: {  	[tilespmem:v9+s2+$0x0] =	vst.idx.add.s32.msk $0xffff, v1  }
0x345: {  	[tilespmem:v8+s2+$0x0] =	vst.idx.add.s32.msk $0xffff, v1  }
.Ltmp14:
0x346: {  	[tilespmem:v7+s2+$0x0] =	vst.idx.add.s32.msk $0xffff, v1;
	(pc) =	sbr.rel @p0 .LBB2_30-.Ltmp14, $4  }
0x347: {  	[tilespmem:v6+s2+$0x0] =	vst.idx.add.s32.msk $0xffff, v1  }
0x348: {  	[tilespmem:v14+s2+$0x0] =	vst.idx.add.s32.msk $0xffff, v1  }
0x349: {  	[tilespmem:v13+s2+$0x0] =	vst.idx.add.s32.msk $0xffff, v1  }
0x34a: {  	s30 =	sadd.s32 $0x80, s30;
	s31 =	smov.u32 s25;
	[tilespmem:v12+s2+$0x0] =	vst.idx.add.s32.msk $0xffff, v1  }
0x34b: {  	_ =	sdelay $0x3  }
0x34c: {  	[tilespmem:v3+s2+$0x0] =	vst.idx.add.s32.msk $0xffff, v1  }
0x34d: {  	[tilespmem:v4+s2+$0x0] =	vst.idx.add.s32.msk $0xffff, v1  }
0x34e: {  	s0 =	simm.s32 $0x0;
	[tilespmem:v2+s2+$0x0] =	vst.idx.add.s32.msk vm0, v1  }
0x34f: {  	[tilespmem:s22], [sflag:$0x2] =	stream.linear.gather [hbm4b:s18+s0], $0x2000, $0x38;
	[tilespmem:$0x1C700] =	vst v63  }
0x350: {  	_ =	swait.ge [sflag:s23], $0x2000  }
0x351: {  	s1 =	sand.u32 $0x1800, s0;
	s0 =	sand.u32 $0x380, s0;
	[sflag:s23] =	ssyncset.done $0x0  }
0x352: {  	s0 =	sor.u32 s0, s1;
	[sflag:s23] =	ssyncadd.s32 $0xFFFFE000  }
0x353: {  	s1 =	sadd.s32 $0x18700, s0;
	v5 =	vld [tilespmem:s0+$0x18700]  }
0x354: {  	v6 =	vld [tilespmem:s1+$0x60]  }
0x355: {  	v2 =	vld [tilespmem:s1+$0x438]  }
0x356: {  	v7 =	vld [tilespmem:s1+$0x50]  }
0x357: {  	v8 =	vld [tilespmem:s1+$0x40]  }
0x358: {  	v9 =	vld [tilespmem:s1+$0x30]  }
0x359: {  	v10 =	vld [tilespmem:s1+$0x10]  }
0x35a: {  	v11 =	vld [tilespmem:s1+$0x20]  }
0x35b: {  	v3 =	vld [tilespmem:s1+$0x420]  }
0x35c: {  	v12 =	vld [tilespmem:s1+$0x410]  }
0x35d: {  	v13 =	vld [tilespmem:s1+$0x400]  }
0x35e: {  	v4 =	vld [tilespmem:s1+$0x430]  }
0x35f: {  	v14 =	vld [tilespmem:s1+$0x70]  }
0x360: {  	[tilespmem:v5+s2+$0x0] =	vst.idx.add.s32.msk $0xffff, v1  }
0x361: {  	[tilespmem:v10+s2+$0x0] =	vst.idx.add.s32.msk $0xffff, v1  }
0x362: {  	[tilespmem:v11+s2+$0x0] =	vst.idx.add.s32.msk $0xffff, v1  }
0x363: {  	[tilespmem:v9+s2+$0x0] =	vst.idx.add.s32.msk $0xffff, v1  }
0x364: {  	[tilespmem:v8+s2+$0x0] =	vst.idx.add.s32.msk $0xffff, v1  }
0x365: {  	[tilespmem:v7+s2+$0x0] =	vst.idx.add.s32.msk $0xffff, v1  }
0x366: {  	[tilespmem:v6+s2+$0x0] =	vst.idx.add.s32.msk $0xffff, v1  }
0x367: {  	[tilespmem:v14+s2+$0x0] =	vst.idx.add.s32.msk $0xffff, v1  }
0x368: {  	[tilespmem:v13+s2+$0x0] =	vst.idx.add.s32.msk $0xffff, v1  }
0x369: {  	s31 =	simm.s32 $0x100;
	s30 =	simm.s32 $0x80;
	[tilespmem:v12+s2+$0x0] =	vst.idx.add.s32.msk $0xffff, v1  }
.LBB2_32:
0x36a: {  	s25 =	smov.u32 s31  }
0x36b: {  	s0 =	sand.u32 $0x1800, s31;
	s1 =	sand.u32 $0x380, s30;
	[tilespmem:v3+s2+$0x0] =	vst.idx.add.s32.msk $0xffff, v1;
	s25 =	sadd.s32 $0x100, s31  }
0x36c: {  	p0 =	sne.s32 s31, $0x1F00;
	s0 =	sor.u32 s1, s0;
	[tilespmem:v4+s2+$0x0] =	vst.idx.add.s32.msk $0xffff, v1  }
0x36d: {  	s1 =	sadd.s32 $0x18700, s0;
	[tilespmem:v2+s2+$0x0] =	vst.idx.add.s32.msk vm0, v1  }
0x36e: {  	v5 =	vld [tilespmem:s0+$0x18700]  }
0x36f: {  	v6 =	vld [tilespmem:s1+$0x60]  }
0x370: {  	v2 =	vld [tilespmem:s1+$0x438]  }
0x371: {  	v7 =	vld [tilespmem:s1+$0x50]  }
0x372: {  	v8 =	vld [tilespmem:s1+$0x40]  }
0x373: {  	v9 =	vld [tilespmem:s1+$0x30]  }
0x374: {  	v10 =	vld [tilespmem:s1+$0x20]  }
0x375: {  	v11 =	vld [tilespmem:s1+$0x10]  }
0x376: {  	v3 =	vld [tilespmem:s1+$0x420]  }
0x377: {  	v12 =	vld [tilespmem:s1+$0x410]  }
0x378: {  	v13 =	vld [tilespmem:s1+$0x400]  }
0x379: {  	v4 =	vld [tilespmem:s1+$0x430]  }
0x37a: {  	v14 =	vld [tilespmem:s1+$0x70]  }
0x37b: {  	[tilespmem:v5+s2+$0x0] =	vst.idx.add.s32.msk $0xffff, v1;
	_ =	sdelay $0x1  }
0x37c: {  	[tilespmem:v11+s2+$0x0] =	vst.idx.add.s32.msk $0xffff, v1  }
0x37d: {  	[tilespmem:v10+s2+$0x0] =	vst.idx.add.s32.msk $0xffff, v1  }
0x37e: {  	[tilespmem:v9+s2+$0x0] =	vst.idx.add.s32.msk $0xffff, v1  }
0x37f: {  	[tilespmem:v8+s2+$0x0] =	vst.idx.add.s32.msk $0xffff, v1  }
.Ltmp15:
0x380: {  	[tilespmem:v7+s2+$0x0] =	vst.idx.add.s32.msk $0xffff, v1;
	(pc) =	sbr.rel @p0 .LBB2_32-.Ltmp15, $4  }
0x381: {  	[tilespmem:v6+s2+$0x0] =	vst.idx.add.s32.msk $0xffff, v1  }
0x382: {  	[tilespmem:v14+s2+$0x0] =	vst.idx.add.s32.msk $0xffff, v1  }
0x383: {  	[tilespmem:v13+s2+$0x0] =	vst.idx.add.s32.msk $0xffff, v1  }
0x384: {  	s30 =	sadd.s32 $0x80, s30;
	s31 =	smov.u32 s25;
	[tilespmem:v12+s2+$0x0] =	vst.idx.add.s32.msk $0xffff, v1  }
0x385: {  	_ =	sdelay $0x3  }
0x386: {  	[tilespmem:v3+s2+$0x0] =	vst.idx.add.s32.msk $0xffff, v1  }
0x387: {  	[tilespmem:v4+s2+$0x0] =	vst.idx.add.s32.msk $0xffff, v1  }
0x388: {  	[tilespmem:v2+s2+$0x0] =	vst.idx.add.s32.msk vm0, v1  }
0x389: {  	s0 =	simm.s32 $0x0;
	_ =	swait.ge [sflag:s24], $0x2000  }
0x38a: {  	s1 =	sand.u32 $0x1800, s0;
	s0 =	sand.u32 $0x380, s0;
	[sflag:s24] =	ssyncset.done $0x0  }
0x38b: {  	s0 =	sor.u32 s0, s1;
	[sflag:s24] =	ssyncadd.s32 $0xFFFFE000  }
0x38c: {  	s1 =	sadd.s32 $0x1A700, s0;
	v5 =	vld [tilespmem:s0+$0x1A700]  }
0x38d: {  	v6 =	vld [tilespmem:s1+$0x60]  }
0x38e: {  	v2 =	vld [tilespmem:s1+$0x438]  }
0x38f: {  	v7 =	vld [tilespmem:s1+$0x50]  }
0x390: {  	v8 =	vld [tilespmem:s1+$0x40]  }
0x391: {  	v9 =	vld [tilespmem:s1+$0x30]  }
0x392: {  	v10 =	vld [tilespmem:s1+$0x10]  }
0x393: {  	v11 =	vld [tilespmem:s1+$0x20]  }
0x394: {  	v3 =	vld [tilespmem:s1+$0x420]  }
0x395: {  	v12 =	vld [tilespmem:s1+$0x410]  }
0x396: {  	v13 =	vld [tilespmem:s1+$0x400]  }
0x397: {  	v4 =	vld [tilespmem:s1+$0x430]  }
0x398: {  	v14 =	vld [tilespmem:s1+$0x70]  }
0x399: {  	[tilespmem:v5+s2+$0x0] =	vst.idx.add.s32.msk $0xffff, v1  }
0x39a: {  	[tilespmem:v10+s2+$0x0] =	vst.idx.add.s32.msk $0xffff, v1  }
0x39b: {  	[tilespmem:v11+s2+$0x0] =	vst.idx.add.s32.msk $0xffff, v1  }
0x39c: {  	[tilespmem:v9+s2+$0x0] =	vst.idx.add.s32.msk $0xffff, v1  }
0x39d: {  	[tilespmem:v8+s2+$0x0] =	vst.idx.add.s32.msk $0xffff, v1  }
0x39e: {  	[tilespmem:v7+s2+$0x0] =	vst.idx.add.s32.msk $0xffff, v1  }
0x39f: {  	[tilespmem:v6+s2+$0x0] =	vst.idx.add.s32.msk $0xffff, v1  }
0x3a0: {  	[tilespmem:v14+s2+$0x0] =	vst.idx.add.s32.msk $0xffff, v1  }
0x3a1: {  	[tilespmem:v13+s2+$0x0] =	vst.idx.add.s32.msk $0xffff, v1  }
0x3a2: {  	s31 =	simm.s32 $0x100;
	s30 =	simm.s32 $0x80;
	[tilespmem:v12+s2+$0x0] =	vst.idx.add.s32.msk $0xffff, v1  }
.LBB2_34:
0x3a3: {  	s25 =	smov.u32 s31  }
0x3a4: {  	s0 =	sand.u32 $0x1800, s31;
	s1 =	sand.u32 $0x380, s30;
	[tilespmem:v3+s2+$0x0] =	vst.idx.add.s32.msk $0xffff, v1;
	s25 =	sadd.s32 $0x100, s31  }
0x3a5: {  	p0 =	sne.s32 s31, $0x1F00;
	s0 =	sor.u32 s1, s0;
	[tilespmem:v4+s2+$0x0] =	vst.idx.add.s32.msk $0xffff, v1  }
0x3a6: {  	s1 =	sadd.s32 $0x1A700, s0;
	[tilespmem:v2+s2+$0x0] =	vst.idx.add.s32.msk vm0, v1  }
0x3a7: {  	v5 =	vld [tilespmem:s0+$0x1A700]  }
0x3a8: {  	v6 =	vld [tilespmem:s1+$0x60]  }
0x3a9: {  	v2 =	vld [tilespmem:s1+$0x438]  }
0x3aa: {  	v7 =	vld [tilespmem:s1+$0x50]  }
0x3ab: {  	v8 =	vld [tilespmem:s1+$0x40]  }
0x3ac: {  	v9 =	vld [tilespmem:s1+$0x30]  }
0x3ad: {  	v10 =	vld [tilespmem:s1+$0x20]  }
0x3ae: {  	v11 =	vld [tilespmem:s1+$0x10]  }
0x3af: {  	v3 =	vld [tilespmem:s1+$0x420]  }
0x3b0: {  	v12 =	vld [tilespmem:s1+$0x410]  }
0x3b1: {  	v13 =	vld [tilespmem:s1+$0x400]  }
0x3b2: {  	v4 =	vld [tilespmem:s1+$0x430]  }
0x3b3: {  	v14 =	vld [tilespmem:s1+$0x70]  }
0x3b4: {  	[tilespmem:v5+s2+$0x0] =	vst.idx.add.s32.msk $0xffff, v1;
	_ =	sdelay $0x1  }
0x3b5: {  	[tilespmem:v11+s2+$0x0] =	vst.idx.add.s32.msk $0xffff, v1  }
0x3b6: {  	[tilespmem:v10+s2+$0x0] =	vst.idx.add.s32.msk $0xffff, v1  }
0x3b7: {  	[tilespmem:v9+s2+$0x0] =	vst.idx.add.s32.msk $0xffff, v1  }
0x3b8: {  	[tilespmem:v8+s2+$0x0] =	vst.idx.add.s32.msk $0xffff, v1  }
.Ltmp16:
0x3b9: {  	[tilespmem:v7+s2+$0x0] =	vst.idx.add.s32.msk $0xffff, v1;
	(pc) =	sbr.rel @p0 .LBB2_34-.Ltmp16, $4  }
0x3ba: {  	[tilespmem:v6+s2+$0x0] =	vst.idx.add.s32.msk $0xffff, v1  }
0x3bb: {  	[tilespmem:v14+s2+$0x0] =	vst.idx.add.s32.msk $0xffff, v1  }
0x3bc: {  	[tilespmem:v13+s2+$0x0] =	vst.idx.add.s32.msk $0xffff, v1  }
0x3bd: {  	s30 =	sadd.s32 $0x80, s30;
	s31 =	smov.u32 s25;
	[tilespmem:v12+s2+$0x0] =	vst.idx.add.s32.msk $0xffff, v1  }
0x3be: {  	_ =	sdelay $0x3  }
0x3bf: {  	[tilespmem:v3+s2+$0x0] =	vst.idx.add.s32.msk $0xffff, v1;
	s29 =	sadd.s32 $0x1, s29  }
0x3c0: {  	[tilespmem:v4+s2+$0x0] =	vst.idx.add.s32.msk $0xffff, v1;
	p0 =	sne.s32 s29, s20  }
.Ltmp17:
0x3c1: {  	s0 =	simm.s32 $0x80;
	[tilespmem:v2+s2+$0x0] =	vst.idx.add.s32.msk vm0, v1;
	(pc) =	sbr.rel @p0 .LBB2_1-.Ltmp17, $4  }
0x3c2: {  	[hbm4b:s19+s0] =	stream.strided.scatter [tilespmem:s2], [sflag:$0x3], $0x18700, s26, s0, $0x38;
	[tilespmem:$0x1C700] =	vst v63  }
0x3c3: {  	_ =	swait.ge [sflag:s28], $0x18700  }
0x3c4: {  	[sflag:s28] =	ssyncset.done $0x0  }
0x3c5: {  	[sflag:s28] =	ssyncadd.s32 $0xFFFE7900  }
0x3c6: {  	_ =	sfence.sel $0x180000  }
0x3c7: {  	[bflag:$0x0] =	sbarrier.arrive $0xFFFF  }
0x3c8: {  	_ =	strace $0x90000047  }
0x3c9: {  	s0 =	stileid.u32;
	[bflag:$0x2] =	sbarrier.arrive $0xFFFF  }
0x3ca: {  	p0 =	sne.s32 s0, $0x0;
	s0 =	rddreg [dreg:$0x1]  }
0x3cb: {  	s0 =	sadd.s32 @!p0 $0x100000, s0  }
0x3cc: {  	[sflag:s0] =	ssyncadd.tile.s32 @!p0 $0x1;
	_ =	shalt  }
.Lfunc_end2:
_tile_overlayer_lowered:
.L_overlay_start_2:
0x3cd: {  	(tag) =	ssettag $0x2  }
0x3ce: {  	s0 =	rddreg [dreg:$0x0];
	s2 =	stileid.u32  }
0x3cf: {  	s1 =	rddreg [dreg:$0x1];
	p0 =	sne.s32 s2, $0x0  }
0x3d0: {  	s3 =	rddreg [dreg:$0x2];
	[bflag:$0x3] =	sbarrier.arrive $0xFFFF;
	s2 =	simm.s32 @!p0 $0x1C03  }
0x3d1: {  	[timem:s3], [sflag:s2] =	dma.local @!p0 [hbm:s0], s1  }
0x3d2: {  	s0 =	simm.s32 @!p0 $0x3  }
0x3d3: {  	_ =	swait.ge @!p0 [sflag:s0], s1  }
0x3d4: {  	s1 =	ssub.s32 @!p0 $0x0, s1;
	[sflag:s0] =	ssyncset.done @!p0 $0x0  }
0x3d5: {  	[sflag:s0] =	ssyncadd.s32 @!p0 s1  }
0x3d6: {  	[bflag:$0x3] =	sbarrier.arrive $0xFFFF  }
0x3d7: {  	_ =	shalt  }

</sc_bundles>
